<compile_context>
chip_gen: v7x
topology: tpu7x:2x2x1
jax: 0.10.2.dev20260603
libtpu: 0.0.44.dev20260713+nightly
codegen_flags: <defaults>
</compile_context>

<pallas_src>
import functools

import jax
import jax.numpy as jnp
from jax import lax
from jax.experimental import pallas as pl
from jax.experimental.pallas import tpu as pltpu
from jax.experimental.pallas import tpu_sc as plsc

NUM_ENTITIES = 1000000
D = 64
DP = 128
B = 4096
F = 100
FP = 104

NC, NS = 2, 16
NW = NC * NS
BW = B // NW


@functools.partial(
    pl.kernel,
    out_type=(
        jax.ShapeDtypeStruct((F, D, B), jnp.float32),
        jax.ShapeDtypeStruct((F, D, B), jnp.float32),
    ),
    mesh=plsc.VectorSubcoreMesh(core_axis_name="c", subcore_axis_name="s"),
    compiler_params=pltpu.CompilerParams(
        use_tc_tiling_on_sc=True, needs_layout_passes=False),
    scratch_types=[
        pltpu.VMEM((FP, BW), jnp.int32),
        pltpu.VMEM((FP, BW), jnp.int32),
        pltpu.VMEM((BW, DP), jnp.float32),
        pltpu.VMEM((BW, DP), jnp.float32),
        pltpu.VMEM((BW, DP), jnp.float32),
        pltpu.VMEM((BW, DP), jnp.float32),
        pltpu.VMEM((D, BW), jnp.float32),
        pltpu.VMEM((D, BW), jnp.float32),
        pltpu.VMEM((D, BW), jnp.float32),
        pltpu.VMEM((D, BW), jnp.float32),
        pltpu.SemaphoreType.DMA,
        pltpu.SemaphoreType.DMA,
        pltpu.SemaphoreType.DMA,
        pltpu.SemaphoreType.DMA,
    ],
)
def _bracket_gather(jrow_hbm, half_hbm, bra_hbm, ket_hbm, bra_out, ket_out,
                    jrow_v, half_v, ga0, ga1, gk0, gk1, oa0, oa1, ok0, ok1,
                    gsem0, gsem1, ssem0, ssem1):
    wid = lax.axis_index("s") * NC + lax.axis_index("c")
    b0 = wid * BW
    gbuf = ((ga0, gk0), (ga1, gk1))
    obuf = ((oa0, ok0), (oa1, ok1))
    gsem = (gsem0, gsem1)
    ssem = (ssem0, ssem1)

    pltpu.sync_copy(jrow_hbm.at[:, pl.ds(b0, BW)], jrow_v)
    pltpu.sync_copy(half_hbm.at[:, pl.ds(b0, BW)], half_v)

    lanes = lax.iota(jnp.int32, 16)

    def fire_gathers(f, s):
        pltpu.async_copy(bra_hbm.at[jrow_v.at[f]], gbuf[s][0], gsem[s])
        pltpu.async_copy(ket_hbm.at[jrow_v.at[f]], gbuf[s][1], gsem[s])

    def wait_gathers(s):
        pltpu.make_async_copy(
            bra_hbm.at[jrow_v.at[0]], gbuf[s][0], gsem[s]).wait()
        pltpu.make_async_copy(
            ket_hbm.at[jrow_v.at[0]], gbuf[s][1], gsem[s]).wait()

    def fire_stores(f, s):
        pltpu.async_copy(obuf[s][0], bra_out.at[f, :, pl.ds(b0, BW)], ssem[s])
        pltpu.async_copy(obuf[s][1], ket_out.at[f, :, pl.ds(b0, BW)], ssem[s])

    def wait_stores(s):
        pltpu.make_async_copy(
            obuf[s][0], bra_out.at[0, :, pl.ds(0, BW)], ssem[s]).wait()
        pltpu.make_async_copy(
            obuf[s][1], ket_out.at[0, :, pl.ds(0, BW)], ssem[s]).wait()

    def transpose_block(f, s):
        offs = [half_v[f, pl.ds(16 * k, 16)] for k in range(8)]
        rows = [lanes + (16 * k) for k in range(8)]
        gb, gk_ = gbuf[s]
        ob, ok_ = obuf[s]

        @plsc.parallel_loop(0, D, 1, unroll=8)
        def body(d):
            for k in range(8):
                col = offs[k] + d
                vb = plsc.load_gather(gb, [rows[k], col])
                vk = plsc.load_gather(gk_, [rows[k], col])
                ob[d, pl.ds(16 * k, 16)] = vb
                ok_[d, pl.ds(16 * k, 16)] = vk

    fire_gathers(0, 0)

    def pair(p, carry):
        for parity in range(2):
            f = p * 2 + parity
            other = 1 - parity
            wait_gathers(parity)
            @pl.when(f + 1 < F)
            def _():
                fire_gathers(f + 1, other)
            @pl.when(f >= 2)
            def _():
                wait_stores(parity)
            transpose_block(f, parity)
            fire_stores(f, parity)
        return carry

    lax.fori_loop(0, F // 2, pair, 0)
    wait_stores(0)
    wait_stores(1)


def kernel(index, bra_weight, ket_weight):
    idx = index.astype(jnp.int32)
    jrow = jnp.pad((idx >> 1).T, ((0, FP - F), (0, 0)))
    half = jnp.pad(((idx & 1) << 6).T, ((0, FP - F), (0, 0)))
    bra_c = bra_weight.reshape(NUM_ENTITIES // 2, DP)
    ket_c = ket_weight.reshape(NUM_ENTITIES // 2, DP)
    bra3, ket3 = _bracket_gather(jrow, half, bra_c, ket_c)
    return (jnp.transpose(bra3, (2, 0, 1)), jnp.transpose(ket3, (2, 0, 1)))

# --- scband reference (transcript-rebuilt; emitter-appended) ---
"""Pipeline reference for scband-bracket-embedding-72919954751677 (READ-ONLY COPY).

The authoritative reference and input builder live on the scoring server;
editing this copy changes nothing except your own understanding.
"""

import jax, jax.numpy as jnp
import numpy as np
import math

NUM_ENTITIES = 1000000
EMBED_DIM = 64
BATCH = 4096
FIELDS = 100

def setup_inputs(seed: int = 0) -> dict:
    key = jax.random.key(seed)
    k_idx, k_bra, k_ket = jax.random.split(key, 3)
    index = jax.random.randint(k_idx, (BATCH, FIELDS), 0, NUM_ENTITIES, dtype=jnp.int64 if jax.config.jax_enable_x64 else jnp.int32)
    # xavier_normal_ init: std = sqrt(2 / (fan_in + fan_out)) for [N, D] tensor
    std = math.sqrt(2.0 / (NUM_ENTITIES + EMBED_DIM))
    bra_weight = jax.random.normal(k_bra, (NUM_ENTITIES, EMBED_DIM), dtype=jnp.float32) * std
    ket_weight = jax.random.normal(k_ket, (NUM_ENTITIES, EMBED_DIM), dtype=jnp.float32) * std
    return {"index": index, "bra_weight": bra_weight, "ket_weight": ket_weight}

def reference(index, bra_weight, ket_weight):
    # BracketEmbedding.forward: return (self.bra(index), self.ket(index))
    bra_out = jnp.take(bra_weight, index, axis=0)
    ket_out = jnp.take(ket_weight, index, axis=0)
    return (bra_out, ket_out)

if __name__ == "__main__":
    import jax
    _d = setup_inputs()
    print(jax.jit(kernel)(*tuple(_d.values())))

</pallas_src>

<mosaic_0001>
#map = affine_map<(d0, d1) -> (0, 0)>
#map1 = affine_map<(d0, d1) -> (0, 0, 0)>
module attributes {stable_mosaic.version = 14 : i64} {
  func.func @_bracket_gather(%arg0: i32, %arg1: i32, %arg2: memref<104x4096xi32, #tpu.memory_space<hbm>>, %arg3: memref<104x4096xi32, #tpu.memory_space<hbm>>, %arg4: memref<500000x128xf32, #tpu.memory_space<hbm>>, %arg5: memref<500000x128xf32, #tpu.memory_space<hbm>>, %arg6: memref<100x64x4096xf32, #tpu.memory_space<hbm>>, %arg7: memref<100x64x4096xf32, #tpu.memory_space<hbm>>, %arg8: memref<104x128xi32, #tpu.memory_space<vmem>>, %arg9: memref<104x128xi32, #tpu.memory_space<vmem>>, %arg10: memref<128x128xf32, #tpu.memory_space<vmem>>, %arg11: memref<128x128xf32, #tpu.memory_space<vmem>>, %arg12: memref<128x128xf32, #tpu.memory_space<vmem>>, %arg13: memref<128x128xf32, #tpu.memory_space<vmem>>, %arg14: memref<64x128xf32, #tpu.memory_space<vmem>>, %arg15: memref<64x128xf32, #tpu.memory_space<vmem>>, %arg16: memref<64x128xf32, #tpu.memory_space<vmem>>, %arg17: memref<64x128xf32, #tpu.memory_space<vmem>>, %arg18: memref<!tpu.dma_semaphore, #tpu.memory_space<semaphore_mem>>, %arg19: memref<!tpu.dma_semaphore, #tpu.memory_space<semaphore_mem>>, %arg20: memref<!tpu.dma_semaphore, #tpu.memory_space<semaphore_mem>>, %arg21: memref<!tpu.dma_semaphore, #tpu.memory_space<semaphore_mem>>) attributes {dimension_semantics = [#tpu.dimension_semantics<core_parallel>, #tpu.dimension_semantics<subcore_parallel>], iteration_bounds = array<i64: 2, 16>, scalar_prefetch = 0 : i64, scratch_operands = 14 : i64, tpu.core_type = #tpu.core_type<sc_vector_subcore>, window_params = [{transform_indices = #map}, {transform_indices = #map}, {transform_indices = #map}, {transform_indices = #map}, {transform_indices = #map1}, {transform_indices = #map1}]} {
    %mul3A = arith.constant 2 : i32
    %mul3A_0 = arith.muli %arg1, %mul3A : i32
    %add3A = arith.addi %mul3A_0, %arg0 : i32
    %mul3A_1 = arith.constant 128 : i32
    %mul3A_2 = arith.muli %add3A, %mul3A_1 : i32
    "tpu.region"() ({
      %run_scoped3A = tpu.sem_alloc : memref<!tpu.dma_semaphore, #tpu.memory_space<semaphore_mem>>
      %dma_start3A_56 = arith.constant 0 : i32
      %dma_start3A_57 = tpu.memref_slice %arg2[%dma_start3A_56, %mul3A_2] : memref<104x4096xi32, #tpu.memory_space<hbm>> -> memref<104x128xi32, #tpu.memory_space<hbm>>
      %dma_start3A_58 = arith.constant 0 : i32
      %dma_start3A_59 = tpu.memref_slice %arg2[%dma_start3A_58, %mul3A_2] : memref<104x4096xi32, #tpu.memory_space<hbm>> -> memref<104x128xi32, #tpu.memory_space<hbm>>
      tpu.enqueue_dma source(%dma_start3A_59 : memref<104x128xi32, #tpu.memory_space<hbm>>) target(%arg8 : memref<104x128xi32, #tpu.memory_space<vmem>>) target_semaphore(%run_scoped3A : memref<!tpu.dma_semaphore, #tpu.memory_space<semaphore_mem>>)
      %dma_wait3A_60 = arith.constant 0 : i32
      %dma_wait3A_61 = tpu.memref_slice %arg2[%dma_wait3A_60, %mul3A_2] : memref<104x4096xi32, #tpu.memory_space<hbm>> -> memref<104x128xi32, #tpu.memory_space<hbm>>
      %dma_wait3A_62 = arith.constant 0 : i32
      %dma_wait3A_63 = tpu.memref_slice %arg2[%dma_wait3A_62, %mul3A_2] : memref<104x4096xi32, #tpu.memory_space<hbm>> -> memref<104x128xi32, #tpu.memory_space<hbm>>
      tpu.wait_dma2 semaphore(%run_scoped3A : memref<!tpu.dma_semaphore, #tpu.memory_space<semaphore_mem>>) src(%dma_wait3A_63 : memref<104x128xi32, #tpu.memory_space<hbm>>) dst(%arg8 : memref<104x128xi32, #tpu.memory_space<vmem>>)
      tpu.yield
    }) : () -> ()
    "tpu.region"() ({
      %run_scoped3A = tpu.sem_alloc : memref<!tpu.dma_semaphore, #tpu.memory_space<semaphore_mem>>
      %dma_start3A_56 = arith.constant 0 : i32
      %dma_start3A_57 = tpu.memref_slice %arg3[%dma_start3A_56, %mul3A_2] : memref<104x4096xi32, #tpu.memory_space<hbm>> -> memref<104x128xi32, #tpu.memory_space<hbm>>
      %dma_start3A_58 = arith.constant 0 : i32
      %dma_start3A_59 = tpu.memref_slice %arg3[%dma_start3A_58, %mul3A_2] : memref<104x4096xi32, #tpu.memory_space<hbm>> -> memref<104x128xi32, #tpu.memory_space<hbm>>
      tpu.enqueue_dma source(%dma_start3A_59 : memref<104x128xi32, #tpu.memory_space<hbm>>) target(%arg9 : memref<104x128xi32, #tpu.memory_space<vmem>>) target_semaphore(%run_scoped3A : memref<!tpu.dma_semaphore, #tpu.memory_space<semaphore_mem>>)
      %dma_wait3A_60 = arith.constant 0 : i32
      %dma_wait3A_61 = tpu.memref_slice %arg3[%dma_wait3A_60, %mul3A_2] : memref<104x4096xi32, #tpu.memory_space<hbm>> -> memref<104x128xi32, #tpu.memory_space<hbm>>
      %dma_wait3A_62 = arith.constant 0 : i32
      %dma_wait3A_63 = tpu.memref_slice %arg3[%dma_wait3A_62, %mul3A_2] : memref<104x4096xi32, #tpu.memory_space<hbm>> -> memref<104x128xi32, #tpu.memory_space<hbm>>
      tpu.wait_dma2 semaphore(%run_scoped3A : memref<!tpu.dma_semaphore, #tpu.memory_space<semaphore_mem>>) src(%dma_wait3A_63 : memref<104x128xi32, #tpu.memory_space<hbm>>) dst(%arg9 : memref<104x128xi32, #tpu.memory_space<vmem>>)
      tpu.yield
    }) : () -> ()
    %iota3A = tpu.iota {dimensions = array<i32: 0>} : vector<16xi32>
    %dma_start3A = arith.constant 0 : i32
    %dma_start3A_3 = arith.constant 0 : i32
    %dma_start3A_4 = tpu.memref_slice %arg8[%dma_start3A, %dma_start3A_3] : memref<104x128xi32, #tpu.memory_space<vmem>> -> memref<1x128xi32, #tpu.memory_space<vmem>>
    %dma_start3A_5 = tpu.memref_squeeze %dma_start3A_4 : memref<1x128xi32, #tpu.memory_space<vmem>> -> memref<128xi32, #tpu.memory_space<vmem>>
    %dma_start3A_6 = arith.constant 0 : i32
    %dma_start3A_7 = arith.constant 0 : i32
    %dma_start3A_8 = tpu.memref_slice %arg4[%dma_start3A_6, %dma_start3A_7] : memref<500000x128xf32, #tpu.memory_space<hbm>> -> memref<500000x128xf32, #tpu.memory_space<hbm>>
    tpu.enqueue_indirect_dma source(%dma_start3A_8 : memref<500000x128xf32, #tpu.memory_space<hbm>>) target(%arg10 : memref<128x128xf32, #tpu.memory_space<vmem>>) offsets(%dma_start3A_5 : memref<128xi32, #tpu.memory_space<vmem>>) semaphore(%arg18 : memref<!tpu.dma_semaphore, #tpu.memory_space<semaphore_mem>>)
    %dma_start3A_9 = arith.constant 0 : i32
    %dma_start3A_10 = arith.constant 0 : i32
    %dma_start3A_11 = tpu.memref_slice %arg8[%dma_start3A_9, %dma_start3A_10] : memref<104x128xi32, #tpu.memory_space<vmem>> -> memref<1x128xi32, #tpu.memory_space<vmem>>
    %dma_start3A_12 = tpu.memref_squeeze %dma_start3A_11 : memref<1x128xi32, #tpu.memory_space<vmem>> -> memref<128xi32, #tpu.memory_space<vmem>>
    %dma_start3A_13 = arith.constant 0 : i32
    %dma_start3A_14 = arith.constant 0 : i32
    %dma_start3A_15 = tpu.memref_slice %arg5[%dma_start3A_13, %dma_start3A_14] : memref<500000x128xf32, #tpu.memory_space<hbm>> -> memref<500000x128xf32, #tpu.memory_space<hbm>>
    tpu.enqueue_indirect_dma source(%dma_start3A_15 : memref<500000x128xf32, #tpu.memory_space<hbm>>) target(%arg12 : memref<128x128xf32, #tpu.memory_space<vmem>>) offsets(%dma_start3A_12 : memref<128xi32, #tpu.memory_space<vmem>>) semaphore(%arg18 : memref<!tpu.dma_semaphore, #tpu.memory_space<semaphore_mem>>)
    %scan3A = arith.constant 0 : i32
    %scan3A_16 = arith.constant 0 : i32
    %scan3A_17 = arith.constant 50 : i32
    %scan3A_18 = arith.addi %scan3A_16, %scan3A_17 : i32
    %scan3A_19 = arith.constant 1 : i32
    scf.for %scan3A_56 = %scan3A_16 to %scan3A_18 step %scan3A_19  : i32 {
      %mul3A_57 = arith.constant 2 : i32
      %mul3A_58 = arith.muli %scan3A_56, %mul3A_57 : i32
      %add3A_59 = arith.constant 0 : i32
      %add3A_60 = arith.addi %mul3A_58, %add3A_59 : i32
      %dma_wait3A_61 = arith.constant 0 : i32
      %dma_wait3A_62 = arith.constant 0 : i32
      %dma_wait3A_63 = tpu.memref_slice %arg8[%dma_wait3A_61, %dma_wait3A_62] : memref<104x128xi32, #tpu.memory_space<vmem>> -> memref<1x128xi32, #tpu.memory_space<vmem>>
      %dma_wait3A_64 = tpu.memref_squeeze %dma_wait3A_63 : memref<1x128xi32, #tpu.memory_space<vmem>> -> memref<128xi32, #tpu.memory_space<vmem>>
      %dma_wait3A_65 = arith.constant 0 : i32
      %dma_wait3A_66 = arith.constant 0 : i32
      %dma_wait3A_67 = tpu.memref_slice %arg4[%dma_wait3A_65, %dma_wait3A_66] : memref<500000x128xf32, #tpu.memory_space<hbm>> -> memref<500000x128xf32, #tpu.memory_space<hbm>>
      tpu.wait_indirect_dma semaphore(%arg18 : memref<!tpu.dma_semaphore, #tpu.memory_space<semaphore_mem>>) src(%dma_wait3A_67 : memref<500000x128xf32, #tpu.memory_space<hbm>>) dst(%arg10 : memref<128x128xf32, #tpu.memory_space<vmem>>)
      %dma_wait3A_68 = arith.constant 0 : i32
      %dma_wait3A_69 = arith.constant 0 : i32
      %dma_wait3A_70 = tpu.memref_slice %arg8[%dma_wait3A_68, %dma_wait3A_69] : memref<104x128xi32, #tpu.memory_space<vmem>> -> memref<1x128xi32, #tpu.memory_space<vmem>>
      %dma_wait3A_71 = tpu.memref_squeeze %dma_wait3A_70 : memref<1x128xi32, #tpu.memory_space<vmem>> -> memref<128xi32, #tpu.memory_space<vmem>>
      %dma_wait3A_72 = arith.constant 0 : i32
      %dma_wait3A_73 = arith.constant 0 : i32
      %dma_wait3A_74 = tpu.memref_slice %arg5[%dma_wait3A_72, %dma_wait3A_73] : memref<500000x128xf32, #tpu.memory_space<hbm>> -> memref<500000x128xf32, #tpu.memory_space<hbm>>
      tpu.wait_indirect_dma semaphore(%arg18 : memref<!tpu.dma_semaphore, #tpu.memory_space<semaphore_mem>>) src(%dma_wait3A_74 : memref<500000x128xf32, #tpu.memory_space<hbm>>) dst(%arg12 : memref<128x128xf32, #tpu.memory_space<vmem>>)
      %add3A_75 = arith.constant 1 : i32
      %add3A_76 = arith.addi %add3A_60, %add3A_75 : i32
      %lt3A = arith.constant 100 : i32
      %lt3A_77 = arith.cmpi slt, %add3A_76, %lt3A : i32
      %convert_element_type3A = arith.extui %lt3A_77 : i1 to i32
      %cond3A = arith.constant 0 : i32
      %cond3A_78 = arith.cmpi ne, %convert_element_type3A, %cond3A : i32
      scf.if %cond3A_78 {
        %add3A_237 = arith.constant 1 : i32
        %add3A_238 = arith.addi %add3A_60, %add3A_237 : i32
        %dma_start3A_239 = arith.constant 0 : i32
        %dma_start3A_240 = tpu.memref_slice %arg8[%add3A_238, %dma_start3A_239] : memref<104x128xi32, #tpu.memory_space<vmem>> -> memref<1x128xi32, #tpu.memory_space<vmem>>
        %dma_start3A_241 = tpu.memref_squeeze %dma_start3A_240 : memref<1x128xi32, #tpu.memory_space<vmem>> -> memref<128xi32, #tpu.memory_space<vmem>>
        %dma_start3A_242 = arith.constant 0 : i32
        %dma_start3A_243 = arith.constant 0 : i32
        %dma_start3A_244 = tpu.memref_slice %arg4[%dma_start3A_242, %dma_start3A_243] : memref<500000x128xf32, #tpu.memory_space<hbm>> -> memref<500000x128xf32, #tpu.memory_space<hbm>>
        tpu.enqueue_indirect_dma source(%dma_start3A_244 : memref<500000x128xf32, #tpu.memory_space<hbm>>) target(%arg11 : memref<128x128xf32, #tpu.memory_space<vmem>>) offsets(%dma_start3A_241 : memref<128xi32, #tpu.memory_space<vmem>>) semaphore(%arg19 : memref<!tpu.dma_semaphore, #tpu.memory_space<semaphore_mem>>)
        %dma_start3A_245 = arith.constant 0 : i32
        %dma_start3A_246 = tpu.memref_slice %arg8[%add3A_238, %dma_start3A_245] : memref<104x128xi32, #tpu.memory_space<vmem>> -> memref<1x128xi32, #tpu.memory_space<vmem>>
        %dma_start3A_247 = tpu.memref_squeeze %dma_start3A_246 : memref<1x128xi32, #tpu.memory_space<vmem>> -> memref<128xi32, #tpu.memory_space<vmem>>
        %dma_start3A_248 = arith.constant 0 : i32
        %dma_start3A_249 = arith.constant 0 : i32
        %dma_start3A_250 = tpu.memref_slice %arg5[%dma_start3A_248, %dma_start3A_249] : memref<500000x128xf32, #tpu.memory_space<hbm>> -> memref<500000x128xf32, #tpu.memory_space<hbm>>
        tpu.enqueue_indirect_dma source(%dma_start3A_250 : memref<500000x128xf32, #tpu.memory_space<hbm>>) target(%arg13 : memref<128x128xf32, #tpu.memory_space<vmem>>) offsets(%dma_start3A_247 : memref<128xi32, #tpu.memory_space<vmem>>) semaphore(%arg19 : memref<!tpu.dma_semaphore, #tpu.memory_space<semaphore_mem>>)
      } else {
      }
      %ge3A = arith.constant 2 : i32
      %ge3A_79 = arith.cmpi sge, %add3A_60, %ge3A : i32
      %convert_element_type3A_80 = arith.extui %ge3A_79 : i1 to i32
      %cond3A_81 = arith.constant 0 : i32
      %cond3A_82 = arith.cmpi ne, %convert_element_type3A_80, %cond3A_81 : i32
      scf.if %cond3A_82 {
        %dma_wait3A_237 = arith.constant 0 : i32
        %dma_wait3A_238 = arith.constant 0 : i32
        %dma_wait3A_239 = arith.constant 0 : i32
        %dma_wait3A_240 = tpu.memref_slice %arg6[%dma_wait3A_237, %dma_wait3A_238, %dma_wait3A_239] : memref<100x64x4096xf32, #tpu.memory_space<hbm>> -> memref<1x64x128xf32, #tpu.memory_space<hbm>>
        %dma_wait3A_241 = tpu.memref_squeeze %dma_wait3A_240 : memref<1x64x128xf32, #tpu.memory_space<hbm>> -> memref<64x128xf32, #tpu.memory_space<hbm>>
        %dma_wait3A_242 = arith.constant 0 : i32
        %dma_wait3A_243 = arith.constant 0 : i32
        %dma_wait3A_244 = tpu.memref_slice %arg6[%dma_wait3A_237, %dma_wait3A_242, %dma_wait3A_243] : memref<100x64x4096xf32, #tpu.memory_space<hbm>> -> memref<1x64x128xf32, #tpu.memory_space<hbm>>
        %dma_wait3A_245 = tpu.memref_squeeze %dma_wait3A_244 : memref<1x64x128xf32, #tpu.memory_space<hbm>> -> memref<64x128xf32, #tpu.memory_space<hbm>>
        tpu.wait_dma2 semaphore(%arg20 : memref<!tpu.dma_semaphore, #tpu.memory_space<semaphore_mem>>) src(%arg14 : memref<64x128xf32, #tpu.memory_space<vmem>>) dst(%dma_wait3A_245 : memref<64x128xf32, #tpu.memory_space<hbm>>)
        %dma_wait3A_246 = arith.constant 0 : i32
        %dma_wait3A_247 = arith.constant 0 : i32
        %dma_wait3A_248 = arith.constant 0 : i32
        %dma_wait3A_249 = tpu.memref_slice %arg7[%dma_wait3A_246, %dma_wait3A_247, %dma_wait3A_248] : memref<100x64x4096xf32, #tpu.memory_space<hbm>> -> memref<1x64x128xf32, #tpu.memory_space<hbm>>
        %dma_wait3A_250 = tpu.memref_squeeze %dma_wait3A_249 : memref<1x64x128xf32, #tpu.memory_space<hbm>> -> memref<64x128xf32, #tpu.memory_space<hbm>>
        %dma_wait3A_251 = arith.constant 0 : i32
        %dma_wait3A_252 = arith.constant 0 : i32
        %dma_wait3A_253 = tpu.memref_slice %arg7[%dma_wait3A_246, %dma_wait3A_251, %dma_wait3A_252] : memref<100x64x4096xf32, #tpu.memory_space<hbm>> -> memref<1x64x128xf32, #tpu.memory_space<hbm>>
        %dma_wait3A_254 = tpu.memref_squeeze %dma_wait3A_253 : memref<1x64x128xf32, #tpu.memory_space<hbm>> -> memref<64x128xf32, #tpu.memory_space<hbm>>
        tpu.wait_dma2 semaphore(%arg20 : memref<!tpu.dma_semaphore, #tpu.memory_space<semaphore_mem>>) src(%arg16 : memref<64x128xf32, #tpu.memory_space<vmem>>) dst(%dma_wait3A_254 : memref<64x128xf32, #tpu.memory_space<hbm>>)
      } else {
      }
      %get3A = arith.index_cast %add3A_60 : i32 to index
      %get3A_83 = arith.constant 0 : index
      %get3A_84 = tpu.vector_load %arg9[%get3A, %get3A_83] {strides = array<i32>} : memref<104x128xi32, #tpu.memory_space<vmem>>, vector<16xi32>,
      %get3A_85 = arith.index_cast %add3A_60 : i32 to index
      %get3A_86 = arith.constant 16 : index
      %get3A_87 = tpu.vector_load %arg9[%get3A_85, %get3A_86] {strides = array<i32>} : memref<104x128xi32, #tpu.memory_space<vmem>>, vector<16xi32>,
      %get3A_88 = arith.index_cast %add3A_60 : i32 to index
      %get3A_89 = arith.constant 32 : index
      %get3A_90 = tpu.vector_load %arg9[%get3A_88, %get3A_89] {strides = array<i32>} : memref<104x128xi32, #tpu.memory_space<vmem>>, vector<16xi32>,
      %get3A_91 = arith.index_cast %add3A_60 : i32 to index
      %get3A_92 = arith.constant 48 : index
      %get3A_93 = tpu.vector_load %arg9[%get3A_91, %get3A_92] {strides = array<i32>} : memref<104x128xi32, #tpu.memory_space<vmem>>, vector<16xi32>,
      %get3A_94 = arith.index_cast %add3A_60 : i32 to index
      %get3A_95 = arith.constant 64 : index
      %get3A_96 = tpu.vector_load %arg9[%get3A_94, %get3A_95] {strides = array<i32>} : memref<104x128xi32, #tpu.memory_space<vmem>>, vector<16xi32>,
      %get3A_97 = arith.index_cast %add3A_60 : i32 to index
      %get3A_98 = arith.constant 80 : index
      %get3A_99 = tpu.vector_load %arg9[%get3A_97, %get3A_98] {strides = array<i32>} : memref<104x128xi32, #tpu.memory_space<vmem>>, vector<16xi32>,
      %get3A_100 = arith.index_cast %add3A_60 : i32 to index
      %get3A_101 = arith.constant 96 : index
      %get3A_102 = tpu.vector_load %arg9[%get3A_100, %get3A_101] {strides = array<i32>} : memref<104x128xi32, #tpu.memory_space<vmem>>, vector<16xi32>,
      %get3A_103 = arith.index_cast %add3A_60 : i32 to index
      %get3A_104 = arith.constant 112 : index
      %get3A_105 = tpu.vector_load %arg9[%get3A_103, %get3A_104] {strides = array<i32>} : memref<104x128xi32, #tpu.memory_space<vmem>>, vector<16xi32>,
      %add3A_106 = arith.constant 0 : i32
      %add3A_107 = vector.broadcast %add3A_106 : i32 to vector<16xi32>
      %add3A_108 = arith.addi %iota3A, %add3A_107 : vector<16xi32>
      %add3A_109 = arith.constant 16 : i32
      %add3A_110 = vector.broadcast %add3A_109 : i32 to vector<16xi32>
      %add3A_111 = arith.addi %iota3A, %add3A_110 : vector<16xi32>
      %add3A_112 = arith.constant 32 : i32
      %add3A_113 = vector.broadcast %add3A_112 : i32 to vector<16xi32>
      %add3A_114 = arith.addi %iota3A, %add3A_113 : vector<16xi32>
      %add3A_115 = arith.constant 48 : i32
      %add3A_116 = vector.broadcast %add3A_115 : i32 to vector<16xi32>
      %add3A_117 = arith.addi %iota3A, %add3A_116 : vector<16xi32>
      %add3A_118 = arith.constant 64 : i32
      %add3A_119 = vector.broadcast %add3A_118 : i32 to vector<16xi32>
      %add3A_120 = arith.addi %iota3A, %add3A_119 : vector<16xi32>
      %add3A_121 = arith.constant 80 : i32
      %add3A_122 = vector.broadcast %add3A_121 : i32 to vector<16xi32>
      %add3A_123 = arith.addi %iota3A, %add3A_122 : vector<16xi32>
      %add3A_124 = arith.constant 96 : i32
      %add3A_125 = vector.broadcast %add3A_124 : i32 to vector<16xi32>
      %add3A_126 = arith.addi %iota3A, %add3A_125 : vector<16xi32>
      %add3A_127 = arith.constant 112 : i32
      %add3A_128 = vector.broadcast %add3A_127 : i32 to vector<16xi32>
      %add3A_129 = arith.addi %iota3A, %add3A_128 : vector<16xi32>
      %parallel_loop3A = arith.constant 0 : i32
      %parallel_loop3A_130 = arith.constant 64 : i32
      %parallel_loop3A_131 = arith.constant 1 : i32
      scf.for %parallel_loop3A_237 = %parallel_loop3A to %parallel_loop3A_130 step %parallel_loop3A_131  : i32 {
        %parallel_loop3A_238 = vector.broadcast %parallel_loop3A_237 : i32 to vector<16xi32>
        %parallel_loop3A_239 = arith.addi %get3A_84, %parallel_loop3A_238 : vector<16xi32>
        %parallel_loop3A_240 = tpu.vector_load_idx %arg10[%add3A_108, %parallel_loop3A_239] : memref<128x128xf32, #tpu.memory_space<vmem>>[vector<16xi32>, vector<16xi32>], vector<16xf32>,
        %parallel_loop3A_241 = tpu.vector_load_idx %arg12[%add3A_108, %parallel_loop3A_239] : memref<128x128xf32, #tpu.memory_space<vmem>>[vector<16xi32>, vector<16xi32>], vector<16xf32>,
        %parallel_loop3A_242 = arith.index_cast %parallel_loop3A_237 : i32 to index
        %parallel_loop3A_243 = arith.constant 0 : index
        %parallel_loop3A_244 = tpu.vector_load %arg14[%parallel_loop3A_242, %parallel_loop3A_243] {strides = array<i32>} : memref<64x128xf32, #tpu.memory_space<vmem>>, vector<16xf32>,
        tpu.vector_store %arg14[%parallel_loop3A_242, %parallel_loop3A_243], %parallel_loop3A_240 {strides = array<i32>} : memref<64x128xf32, #tpu.memory_space<vmem>>, vector<16xf32>,
        %parallel_loop3A_245 = arith.index_cast %parallel_loop3A_237 : i32 to index
        %parallel_loop3A_246 = arith.constant 0 : index
        %parallel_loop3A_247 = tpu.vector_load %arg16[%parallel_loop3A_245, %parallel_loop3A_246] {strides = array<i32>} : memref<64x128xf32, #tpu.memory_space<vmem>>, vector<16xf32>,
        tpu.vector_store %arg16[%parallel_loop3A_245, %parallel_loop3A_246], %parallel_loop3A_241 {strides = array<i32>} : memref<64x128xf32, #tpu.memory_space<vmem>>, vector<16xf32>,
        %parallel_loop3A_248 = vector.broadcast %parallel_loop3A_237 : i32 to vector<16xi32>
        %parallel_loop3A_249 = arith.addi %get3A_87, %parallel_loop3A_248 : vector<16xi32>
        %parallel_loop3A_250 = tpu.vector_load_idx %arg10[%add3A_111, %parallel_loop3A_249] : memref<128x128xf32, #tpu.memory_space<vmem>>[vector<16xi32>, vector<16xi32>], vector<16xf32>,
        %parallel_loop3A_251 = tpu.vector_load_idx %arg12[%add3A_111, %parallel_loop3A_249] : memref<128x128xf32, #tpu.memory_space<vmem>>[vector<16xi32>, vector<16xi32>], vector<16xf32>,
        %parallel_loop3A_252 = arith.index_cast %parallel_loop3A_237 : i32 to index
        %parallel_loop3A_253 = arith.constant 16 : index
        %parallel_loop3A_254 = tpu.vector_load %arg14[%parallel_loop3A_252, %parallel_loop3A_253] {strides = array<i32>} : memref<64x128xf32, #tpu.memory_space<vmem>>, vector<16xf32>,
        tpu.vector_store %arg14[%parallel_loop3A_252, %parallel_loop3A_253], %parallel_loop3A_250 {strides = array<i32>} : memref<64x128xf32, #tpu.memory_space<vmem>>, vector<16xf32>,
        %parallel_loop3A_255 = arith.index_cast %parallel_loop3A_237 : i32 to index
        %parallel_loop3A_256 = arith.constant 16 : index
        %parallel_loop3A_257 = tpu.vector_load %arg16[%parallel_loop3A_255, %parallel_loop3A_256] {strides = array<i32>} : memref<64x128xf32, #tpu.memory_space<vmem>>, vector<16xf32>,
        tpu.vector_store %arg16[%parallel_loop3A_255, %parallel_loop3A_256], %parallel_loop3A_251 {strides = array<i32>} : memref<64x128xf32, #tpu.memory_space<vmem>>, vector<16xf32>,
        %parallel_loop3A_258 = vector.broadcast %parallel_loop3A_237 : i32 to vector<16xi32>
        %parallel_loop3A_259 = arith.addi %get3A_90, %parallel_loop3A_258 : vector<16xi32>
        %parallel_loop3A_260 = tpu.vector_load_idx %arg10[%add3A_114, %parallel_loop3A_259] : memref<128x128xf32, #tpu.memory_space<vmem>>[vector<16xi32>, vector<16xi32>], vector<16xf32>,
        %parallel_loop3A_261 = tpu.vector_load_idx %arg12[%add3A_114, %parallel_loop3A_259] : memref<128x128xf32, #tpu.memory_space<vmem>>[vector<16xi32>, vector<16xi32>], vector<16xf32>,
        %parallel_loop3A_262 = arith.index_cast %parallel_loop3A_237 : i32 to index
        %parallel_loop3A_263 = arith.constant 32 : index
        %parallel_loop3A_264 = tpu.vector_load %arg14[%parallel_loop3A_262, %parallel_loop3A_263] {strides = array<i32>} : memref<64x128xf32, #tpu.memory_space<vmem>>, vector<16xf32>,
        tpu.vector_store %arg14[%parallel_loop3A_262, %parallel_loop3A_263], %parallel_loop3A_260 {strides = array<i32>} : memref<64x128xf32, #tpu.memory_space<vmem>>, vector<16xf32>,
        %parallel_loop3A_265 = arith.index_cast %parallel_loop3A_237 : i32 to index
        %parallel_loop3A_266 = arith.constant 32 : index
        %parallel_loop3A_267 = tpu.vector_load %arg16[%parallel_loop3A_265, %parallel_loop3A_266] {strides = array<i32>} : memref<64x128xf32, #tpu.memory_space<vmem>>, vector<16xf32>,
        tpu.vector_store %arg16[%parallel_loop3A_265, %parallel_loop3A_266], %parallel_loop3A_261 {strides = array<i32>} : memref<64x128xf32, #tpu.memory_space<vmem>>, vector<16xf32>,
        %parallel_loop3A_268 = vector.broadcast %parallel_loop3A_237 : i32 to vector<16xi32>
        %parallel_loop3A_269 = arith.addi %get3A_93, %parallel_loop3A_268 : vector<16xi32>
        %parallel_loop3A_270 = tpu.vector_load_idx %arg10[%add3A_117, %parallel_loop3A_269] : memref<128x128xf32, #tpu.memory_space<vmem>>[vector<16xi32>, vector<16xi32>], vector<16xf32>,
        %parallel_loop3A_271 = tpu.vector_load_idx %arg12[%add3A_117, %parallel_loop3A_269] : memref<128x128xf32, #tpu.memory_space<vmem>>[vector<16xi32>, vector<16xi32>], vector<16xf32>,
        %parallel_loop3A_272 = arith.index_cast %parallel_loop3A_237 : i32 to index
        %parallel_loop3A_273 = arith.constant 48 : index
        %parallel_loop3A_274 = tpu.vector_load %arg14[%parallel_loop3A_272, %parallel_loop3A_273] {strides = array<i32>} : memref<64x128xf32, #tpu.memory_space<vmem>>, vector<16xf32>,
        tpu.vector_store %arg14[%parallel_loop3A_272, %parallel_loop3A_273], %parallel_loop3A_270 {strides = array<i32>} : memref<64x128xf32, #tpu.memory_space<vmem>>, vector<16xf32>,
        %parallel_loop3A_275 = arith.index_cast %parallel_loop3A_237 : i32 to index
        %parallel_loop3A_276 = arith.constant 48 : index
        %parallel_loop3A_277 = tpu.vector_load %arg16[%parallel_loop3A_275, %parallel_loop3A_276] {strides = array<i32>} : memref<64x128xf32, #tpu.memory_space<vmem>>, vector<16xf32>,
        tpu.vector_store %arg16[%parallel_loop3A_275, %parallel_loop3A_276], %parallel_loop3A_271 {strides = array<i32>} : memref<64x128xf32, #tpu.memory_space<vmem>>, vector<16xf32>,
        %parallel_loop3A_278 = vector.broadcast %parallel_loop3A_237 : i32 to vector<16xi32>
        %parallel_loop3A_279 = arith.addi %get3A_96, %parallel_loop3A_278 : vector<16xi32>
        %parallel_loop3A_280 = tpu.vector_load_idx %arg10[%add3A_120, %parallel_loop3A_279] : memref<128x128xf32, #tpu.memory_space<vmem>>[vector<16xi32>, vector<16xi32>], vector<16xf32>,
        %parallel_loop3A_281 = tpu.vector_load_idx %arg12[%add3A_120, %parallel_loop3A_279] : memref<128x128xf32, #tpu.memory_space<vmem>>[vector<16xi32>, vector<16xi32>], vector<16xf32>,
        %parallel_loop3A_282 = arith.index_cast %parallel_loop3A_237 : i32 to index
        %parallel_loop3A_283 = arith.constant 64 : index
        %parallel_loop3A_284 = tpu.vector_load %arg14[%parallel_loop3A_282, %parallel_loop3A_283] {strides = array<i32>} : memref<64x128xf32, #tpu.memory_space<vmem>>, vector<16xf32>,
        tpu.vector_store %arg14[%parallel_loop3A_282, %parallel_loop3A_283], %parallel_loop3A_280 {strides = array<i32>} : memref<64x128xf32, #tpu.memory_space<vmem>>, vector<16xf32>,
        %parallel_loop3A_285 = arith.index_cast %parallel_loop3A_237 : i32 to index
        %parallel_loop3A_286 = arith.constant 64 : index
        %parallel_loop3A_287 = tpu.vector_load %arg16[%parallel_loop3A_285, %parallel_loop3A_286] {strides = array<i32>} : memref<64x128xf32, #tpu.memory_space<vmem>>, vector<16xf32>,
        tpu.vector_store %arg16[%parallel_loop3A_285, %parallel_loop3A_286], %parallel_loop3A_281 {strides = array<i32>} : memref<64x128xf32, #tpu.memory_space<vmem>>, vector<16xf32>,
        %parallel_loop3A_288 = vector.broadcast %parallel_loop3A_237 : i32 to vector<16xi32>
        %parallel_loop3A_289 = arith.addi %get3A_99, %parallel_loop3A_288 : vector<16xi32>
        %parallel_loop3A_290 = tpu.vector_load_idx %arg10[%add3A_123, %parallel_loop3A_289] : memref<128x128xf32, #tpu.memory_space<vmem>>[vector<16xi32>, vector<16xi32>], vector<16xf32>,
        %parallel_loop3A_291 = tpu.vector_load_idx %arg12[%add3A_123, %parallel_loop3A_289] : memref<128x128xf32, #tpu.memory_space<vmem>>[vector<16xi32>, vector<16xi32>], vector<16xf32>,
        %parallel_loop3A_292 = arith.index_cast %parallel_loop3A_237 : i32 to index
        %parallel_loop3A_293 = arith.constant 80 : index
        %parallel_loop3A_294 = tpu.vector_load %arg14[%parallel_loop3A_292, %parallel_loop3A_293] {strides = array<i32>} : memref<64x128xf32, #tpu.memory_space<vmem>>, vector<16xf32>,
        tpu.vector_store %arg14[%parallel_loop3A_292, %parallel_loop3A_293], %parallel_loop3A_290 {strides = array<i32>} : memref<64x128xf32, #tpu.memory_space<vmem>>, vector<16xf32>,
        %parallel_loop3A_295 = arith.index_cast %parallel_loop3A_237 : i32 to index
        %parallel_loop3A_296 = arith.constant 80 : index
        %parallel_loop3A_297 = tpu.vector_load %arg16[%parallel_loop3A_295, %parallel_loop3A_296] {strides = array<i32>} : memref<64x128xf32, #tpu.memory_space<vmem>>, vector<16xf32>,
        tpu.vector_store %arg16[%parallel_loop3A_295, %parallel_loop3A_296], %parallel_loop3A_291 {strides = array<i32>} : memref<64x128xf32, #tpu.memory_space<vmem>>, vector<16xf32>,
        %parallel_loop3A_298 = vector.broadcast %parallel_loop3A_237 : i32 to vector<16xi32>
        %parallel_loop3A_299 = arith.addi %get3A_102, %parallel_loop3A_298 : vector<16xi32>
        %parallel_loop3A_300 = tpu.vector_load_idx %arg10[%add3A_126, %parallel_loop3A_299] : memref<128x128xf32, #tpu.memory_space<vmem>>[vector<16xi32>, vector<16xi32>], vector<16xf32>,
        %parallel_loop3A_301 = tpu.vector_load_idx %arg12[%add3A_126, %parallel_loop3A_299] : memref<128x128xf32, #tpu.memory_space<vmem>>[vector<16xi32>, vector<16xi32>], vector<16xf32>,
        %parallel_loop3A_302 = arith.index_cast %parallel_loop3A_237 : i32 to index
        %parallel_loop3A_303 = arith.constant 96 : index
        %parallel_loop3A_304 = tpu.vector_load %arg14[%parallel_loop3A_302, %parallel_loop3A_303] {strides = array<i32>} : memref<64x128xf32, #tpu.memory_space<vmem>>, vector<16xf32>,
        tpu.vector_store %arg14[%parallel_loop3A_302, %parallel_loop3A_303], %parallel_loop3A_300 {strides = array<i32>} : memref<64x128xf32, #tpu.memory_space<vmem>>, vector<16xf32>,
        %parallel_loop3A_305 = arith.index_cast %parallel_loop3A_237 : i32 to index
        %parallel_loop3A_306 = arith.constant 96 : index
        %parallel_loop3A_307 = tpu.vector_load %arg16[%parallel_loop3A_305, %parallel_loop3A_306] {strides = array<i32>} : memref<64x128xf32, #tpu.memory_space<vmem>>, vector<16xf32>,
        tpu.vector_store %arg16[%parallel_loop3A_305, %parallel_loop3A_306], %parallel_loop3A_301 {strides = array<i32>} : memref<64x128xf32, #tpu.memory_space<vmem>>, vector<16xf32>,
        %parallel_loop3A_308 = vector.broadcast %parallel_loop3A_237 : i32 to vector<16xi32>
        %parallel_loop3A_309 = arith.addi %get3A_105, %parallel_loop3A_308 : vector<16xi32>
        %parallel_loop3A_310 = tpu.vector_load_idx %arg10[%add3A_129, %parallel_loop3A_309] : memref<128x128xf32, #tpu.memory_space<vmem>>[vector<16xi32>, vector<16xi32>], vector<16xf32>,
        %parallel_loop3A_311 = tpu.vector_load_idx %arg12[%add3A_129, %parallel_loop3A_309] : memref<128x128xf32, #tpu.memory_space<vmem>>[vector<16xi32>, vector<16xi32>], vector<16xf32>,
        %parallel_loop3A_312 = arith.index_cast %parallel_loop3A_237 : i32 to index
        %parallel_loop3A_313 = arith.constant 112 : index
        %parallel_loop3A_314 = tpu.vector_load %arg14[%parallel_loop3A_312, %parallel_loop3A_313] {strides = array<i32>} : memref<64x128xf32, #tpu.memory_space<vmem>>, vector<16xf32>,
        tpu.vector_store %arg14[%parallel_loop3A_312, %parallel_loop3A_313], %parallel_loop3A_310 {strides = array<i32>} : memref<64x128xf32, #tpu.memory_space<vmem>>, vector<16xf32>,
        %parallel_loop3A_315 = arith.index_cast %parallel_loop3A_237 : i32 to index
        %parallel_loop3A_316 = arith.constant 112 : index
        %parallel_loop3A_317 = tpu.vector_load %arg16[%parallel_loop3A_315, %parallel_loop3A_316] {strides = array<i32>} : memref<64x128xf32, #tpu.memory_space<vmem>>, vector<16xf32>,
        tpu.vector_store %arg16[%parallel_loop3A_315, %parallel_loop3A_316], %parallel_loop3A_311 {strides = array<i32>} : memref<64x128xf32, #tpu.memory_space<vmem>>, vector<16xf32>,
      } {sc.loop_unroll_factor = 8 : i64, sc.parallel_access}
      %dma_start3A_132 = arith.constant 0 : i32
      %dma_start3A_133 = tpu.memref_slice %arg6[%add3A_60, %dma_start3A_132, %mul3A_2] : memref<100x64x4096xf32, #tpu.memory_space<hbm>> -> memref<1x64x128xf32, #tpu.memory_space<hbm>>
      %dma_start3A_134 = tpu.memref_squeeze %dma_start3A_133 : memref<1x64x128xf32, #tpu.memory_space<hbm>> -> memref<64x128xf32, #tpu.memory_space<hbm>>
      %dma_start3A_135 = arith.constant 0 : i32
      %dma_start3A_136 = tpu.memref_slice %arg6[%add3A_60, %dma_start3A_135, %mul3A_2] : memref<100x64x4096xf32, #tpu.memory_space<hbm>> -> memref<1x64x128xf32, #tpu.memory_space<hbm>>
      %dma_start3A_137 = tpu.memref_squeeze %dma_start3A_136 : memref<1x64x128xf32, #tpu.memory_space<hbm>> -> memref<64x128xf32, #tpu.memory_space<hbm>>
      tpu.enqueue_dma source(%arg14 : memref<64x128xf32, #tpu.memory_space<vmem>>) target(%dma_start3A_137 : memref<64x128xf32, #tpu.memory_space<hbm>>) target_semaphore(%arg20 : memref<!tpu.dma_semaphore, #tpu.memory_space<semaphore_mem>>)
      %dma_start3A_138 = arith.constant 0 : i32
      %dma_start3A_139 = tpu.memref_slice %arg7[%add3A_60, %dma_start3A_138, %mul3A_2] : memref<100x64x4096xf32, #tpu.memory_space<hbm>> -> memref<1x64x128xf32, #tpu.memory_space<hbm>>
      %dma_start3A_140 = tpu.memref_squeeze %dma_start3A_139 : memref<1x64x128xf32, #tpu.memory_space<hbm>> -> memref<64x128xf32, #tpu.memory_space<hbm>>
      %dma_start3A_141 = arith.constant 0 : i32
      %dma_start3A_142 = tpu.memref_slice %arg7[%add3A_60, %dma_start3A_141, %mul3A_2] : memref<100x64x4096xf32, #tpu.memory_space<hbm>> -> memref<1x64x128xf32, #tpu.memory_space<hbm>>
      %dma_start3A_143 = tpu.memref_squeeze %dma_start3A_142 : memref<1x64x128xf32, #tpu.memory_space<hbm>> -> memref<64x128xf32, #tpu.memory_space<hbm>>
      tpu.enqueue_dma source(%arg16 : memref<64x128xf32, #tpu.memory_space<vmem>>) target(%dma_start3A_143 : memref<64x128xf32, #tpu.memory_space<hbm>>) target_semaphore(%arg20 : memref<!tpu.dma_semaphore, #tpu.memory_space<semaphore_mem>>)
      %mul3A_144 = arith.constant 2 : i32
      %mul3A_145 = arith.muli %scan3A_56, %mul3A_144 : i32
      %add3A_146 = arith.constant 1 : i32
      %add3A_147 = arith.addi %mul3A_145, %add3A_146 : i32
      %dma_wait3A_148 = arith.constant 0 : i32
      %dma_wait3A_149 = arith.constant 0 : i32
      %dma_wait3A_150 = tpu.memref_slice %arg8[%dma_wait3A_148, %dma_wait3A_149] : memref<104x128xi32, #tpu.memory_space<vmem>> -> memref<1x128xi32, #tpu.memory_space<vmem>>
      %dma_wait3A_151 = tpu.memref_squeeze %dma_wait3A_150 : memref<1x128xi32, #tpu.memory_space<vmem>> -> memref<128xi32, #tpu.memory_space<vmem>>
      %dma_wait3A_152 = arith.constant 0 : i32
      %dma_wait3A_153 = arith.constant 0 : i32
      %dma_wait3A_154 = tpu.memref_slice %arg4[%dma_wait3A_152, %dma_wait3A_153] : memref<500000x128xf32, #tpu.memory_space<hbm>> -> memref<500000x128xf32, #tpu.memory_space<hbm>>
      tpu.wait_indirect_dma semaphore(%arg19 : memref<!tpu.dma_semaphore, #tpu.memory_space<semaphore_mem>>) src(%dma_wait3A_154 : memref<500000x128xf32, #tpu.memory_space<hbm>>) dst(%arg11 : memref<128x128xf32, #tpu.memory_space<vmem>>)
      %dma_wait3A_155 = arith.constant 0 : i32
      %dma_wait3A_156 = arith.constant 0 : i32
      %dma_wait3A_157 = tpu.memref_slice %arg8[%dma_wait3A_155, %dma_wait3A_156] : memref<104x128xi32, #tpu.memory_space<vmem>> -> memref<1x128xi32, #tpu.memory_space<vmem>>
      %dma_wait3A_158 = tpu.memref_squeeze %dma_wait3A_157 : memref<1x128xi32, #tpu.memory_space<vmem>> -> memref<128xi32, #tpu.memory_space<vmem>>
      %dma_wait3A_159 = arith.constant 0 : i32
      %dma_wait3A_160 = arith.constant 0 : i32
      %dma_wait3A_161 = tpu.memref_slice %arg5[%dma_wait3A_159, %dma_wait3A_160] : memref<500000x128xf32, #tpu.memory_space<hbm>> -> memref<500000x128xf32, #tpu.memory_space<hbm>>
      tpu.wait_indirect_dma semaphore(%arg19 : memref<!tpu.dma_semaphore, #tpu.memory_space<semaphore_mem>>) src(%dma_wait3A_161 : memref<500000x128xf32, #tpu.memory_space<hbm>>) dst(%arg13 : memref<128x128xf32, #tpu.memory_space<vmem>>)
      %add3A_162 = arith.constant 1 : i32
      %add3A_163 = arith.addi %add3A_147, %add3A_162 : i32
      %lt3A_164 = arith.constant 100 : i32
      %lt3A_165 = arith.cmpi slt, %add3A_163, %lt3A_164 : i32
      %convert_element_type3A_166 = arith.extui %lt3A_165 : i1 to i32
      %cond3A_167 = arith.constant 0 : i32
      %cond3A_168 = arith.cmpi ne, %convert_element_type3A_166, %cond3A_167 : i32
      scf.if %cond3A_168 {
        %add3A_237 = arith.constant 1 : i32
        %add3A_238 = arith.addi %add3A_147, %add3A_237 : i32
        %dma_start3A_239 = arith.constant 0 : i32
        %dma_start3A_240 = tpu.memref_slice %arg8[%add3A_238, %dma_start3A_239] : memref<104x128xi32, #tpu.memory_space<vmem>> -> memref<1x128xi32, #tpu.memory_space<vmem>>
        %dma_start3A_241 = tpu.memref_squeeze %dma_start3A_240 : memref<1x128xi32, #tpu.memory_space<vmem>> -> memref<128xi32, #tpu.memory_space<vmem>>
        %dma_start3A_242 = arith.constant 0 : i32
        %dma_start3A_243 = arith.constant 0 : i32
        %dma_start3A_244 = tpu.memref_slice %arg4[%dma_start3A_242, %dma_start3A_243] : memref<500000x128xf32, #tpu.memory_space<hbm>> -> memref<500000x128xf32, #tpu.memory_space<hbm>>
        tpu.enqueue_indirect_dma source(%dma_start3A_244 : memref<500000x128xf32, #tpu.memory_space<hbm>>) target(%arg10 : memref<128x128xf32, #tpu.memory_space<vmem>>) offsets(%dma_start3A_241 : memref<128xi32, #tpu.memory_space<vmem>>) semaphore(%arg18 : memref<!tpu.dma_semaphore, #tpu.memory_space<semaphore_mem>>)
        %dma_start3A_245 = arith.constant 0 : i32
        %dma_start3A_246 = tpu.memref_slice %arg8[%add3A_238, %dma_start3A_245] : memref<104x128xi32, #tpu.memory_space<vmem>> -> memref<1x128xi32, #tpu.memory_space<vmem>>
        %dma_start3A_247 = tpu.memref_squeeze %dma_start3A_246 : memref<1x128xi32, #tpu.memory_space<vmem>> -> memref<128xi32, #tpu.memory_space<vmem>>
        %dma_start3A_248 = arith.constant 0 : i32
        %dma_start3A_249 = arith.constant 0 : i32
        %dma_start3A_250 = tpu.memref_slice %arg5[%dma_start3A_248, %dma_start3A_249] : memref<500000x128xf32, #tpu.memory_space<hbm>> -> memref<500000x128xf32, #tpu.memory_space<hbm>>
        tpu.enqueue_indirect_dma source(%dma_start3A_250 : memref<500000x128xf32, #tpu.memory_space<hbm>>) target(%arg12 : memref<128x128xf32, #tpu.memory_space<vmem>>) offsets(%dma_start3A_247 : memref<128xi32, #tpu.memory_space<vmem>>) semaphore(%arg18 : memref<!tpu.dma_semaphore, #tpu.memory_space<semaphore_mem>>)
      } else {
      }
      %ge3A_169 = arith.constant 2 : i32
      %ge3A_170 = arith.cmpi sge, %add3A_147, %ge3A_169 : i32
      %convert_element_type3A_171 = arith.extui %ge3A_170 : i1 to i32
      %cond3A_172 = arith.constant 0 : i32
      %cond3A_173 = arith.cmpi ne, %convert_element_type3A_171, %cond3A_172 : i32
      scf.if %cond3A_173 {
        %dma_wait3A_237 = arith.constant 0 : i32
        %dma_wait3A_238 = arith.constant 0 : i32
        %dma_wait3A_239 = arith.constant 0 : i32
        %dma_wait3A_240 = tpu.memref_slice %arg6[%dma_wait3A_237, %dma_wait3A_238, %dma_wait3A_239] : memref<100x64x4096xf32, #tpu.memory_space<hbm>> -> memref<1x64x128xf32, #tpu.memory_space<hbm>>
        %dma_wait3A_241 = tpu.memref_squeeze %dma_wait3A_240 : memref<1x64x128xf32, #tpu.memory_space<hbm>> -> memref<64x128xf32, #tpu.memory_space<hbm>>
        %dma_wait3A_242 = arith.constant 0 : i32
        %dma_wait3A_243 = arith.constant 0 : i32
        %dma_wait3A_244 = tpu.memref_slice %arg6[%dma_wait3A_237, %dma_wait3A_242, %dma_wait3A_243] : memref<100x64x4096xf32, #tpu.memory_space<hbm>> -> memref<1x64x128xf32, #tpu.memory_space<hbm>>
        %dma_wait3A_245 = tpu.memref_squeeze %dma_wait3A_244 : memref<1x64x128xf32, #tpu.memory_space<hbm>> -> memref<64x128xf32, #tpu.memory_space<hbm>>
        tpu.wait_dma2 semaphore(%arg21 : memref<!tpu.dma_semaphore, #tpu.memory_space<semaphore_mem>>) src(%arg15 : memref<64x128xf32, #tpu.memory_space<vmem>>) dst(%dma_wait3A_245 : memref<64x128xf32, #tpu.memory_space<hbm>>)
        %dma_wait3A_246 = arith.constant 0 : i32
        %dma_wait3A_247 = arith.constant 0 : i32
        %dma_wait3A_248 = arith.constant 0 : i32
        %dma_wait3A_249 = tpu.memref_slice %arg7[%dma_wait3A_246, %dma_wait3A_247, %dma_wait3A_248] : memref<100x64x4096xf32, #tpu.memory_space<hbm>> -> memref<1x64x128xf32, #tpu.memory_space<hbm>>
        %dma_wait3A_250 = tpu.memref_squeeze %dma_wait3A_249 : memref<1x64x128xf32, #tpu.memory_space<hbm>> -> memref<64x128xf32, #tpu.memory_space<hbm>>
        %dma_wait3A_251 = arith.constant 0 : i32
        %dma_wait3A_252 = arith.constant 0 : i32
        %dma_wait3A_253 = tpu.memref_slice %arg7[%dma_wait3A_246, %dma_wait3A_251, %dma_wait3A_252] : memref<100x64x4096xf32, #tpu.memory_space<hbm>> -> memref<1x64x128xf32, #tpu.memory_space<hbm>>
        %dma_wait3A_254 = tpu.memref_squeeze %dma_wait3A_253 : memref<1x64x128xf32, #tpu.memory_space<hbm>> -> memref<64x128xf32, #tpu.memory_space<hbm>>
        tpu.wait_dma2 semaphore(%arg21 : memref<!tpu.dma_semaphore, #tpu.memory_space<semaphore_mem>>) src(%arg17 : memref<64x128xf32, #tpu.memory_space<vmem>>) dst(%dma_wait3A_254 : memref<64x128xf32, #tpu.memory_space<hbm>>)
      } else {
      }
      %get3A_174 = arith.index_cast %add3A_147 : i32 to index
      %get3A_175 = arith.constant 0 : index
      %get3A_176 = tpu.vector_load %arg9[%get3A_174, %get3A_175] {strides = array<i32>} : memref<104x128xi32, #tpu.memory_space<vmem>>, vector<16xi32>,
      %get3A_177 = arith.index_cast %add3A_147 : i32 to index
      %get3A_178 = arith.constant 16 : index
      %get3A_179 = tpu.vector_load %arg9[%get3A_177, %get3A_178] {strides = array<i32>} : memref<104x128xi32, #tpu.memory_space<vmem>>, vector<16xi32>,
      %get3A_180 = arith.index_cast %add3A_147 : i32 to index
      %get3A_181 = arith.constant 32 : index
      %get3A_182 = tpu.vector_load %arg9[%get3A_180, %get3A_181] {strides = array<i32>} : memref<104x128xi32, #tpu.memory_space<vmem>>, vector<16xi32>,
      %get3A_183 = arith.index_cast %add3A_147 : i32 to index
      %get3A_184 = arith.constant 48 : index
      %get3A_185 = tpu.vector_load %arg9[%get3A_183, %get3A_184] {strides = array<i32>} : memref<104x128xi32, #tpu.memory_space<vmem>>, vector<16xi32>,
      %get3A_186 = arith.index_cast %add3A_147 : i32 to index
      %get3A_187 = arith.constant 64 : index
      %get3A_188 = tpu.vector_load %arg9[%get3A_186, %get3A_187] {strides = array<i32>} : memref<104x128xi32, #tpu.memory_space<vmem>>, vector<16xi32>,
      %get3A_189 = arith.index_cast %add3A_147 : i32 to index
      %get3A_190 = arith.constant 80 : index
      %get3A_191 = tpu.vector_load %arg9[%get3A_189, %get3A_190] {strides = array<i32>} : memref<104x128xi32, #tpu.memory_space<vmem>>, vector<16xi32>,
      %get3A_192 = arith.index_cast %add3A_147 : i32 to index
      %get3A_193 = arith.constant 96 : index
      %get3A_194 = tpu.vector_load %arg9[%get3A_192, %get3A_193] {strides = array<i32>} : memref<104x128xi32, #tpu.memory_space<vmem>>, vector<16xi32>,
      %get3A_195 = arith.index_cast %add3A_147 : i32 to index
      %get3A_196 = arith.constant 112 : index
      %get3A_197 = tpu.vector_load %arg9[%get3A_195, %get3A_196] {strides = array<i32>} : memref<104x128xi32, #tpu.memory_space<vmem>>, vector<16xi32>,
      %add3A_198 = arith.constant 0 : i32
      %add3A_199 = vector.broadcast %add3A_198 : i32 to vector<16xi32>
      %add3A_200 = arith.addi %iota3A, %add3A_199 : vector<16xi32>
      %add3A_201 = arith.constant 16 : i32
      %add3A_202 = vector.broadcast %add3A_201 : i32 to vector<16xi32>
      %add3A_203 = arith.addi %iota3A, %add3A_202 : vector<16xi32>
      %add3A_204 = arith.constant 32 : i32
      %add3A_205 = vector.broadcast %add3A_204 : i32 to vector<16xi32>
      %add3A_206 = arith.addi %iota3A, %add3A_205 : vector<16xi32>
      %add3A_207 = arith.constant 48 : i32
      %add3A_208 = vector.broadcast %add3A_207 : i32 to vector<16xi32>
      %add3A_209 = arith.addi %iota3A, %add3A_208 : vector<16xi32>
      %add3A_210 = arith.constant 64 : i32
      %add3A_211 = vector.broadcast %add3A_210 : i32 to vector<16xi32>
      %add3A_212 = arith.addi %iota3A, %add3A_211 : vector<16xi32>
      %add3A_213 = arith.constant 80 : i32
      %add3A_214 = vector.broadcast %add3A_213 : i32 to vector<16xi32>
      %add3A_215 = arith.addi %iota3A, %add3A_214 : vector<16xi32>
      %add3A_216 = arith.constant 96 : i32
      %add3A_217 = vector.broadcast %add3A_216 : i32 to vector<16xi32>
      %add3A_218 = arith.addi %iota3A, %add3A_217 : vector<16xi32>
      %add3A_219 = arith.constant 112 : i32
      %add3A_220 = vector.broadcast %add3A_219 : i32 to vector<16xi32>
      %add3A_221 = arith.addi %iota3A, %add3A_220 : vector<16xi32>
      %parallel_loop3A_222 = arith.constant 0 : i32
      %parallel_loop3A_223 = arith.constant 64 : i32
      %parallel_loop3A_224 = arith.constant 1 : i32
      scf.for %parallel_loop3A_237 = %parallel_loop3A_222 to %parallel_loop3A_223 step %parallel_loop3A_224  : i32 {
        %parallel_loop3A_238 = vector.broadcast %parallel_loop3A_237 : i32 to vector<16xi32>
        %parallel_loop3A_239 = arith.addi %get3A_176, %parallel_loop3A_238 : vector<16xi32>
        %parallel_loop3A_240 = tpu.vector_load_idx %arg11[%add3A_200, %parallel_loop3A_239] : memref<128x128xf32, #tpu.memory_space<vmem>>[vector<16xi32>, vector<16xi32>], vector<16xf32>,
        %parallel_loop3A_241 = tpu.vector_load_idx %arg13[%add3A_200, %parallel_loop3A_239] : memref<128x128xf32, #tpu.memory_space<vmem>>[vector<16xi32>, vector<16xi32>], vector<16xf32>,
        %parallel_loop3A_242 = arith.index_cast %parallel_loop3A_237 : i32 to index
        %parallel_loop3A_243 = arith.constant 0 : index
        %parallel_loop3A_244 = tpu.vector_load %arg15[%parallel_loop3A_242, %parallel_loop3A_243] {strides = array<i32>} : memref<64x128xf32, #tpu.memory_space<vmem>>, vector<16xf32>,
        tpu.vector_store %arg15[%parallel_loop3A_242, %parallel_loop3A_243], %parallel_loop3A_240 {strides = array<i32>} : memref<64x128xf32, #tpu.memory_space<vmem>>, vector<16xf32>,
        %parallel_loop3A_245 = arith.index_cast %parallel_loop3A_237 : i32 to index
        %parallel_loop3A_246 = arith.constant 0 : index
        %parallel_loop3A_247 = tpu.vector_load %arg17[%parallel_loop3A_245, %parallel_loop3A_246] {strides = array<i32>} : memref<64x128xf32, #tpu.memory_space<vmem>>, vector<16xf32>,
        tpu.vector_store %arg17[%parallel_loop3A_245, %parallel_loop3A_246], %parallel_loop3A_241 {strides = array<i32>} : memref<64x128xf32, #tpu.memory_space<vmem>>, vector<16xf32>,
        %parallel_loop3A_248 = vector.broadcast %parallel_loop3A_237 : i32 to vector<16xi32>
        %parallel_loop3A_249 = arith.addi %get3A_179, %parallel_loop3A_248 : vector<16xi32>
        %parallel_loop3A_250 = tpu.vector_load_idx %arg11[%add3A_203, %parallel_loop3A_249] : memref<128x128xf32, #tpu.memory_space<vmem>>[vector<16xi32>, vector<16xi32>], vector<16xf32>,
        %parallel_loop3A_251 = tpu.vector_load_idx %arg13[%add3A_203, %parallel_loop3A_249] : memref<128x128xf32, #tpu.memory_space<vmem>>[vector<16xi32>, vector<16xi32>], vector<16xf32>,
        %parallel_loop3A_252 = arith.index_cast %parallel_loop3A_237 : i32 to index
        %parallel_loop3A_253 = arith.constant 16 : index
        %parallel_loop3A_254 = tpu.vector_load %arg15[%parallel_loop3A_252, %parallel_loop3A_253] {strides = array<i32>} : memref<64x128xf32, #tpu.memory_space<vmem>>, vector<16xf32>,
        tpu.vector_store %arg15[%parallel_loop3A_252, %parallel_loop3A_253], %parallel_loop3A_250 {strides = array<i32>} : memref<64x128xf32, #tpu.memory_space<vmem>>, vector<16xf32>,
        %parallel_loop3A_255 = arith.index_cast %parallel_loop3A_237 : i32 to index
        %parallel_loop3A_256 = arith.constant 16 : index
        %parallel_loop3A_257 = tpu.vector_load %arg17[%parallel_loop3A_255, %parallel_loop3A_256] {strides = array<i32>} : memref<64x128xf32, #tpu.memory_space<vmem>>, vector<16xf32>,
        tpu.vector_store %arg17[%parallel_loop3A_255, %parallel_loop3A_256], %parallel_loop3A_251 {strides = array<i32>} : memref<64x128xf32, #tpu.memory_space<vmem>>, vector<16xf32>,
        %parallel_loop3A_258 = vector.broadcast %parallel_loop3A_237 : i32 to vector<16xi32>
        %parallel_loop3A_259 = arith.addi %get3A_182, %parallel_loop3A_258 : vector<16xi32>
        %parallel_loop3A_260 = tpu.vector_load_idx %arg11[%add3A_206, %parallel_loop3A_259] : memref<128x128xf32, #tpu.memory_space<vmem>>[vector<16xi32>, vector<16xi32>], vector<16xf32>,
        %parallel_loop3A_261 = tpu.vector_load_idx %arg13[%add3A_206, %parallel_loop3A_259] : memref<128x128xf32, #tpu.memory_space<vmem>>[vector<16xi32>, vector<16xi32>], vector<16xf32>,
        %parallel_loop3A_262 = arith.index_cast %parallel_loop3A_237 : i32 to index
        %parallel_loop3A_263 = arith.constant 32 : index
        %parallel_loop3A_264 = tpu.vector_load %arg15[%parallel_loop3A_262, %parallel_loop3A_263] {strides = array<i32>} : memref<64x128xf32, #tpu.memory_space<vmem>>, vector<16xf32>,
        tpu.vector_store %arg15[%parallel_loop3A_262, %parallel_loop3A_263], %parallel_loop3A_260 {strides = array<i32>} : memref<64x128xf32, #tpu.memory_space<vmem>>, vector<16xf32>,
        %parallel_loop3A_265 = arith.index_cast %parallel_loop3A_237 : i32 to index
        %parallel_loop3A_266 = arith.constant 32 : index
        %parallel_loop3A_267 = tpu.vector_load %arg17[%parallel_loop3A_265, %parallel_loop3A_266] {strides = array<i32>} : memref<64x128xf32, #tpu.memory_space<vmem>>, vector<16xf32>,
        tpu.vector_store %arg17[%parallel_loop3A_265, %parallel_loop3A_266], %parallel_loop3A_261 {strides = array<i32>} : memref<64x128xf32, #tpu.memory_space<vmem>>, vector<16xf32>,
        %parallel_loop3A_268 = vector.broadcast %parallel_loop3A_237 : i32 to vector<16xi32>
        %parallel_loop3A_269 = arith.addi %get3A_185, %parallel_loop3A_268 : vector<16xi32>
        %parallel_loop3A_270 = tpu.vector_load_idx %arg11[%add3A_209, %parallel_loop3A_269] : memref<128x128xf32, #tpu.memory_space<vmem>>[vector<16xi32>, vector<16xi32>], vector<16xf32>,
        %parallel_loop3A_271 = tpu.vector_load_idx %arg13[%add3A_209, %parallel_loop3A_269] : memref<128x128xf32, #tpu.memory_space<vmem>>[vector<16xi32>, vector<16xi32>], vector<16xf32>,
        %parallel_loop3A_272 = arith.index_cast %parallel_loop3A_237 : i32 to index
        %parallel_loop3A_273 = arith.constant 48 : index
        %parallel_loop3A_274 = tpu.vector_load %arg15[%parallel_loop3A_272, %parallel_loop3A_273] {strides = array<i32>} : memref<64x128xf32, #tpu.memory_space<vmem>>, vector<16xf32>,
        tpu.vector_store %arg15[%parallel_loop3A_272, %parallel_loop3A_273], %parallel_loop3A_270 {strides = array<i32>} : memref<64x128xf32, #tpu.memory_space<vmem>>, vector<16xf32>,
        %parallel_loop3A_275 = arith.index_cast %parallel_loop3A_237 : i32 to index
        %parallel_loop3A_276 = arith.constant 48 : index
        %parallel_loop3A_277 = tpu.vector_load %arg17[%parallel_loop3A_275, %parallel_loop3A_276] {strides = array<i32>} : memref<64x128xf32, #tpu.memory_space<vmem>>, vector<16xf32>,
        tpu.vector_store %arg17[%parallel_loop3A_275, %parallel_loop3A_276], %parallel_loop3A_271 {strides = array<i32>} : memref<64x128xf32, #tpu.memory_space<vmem>>, vector<16xf32>,
        %parallel_loop3A_278 = vector.broadcast %parallel_loop3A_237 : i32 to vector<16xi32>
        %parallel_loop3A_279 = arith.addi %get3A_188, %parallel_loop3A_278 : vector<16xi32>
        %parallel_loop3A_280 = tpu.vector_load_idx %arg11[%add3A_212, %parallel_loop3A_279] : memref<128x128xf32, #tpu.memory_space<vmem>>[vector<16xi32>, vector<16xi32>], vector<16xf32>,
        %parallel_loop3A_281 = tpu.vector_load_idx %arg13[%add3A_212, %parallel_loop3A_279] : memref<128x128xf32, #tpu.memory_space<vmem>>[vector<16xi32>, vector<16xi32>], vector<16xf32>,
        %parallel_loop3A_282 = arith.index_cast %parallel_loop3A_237 : i32 to index
        %parallel_loop3A_283 = arith.constant 64 : index
        %parallel_loop3A_284 = tpu.vector_load %arg15[%parallel_loop3A_282, %parallel_loop3A_283] {strides = array<i32>} : memref<64x128xf32, #tpu.memory_space<vmem>>, vector<16xf32>,
        tpu.vector_store %arg15[%parallel_loop3A_282, %parallel_loop3A_283], %parallel_loop3A_280 {strides = array<i32>} : memref<64x128xf32, #tpu.memory_space<vmem>>, vector<16xf32>,
        %parallel_loop3A_285 = arith.index_cast %parallel_loop3A_237 : i32 to index
        %parallel_loop3A_286 = arith.constant 64 : index
        %parallel_loop3A_287 = tpu.vector_load %arg17[%parallel_loop3A_285, %parallel_loop3A_286] {strides = array<i32>} : memref<64x128xf32, #tpu.memory_space<vmem>>, vector<16xf32>,
        tpu.vector_store %arg17[%parallel_loop3A_285, %parallel_loop3A_286], %parallel_loop3A_281 {strides = array<i32>} : memref<64x128xf32, #tpu.memory_space<vmem>>, vector<16xf32>,
        %parallel_loop3A_288 = vector.broadcast %parallel_loop3A_237 : i32 to vector<16xi32>
        %parallel_loop3A_289 = arith.addi %get3A_191, %parallel_loop3A_288 : vector<16xi32>
        %parallel_loop3A_290 = tpu.vector_load_idx %arg11[%add3A_215, %parallel_loop3A_289] : memref<128x128xf32, #tpu.memory_space<vmem>>[vector<16xi32>, vector<16xi32>], vector<16xf32>,
        %parallel_loop3A_291 = tpu.vector_load_idx %arg13[%add3A_215, %parallel_loop3A_289] : memref<128x128xf32, #tpu.memory_space<vmem>>[vector<16xi32>, vector<16xi32>], vector<16xf32>,
        %parallel_loop3A_292 = arith.index_cast %parallel_loop3A_237 : i32 to index
        %parallel_loop3A_293 = arith.constant 80 : index
        %parallel_loop3A_294 = tpu.vector_load %arg15[%parallel_loop3A_292, %parallel_loop3A_293] {strides = array<i32>} : memref<64x128xf32, #tpu.memory_space<vmem>>, vector<16xf32>,
        tpu.vector_store %arg15[%parallel_loop3A_292, %parallel_loop3A_293], %parallel_loop3A_290 {strides = array<i32>} : memref<64x128xf32, #tpu.memory_space<vmem>>, vector<16xf32>,
        %parallel_loop3A_295 = arith.index_cast %parallel_loop3A_237 : i32 to index
        %parallel_loop3A_296 = arith.constant 80 : index
        %parallel_loop3A_297 = tpu.vector_load %arg17[%parallel_loop3A_295, %parallel_loop3A_296] {strides = array<i32>} : memref<64x128xf32, #tpu.memory_space<vmem>>, vector<16xf32>,
        tpu.vector_store %arg17[%parallel_loop3A_295, %parallel_loop3A_296], %parallel_loop3A_291 {strides = array<i32>} : memref<64x128xf32, #tpu.memory_space<vmem>>, vector<16xf32>,
        %parallel_loop3A_298 = vector.broadcast %parallel_loop3A_237 : i32 to vector<16xi32>
        %parallel_loop3A_299 = arith.addi %get3A_194, %parallel_loop3A_298 : vector<16xi32>
        %parallel_loop3A_300 = tpu.vector_load_idx %arg11[%add3A_218, %parallel_loop3A_299] : memref<128x128xf32, #tpu.memory_space<vmem>>[vector<16xi32>, vector<16xi32>], vector<16xf32>,
        %parallel_loop3A_301 = tpu.vector_load_idx %arg13[%add3A_218, %parallel_loop3A_299] : memref<128x128xf32, #tpu.memory_space<vmem>>[vector<16xi32>, vector<16xi32>], vector<16xf32>,
        %parallel_loop3A_302 = arith.index_cast %parallel_loop3A_237 : i32 to index
        %parallel_loop3A_303 = arith.constant 96 : index
        %parallel_loop3A_304 = tpu.vector_load %arg15[%parallel_loop3A_302, %parallel_loop3A_303] {strides = array<i32>} : memref<64x128xf32, #tpu.memory_space<vmem>>, vector<16xf32>,
        tpu.vector_store %arg15[%parallel_loop3A_302, %parallel_loop3A_303], %parallel_loop3A_300 {strides = array<i32>} : memref<64x128xf32, #tpu.memory_space<vmem>>, vector<16xf32>,
        %parallel_loop3A_305 = arith.index_cast %parallel_loop3A_237 : i32 to index
        %parallel_loop3A_306 = arith.constant 96 : index
        %parallel_loop3A_307 = tpu.vector_load %arg17[%parallel_loop3A_305, %parallel_loop3A_306] {strides = array<i32>} : memref<64x128xf32, #tpu.memory_space<vmem>>, vector<16xf32>,
        tpu.vector_store %arg17[%parallel_loop3A_305, %parallel_loop3A_306], %parallel_loop3A_301 {strides = array<i32>} : memref<64x128xf32, #tpu.memory_space<vmem>>, vector<16xf32>,
        %parallel_loop3A_308 = vector.broadcast %parallel_loop3A_237 : i32 to vector<16xi32>
        %parallel_loop3A_309 = arith.addi %get3A_197, %parallel_loop3A_308 : vector<16xi32>
        %parallel_loop3A_310 = tpu.vector_load_idx %arg11[%add3A_221, %parallel_loop3A_309] : memref<128x128xf32, #tpu.memory_space<vmem>>[vector<16xi32>, vector<16xi32>], vector<16xf32>,
        %parallel_loop3A_311 = tpu.vector_load_idx %arg13[%add3A_221, %parallel_loop3A_309] : memref<128x128xf32, #tpu.memory_space<vmem>>[vector<16xi32>, vector<16xi32>], vector<16xf32>,
        %parallel_loop3A_312 = arith.index_cast %parallel_loop3A_237 : i32 to index
        %parallel_loop3A_313 = arith.constant 112 : index
        %parallel_loop3A_314 = tpu.vector_load %arg15[%parallel_loop3A_312, %parallel_loop3A_313] {strides = array<i32>} : memref<64x128xf32, #tpu.memory_space<vmem>>, vector<16xf32>,
        tpu.vector_store %arg15[%parallel_loop3A_312, %parallel_loop3A_313], %parallel_loop3A_310 {strides = array<i32>} : memref<64x128xf32, #tpu.memory_space<vmem>>, vector<16xf32>,
        %parallel_loop3A_315 = arith.index_cast %parallel_loop3A_237 : i32 to index
        %parallel_loop3A_316 = arith.constant 112 : index
        %parallel_loop3A_317 = tpu.vector_load %arg17[%parallel_loop3A_315, %parallel_loop3A_316] {strides = array<i32>} : memref<64x128xf32, #tpu.memory_space<vmem>>, vector<16xf32>,
        tpu.vector_store %arg17[%parallel_loop3A_315, %parallel_loop3A_316], %parallel_loop3A_311 {strides = array<i32>} : memref<64x128xf32, #tpu.memory_space<vmem>>, vector<16xf32>,
      } {sc.loop_unroll_factor = 8 : i64, sc.parallel_access}
      %dma_start3A_225 = arith.constant 0 : i32
      %dma_start3A_226 = tpu.memref_slice %arg6[%add3A_147, %dma_start3A_225, %mul3A_2] : memref<100x64x4096xf32, #tpu.memory_space<hbm>> -> memref<1x64x128xf32, #tpu.memory_space<hbm>>
      %dma_start3A_227 = tpu.memref_squeeze %dma_start3A_226 : memref<1x64x128xf32, #tpu.memory_space<hbm>> -> memref<64x128xf32, #tpu.memory_space<hbm>>
      %dma_start3A_228 = arith.constant 0 : i32
      %dma_start3A_229 = tpu.memref_slice %arg6[%add3A_147, %dma_start3A_228, %mul3A_2] : memref<100x64x4096xf32, #tpu.memory_space<hbm>> -> memref<1x64x128xf32, #tpu.memory_space<hbm>>
      %dma_start3A_230 = tpu.memref_squeeze %dma_start3A_229 : memref<1x64x128xf32, #tpu.memory_space<hbm>> -> memref<64x128xf32, #tpu.memory_space<hbm>>
      tpu.enqueue_dma source(%arg15 : memref<64x128xf32, #tpu.memory_space<vmem>>) target(%dma_start3A_230 : memref<64x128xf32, #tpu.memory_space<hbm>>) target_semaphore(%arg21 : memref<!tpu.dma_semaphore, #tpu.memory_space<semaphore_mem>>)
      %dma_start3A_231 = arith.constant 0 : i32
      %dma_start3A_232 = tpu.memref_slice %arg7[%add3A_147, %dma_start3A_231, %mul3A_2] : memref<100x64x4096xf32, #tpu.memory_space<hbm>> -> memref<1x64x128xf32, #tpu.memory_space<hbm>>
      %dma_start3A_233 = tpu.memref_squeeze %dma_start3A_232 : memref<1x64x128xf32, #tpu.memory_space<hbm>> -> memref<64x128xf32, #tpu.memory_space<hbm>>
      %dma_start3A_234 = arith.constant 0 : i32
      %dma_start3A_235 = tpu.memref_slice %arg7[%add3A_147, %dma_start3A_234, %mul3A_2] : memref<100x64x4096xf32, #tpu.memory_space<hbm>> -> memref<1x64x128xf32, #tpu.memory_space<hbm>>
      %dma_start3A_236 = tpu.memref_squeeze %dma_start3A_235 : memref<1x64x128xf32, #tpu.memory_space<hbm>> -> memref<64x128xf32, #tpu.memory_space<hbm>>
      tpu.enqueue_dma source(%arg17 : memref<64x128xf32, #tpu.memory_space<vmem>>) target(%dma_start3A_236 : memref<64x128xf32, #tpu.memory_space<hbm>>) target_semaphore(%arg21 : memref<!tpu.dma_semaphore, #tpu.memory_space<semaphore_mem>>)
    }
    %scan3A_20 = arith.constant 50 : i32
    %dma_wait3A = arith.constant 0 : i32
    %dma_wait3A_21 = arith.constant 0 : i32
    %dma_wait3A_22 = arith.constant 0 : i32
    %dma_wait3A_23 = tpu.memref_slice %arg6[%dma_wait3A, %dma_wait3A_21, %dma_wait3A_22] : memref<100x64x4096xf32, #tpu.memory_space<hbm>> -> memref<1x64x128xf32, #tpu.memory_space<hbm>>
    %dma_wait3A_24 = tpu.memref_squeeze %dma_wait3A_23 : memref<1x64x128xf32, #tpu.memory_space<hbm>> -> memref<64x128xf32, #tpu.memory_space<hbm>>
    %dma_wait3A_25 = arith.constant 0 : i32
    %dma_wait3A_26 = arith.constant 0 : i32
    %dma_wait3A_27 = tpu.memref_slice %arg6[%dma_wait3A, %dma_wait3A_25, %dma_wait3A_26] : memref<100x64x4096xf32, #tpu.memory_space<hbm>> -> memref<1x64x128xf32, #tpu.memory_space<hbm>>
    %dma_wait3A_28 = tpu.memref_squeeze %dma_wait3A_27 : memref<1x64x128xf32, #tpu.memory_space<hbm>> -> memref<64x128xf32, #tpu.memory_space<hbm>>
    tpu.wait_dma2 semaphore(%arg20 : memref<!tpu.dma_semaphore, #tpu.memory_space<semaphore_mem>>) src(%arg14 : memref<64x128xf32, #tpu.memory_space<vmem>>) dst(%dma_wait3A_28 : memref<64x128xf32, #tpu.memory_space<hbm>>)
    %dma_wait3A_29 = arith.constant 0 : i32
    %dma_wait3A_30 = arith.constant 0 : i32
    %dma_wait3A_31 = arith.constant 0 : i32
    %dma_wait3A_32 = tpu.memref_slice %arg7[%dma_wait3A_29, %dma_wait3A_30, %dma_wait3A_31] : memref<100x64x4096xf32, #tpu.memory_space<hbm>> -> memref<1x64x128xf32, #tpu.memory_space<hbm>>
    %dma_wait3A_33 = tpu.memref_squeeze %dma_wait3A_32 : memref<1x64x128xf32, #tpu.memory_space<hbm>> -> memref<64x128xf32, #tpu.memory_space<hbm>>
    %dma_wait3A_34 = arith.constant 0 : i32
    %dma_wait3A_35 = arith.constant 0 : i32
    %dma_wait3A_36 = tpu.memref_slice %arg7[%dma_wait3A_29, %dma_wait3A_34, %dma_wait3A_35] : memref<100x64x4096xf32, #tpu.memory_space<hbm>> -> memref<1x64x128xf32, #tpu.memory_space<hbm>>
    %dma_wait3A_37 = tpu.memref_squeeze %dma_wait3A_36 : memref<1x64x128xf32, #tpu.memory_space<hbm>> -> memref<64x128xf32, #tpu.memory_space<hbm>>
    tpu.wait_dma2 semaphore(%arg20 : memref<!tpu.dma_semaphore, #tpu.memory_space<semaphore_mem>>) src(%arg16 : memref<64x128xf32, #tpu.memory_space<vmem>>) dst(%dma_wait3A_37 : memref<64x128xf32, #tpu.memory_space<hbm>>)
    %dma_wait3A_38 = arith.constant 0 : i32
    %dma_wait3A_39 = arith.constant 0 : i32
    %dma_wait3A_40 = arith.constant 0 : i32
    %dma_wait3A_41 = tpu.memref_slice %arg6[%dma_wait3A_38, %dma_wait3A_39, %dma_wait3A_40] : memref<100x64x4096xf32, #tpu.memory_space<hbm>> -> memref<1x64x128xf32, #tpu.memory_space<hbm>>
    %dma_wait3A_42 = tpu.memref_squeeze %dma_wait3A_41 : memref<1x64x128xf32, #tpu.memory_space<hbm>> -> memref<64x128xf32, #tpu.memory_space<hbm>>
    %dma_wait3A_43 = arith.constant 0 : i32
    %dma_wait3A_44 = arith.constant 0 : i32
    %dma_wait3A_45 = tpu.memref_slice %arg6[%dma_wait3A_38, %dma_wait3A_43, %dma_wait3A_44] : memref<100x64x4096xf32, #tpu.memory_space<hbm>> -> memref<1x64x128xf32, #tpu.memory_space<hbm>>
    %dma_wait3A_46 = tpu.memref_squeeze %dma_wait3A_45 : memref<1x64x128xf32, #tpu.memory_space<hbm>> -> memref<64x128xf32, #tpu.memory_space<hbm>>
    tpu.wait_dma2 semaphore(%arg21 : memref<!tpu.dma_semaphore, #tpu.memory_space<semaphore_mem>>) src(%arg15 : memref<64x128xf32, #tpu.memory_space<vmem>>) dst(%dma_wait3A_46 : memref<64x128xf32, #tpu.memory_space<hbm>>)
    %dma_wait3A_47 = arith.constant 0 : i32
    %dma_wait3A_48 = arith.constant 0 : i32
    %dma_wait3A_49 = arith.constant 0 : i32
    %dma_wait3A_50 = tpu.memref_slice %arg7[%dma_wait3A_47, %dma_wait3A_48, %dma_wait3A_49] : memref<100x64x4096xf32, #tpu.memory_space<hbm>> -> memref<1x64x128xf32, #tpu.memory_space<hbm>>
    %dma_wait3A_51 = tpu.memref_squeeze %dma_wait3A_50 : memref<1x64x128xf32, #tpu.memory_space<hbm>> -> memref<64x128xf32, #tpu.memory_space<hbm>>
    %dma_wait3A_52 = arith.constant 0 : i32
    %dma_wait3A_53 = arith.constant 0 : i32
    %dma_wait3A_54 = tpu.memref_slice %arg7[%dma_wait3A_47, %dma_wait3A_52, %dma_wait3A_53] : memref<100x64x4096xf32, #tpu.memory_space<hbm>> -> memref<1x64x128xf32, #tpu.memory_space<hbm>>
    %dma_wait3A_55 = tpu.memref_squeeze %dma_wait3A_54 : memref<1x64x128xf32, #tpu.memory_space<hbm>> -> memref<64x128xf32, #tpu.memory_space<hbm>>
    tpu.wait_dma2 semaphore(%arg21 : memref<!tpu.dma_semaphore, #tpu.memory_space<semaphore_mem>>) src(%arg17 : memref<64x128xf32, #tpu.memory_space<vmem>>) dst(%dma_wait3A_55 : memref<64x128xf32, #tpu.memory_space<hbm>>)
    return
  }
}

</mosaic_0001>

<sc_bundles>
// kernel: kernel.3.cloned.1.call-start
scs
__scs_entry_jumppad:
0x0: {  	(pc) =	sbr.rel $0x88, $3  }
0x1: {  	(tag) =	ssettag $0x0;
	lr =	simm.s32 $0x1  }
0x2: {  	[smem:$0x3F9E] =	sst lr;
	_ =	strace $0xD0000000  }
0x3: {  	_ = 	snop  }
0x4: {  	_ = 	snop  }
0x5: {  	_ = 	snop  }
0x6: {  	_ = 	snop  }
0x7: {  	_ = 	snop  }
__scs_overlays_trampoline_lowered:
0x8: {  	[smem:$0x3FAD] =	sst s0  }
0x9: {  	[smem:$0x3FAE] =	sst s1  }
0xa: {  	[smem:$0x3FAF] =	sst s2  }
0xb: {  	[smem:$0x3FB0] =	sst s3  }
0xc: {  	[smem:$0x3FB1] =	sst s4  }
0xd: {  	[smem:$0x3FB2] =	sst s5  }
0xe: {  	[smem:$0x3FB3] =	sst s6  }
0xf: {  	[smem:$0x3FB4] =	sst s7  }
0x10: {  	[smem:$0x3FB5] =	sst s8  }
0x11: {  	[smem:$0x3FB6] =	sst s9;
	s0 =	simm.s32 @!p0 $0x0  }
0x12: {  	s1 =	sld [smem:$0x3F9C];
	s0 =	simm.s32 @p0 $0x1  }
0x13: {  	[smem:$0x3FB7] =	sst s0;
	s0 =	simm.s32 @!p1 $0x0  }
0x14: {  	s2 =	sld [smem:$0x3F9B];
	s0 =	simm.s32 @p1 $0x1  }
0x15: {  	[smem:$0x3FB8] =	sst s0;
	s0 =	simm.s32 @!p2 $0x0  }
0x16: {  	s3 =	sld [smem:$0x3FDB];
	s0 =	simm.s32 @p2 $0x1  }
0x17: {  	s4 =	simm.s32 $0x1BF5;
	[smem:$0x3FBA] =	sst s0  }
0x18: {  	s0 =	sld [smem:$0x3F9D];
	_ =	swait.ge [sflag:s4], $0x0  }
0x19: {  	s7 =	sld [smem:$0x3F9E]  }
0x1a: {  	s8 =	sadd.s32 $0xFFFFE003, lr  }
0x1b: {  	s9 =	sadd.s32 $0xFFFFFEF7, lr;
	s5 =	simm.s32 $0xFFFFFFFF;
	p2 =	slt.u32 s8, $0xFFFFF086  }
0x1c: {  	p1 =	slt.u32 s9, $0xF7A;
	s5 =	simm.s32 @!p2 $0x0  }
0x1d: {  	s5 =	simm.s32 @p1 $0x1;
	p0 =	seq.s32 s7, s2  }
0x1e: {  	s7 =	smul.u32 @!p0 $0xF7A, s2;
	p2 =	seq.s32 @!p0 s5, $0x0  }
0x1f: {  	s9 =	smul.u32 $0xF7A, s1;
	s8 =	simm.s32 @!p0 $0x1BF5;
	p2 =	por !p2, p0  }
0x20: {  	[sflag:s8] =	ssyncset.s32 @!p0 $0xFFFFF086;
	s6 =	sadd.s32 @!p0 s3, s7;
	s7 =	simm.s32 @!p0 $0x108  }
0x21: {  	s3 =	sadd.s32 s3, s9;
	s6 =	sadd.s32 @!p0 $0x88, s6;
	s7 =	simm.s32 @p2 $0x1082  }
0x22: {  	[simem:s7], [sflag:s8] =	dma.local @!p0 [hbm:s6], $0xF7A  }
0x23: {  	s9 =	sor.u32 $0xD0000000, s2;
	s6 =	simm.s32 $0x108;
	_ =	swait.ge @!p0 [sflag:s8], $0x0  }
0x24: {  	s3 =	sadd.s32 $0x88, s3;
	s6 =	simm.s32 @!p1 $0x1082;
	[sflag:s4] =	ssyncset.s32 $0xFFFFF086  }
0x25: {  	[simem:s6], [sflag:s4] =	dma.local [hbm:s3], $0xF7A  }
0x26: {  	[smem:$0x3F9E] =	sst s1;
	(tag) =	ssettag s2;
	_ =	strace s9  }
0x27: {  	s1 =	sld [smem:$0x3FAE]  }
0x28: {  	s2 =	sld [smem:$0x3FAF]  }
0x29: {  	s4 =	sld [smem:$0x3FB1]  }
0x2a: {  	p0 =	seq.s32 s5, $0x0;
	s5 =	sld [smem:$0x3FB2]  }
0x2b: {  	s6 =	sld [smem:$0x3FB3]  }
0x2c: {  	s7 =	sld [smem:$0x3FB4]  }
0x2d: {  	s3 =	simm.s32 $0x108;
	s8 =	sld [smem:$0x3FB5]  }
0x2e: {  	s3 =	simm.s32 @!p0 $0x1082;
	s9 =	sld [smem:$0x3FB6]  }
0x2f: {  	lr =	sadd.s32 s0, s3;
	s0 =	sld [smem:$0x3FAD]  }
0x30: {  	s3 =	sld [smem:$0x3FB0]  }
0x31: {  	[smem:$0x3FB9] =	sst s10  }
0x32: {  	s10 =	sld [smem:$0x3FB7];
	_ =	sdelay $0x3  }
0x33: {  	p0 =	seq.s32 s10, $0x1;
	s10 =	sld [smem:$0x3FB9];
	_ =	sdelay $0x3  }
0x34: {  	[smem:$0x3FB9] =	sst s10  }
0x35: {  	s10 =	sld [smem:$0x3FB8];
	_ =	sdelay $0x3  }
0x36: {  	p1 =	seq.s32 s10, $0x1;
	s10 =	sld [smem:$0x3FB9];
	_ =	sdelay $0x3  }
0x37: {  	[smem:$0x3FB9] =	sst s10  }
0x38: {  	s10 =	sld [smem:$0x3FBA]  }
0x39: {  	_ = 	snop;
	(pc) =	sbr.ind lr, $3  }
0x3a: {  	_ = 	snop  }
0x3b: {  	_ = 	snop  }
0x3c: {  	p2 =	seq.s32 s10, $0x1;
	s10 =	sld [smem:$0x3FB9]  }
0x3d: {  	_ =	shalt  }
0x3e: {  	_ =	shalt  }
0x3f: {  	_ =	shalt  }
0x40: {  	_ =	shalt  }
0x41: {  	_ =	shalt  }
0x42: {  	_ =	shalt  }
0x43: {  	_ =	shalt  }
0x44: {  	_ =	shalt  }
0x45: {  	_ =	shalt  }
0x46: {  	_ =	shalt  }
0x47: {  	_ =	shalt  }
0x48: {  	_ =	shalt  }
0x49: {  	_ =	shalt  }
0x4a: {  	_ =	shalt  }
0x4b: {  	_ =	shalt  }
0x4c: {  	_ =	shalt  }
0x4d: {  	_ =	shalt  }
0x4e: {  	_ =	shalt  }
0x4f: {  	_ =	shalt  }
0x50: {  	_ =	shalt  }
0x51: {  	_ =	shalt  }
0x52: {  	_ =	shalt  }
0x53: {  	_ =	shalt  }
0x54: {  	_ =	shalt  }
0x55: {  	_ =	shalt  }
0x56: {  	_ =	shalt  }
0x57: {  	_ =	shalt  }
0x58: {  	_ =	shalt  }
0x59: {  	_ =	shalt  }
0x5a: {  	_ =	shalt  }
0x5b: {  	_ =	shalt  }
0x5c: {  	_ =	shalt  }
0x5d: {  	_ =	shalt  }
0x5e: {  	_ =	shalt  }
0x5f: {  	_ =	shalt  }
0x60: {  	_ =	shalt  }
0x61: {  	_ =	shalt  }
0x62: {  	_ =	shalt  }
0x63: {  	_ =	shalt  }
0x64: {  	_ =	shalt  }
0x65: {  	_ =	shalt  }
0x66: {  	_ =	shalt  }
0x67: {  	_ =	shalt  }
0x68: {  	_ =	shalt  }
0x69: {  	_ =	shalt  }
0x6a: {  	_ =	shalt  }
0x6b: {  	_ =	shalt  }
0x6c: {  	_ =	shalt  }
0x6d: {  	_ =	shalt  }
0x6e: {  	_ =	shalt  }
0x6f: {  	_ =	shalt  }
0x70: {  	_ =	shalt  }
0x71: {  	_ =	shalt  }
0x72: {  	_ =	shalt  }
0x73: {  	_ =	shalt  }
0x74: {  	_ =	shalt  }
0x75: {  	_ =	shalt  }
0x76: {  	_ =	shalt  }
0x77: {  	_ =	shalt  }
0x78: {  	_ =	shalt  }
0x79: {  	_ =	shalt  }
0x7a: {  	_ =	shalt  }
0x7b: {  	_ =	shalt  }
0x7c: {  	_ =	shalt  }
0x7d: {  	_ =	shalt  }
0x7e: {  	_ =	shalt  }
0x7f: {  	_ =	shalt  }
0x80: {  	_ =	shalt  }
0x81: {  	_ =	shalt  }
0x82: {  	_ =	shalt  }
0x83: {  	_ =	shalt  }
0x84: {  	_ =	shalt  }
0x85: {  	_ =	shalt  }
0x86: {  	_ =	shalt  }
0x87: {  	_ =	shalt  }
.Lfunc_end0:
.L_simem_size_0:
called_computation_lowered:
.L_overlay_start_0:
0x88: {  	s2 =	sld [smem:$0x3FD9]  }
0x89: {  	s3 =	sld [smem:$0x3FFE];
	_ =	sdelay $0x1  }
0x8a: {  	s1 =	srdreg.scid  }
0x8b: {  	s0 =	sand.u32 $0x1, s1  }
0x8c: {  	s14 =	sshll.u32 s0, $0xA;
	s2 =	sadd.s32 s3, s2  }
0x8d: {  	s2 =	sadd.s32 s2, s14  }
0x8e: {  	[smem:$0x3FC5] =	sst s2  }
0x8f: {  	_ = 	snop  }
0x90: {  	s2 =	sld [smem:$0x3FD0];
	_ =	sdelay $0x2  }
0x91: {  	s15 =	simm.s32 $0xA;
	s4 =	simm.s32 $0x10  }
0x92: {  	[smem:s4], [sflag:s15] =	dma.local [hbm:s2], $0x1  }
0x93: {  	_ =	swait.eq [sflag:s15], $0x1  }
0x94: {  	[sflag:s15] =	ssyncset.done $0x0  }
0x95: {  	s16 =	sld [smem:$0x10];
	[sflag:s15] =	ssyncadd.s32 $0xFFFFFFFF  }
0x96: {  	s17 =	sld [smem:$0x11];
	(tm) =	ssettm $0x1  }
0x97: {  	s18 =	sld [smem:$0x3FFB];
	_ =	sdelay $0x3  }
0x98: {  	_ =	strace s18  }
0x99: {  	s4 =	sld [smem:$0x3FFC];
	_ =	sdelay $0x3  }
0x9a: {  	_ =	strace s4  }
0x9b: {  	s4 =	sld [smem:$0x3FFD];
	_ =	sdelay $0x3  }
0x9c: {  	_ =	strace s4  }
0x9d: {  	_ =	strace $0x8FFFFFFF  }
0x9e: {  	s19 =	sld [smem:$0x3FDB];
	_ =	sdelay $0x1  }
0x9f: {  	s5 =	simm.s32 $_scs_section_size  }
0xa0: {  	s6 =	simm.s32 $_size__tile_overlayer_lowered;
	s7 =	simm.s32 $_tile_overlayer_lowered  }
0xa1: {  	s22 =	simm.s32 $0x1BFF;
	s21 =	sshll.u32 s7, $0x1;
	s4 =	sadd.s32 s5, s19  }
0xa2: {  	s8 =	simm.s32 $0x0;
	s20 =	sshll.u32 s6, $0x1;
	s6 =	sadd.s32 s21, s4  }
0xa3: {  	[timem:s8], [sflag:s22] =	dma.local [hbm:s6], s20  }
0xa4: {  	_ =	swait.ge [sflag:s22], s20  }
0xa5: {  	s5 =	ssub.s32 $0x0, s20;
	[sflag:s22] =	ssyncset.done $0x0  }
0xa6: {  	[sflag:s22] =	ssyncadd.s32 s5;
	_ =	sdelay $0x1  }
0xa7: {  	s23 =	simm.s32 $0x1B8B  }
0xa8: {  	_ =	swait.ge [sflag:s23], $0x1  }
0xa9: {  	[sflag:s23] =	ssyncset.done $0x0  }
0xaa: {  	s25 =	simm.s32 $0x1B8E;
	s24 =	sld [smem:$0x3FFE];
	[sflag:s23] =	ssyncadd.s32 $0xFFFFFFFF  }
0xab: {  	s26 =	simm.s32 $execute0_lowered;
	[smem:$0x3FD2] =	sst s25  }
0xac: {  	s6 =	sshll.u32 s26, $0x1;
	_ =	strace $0x80000046;
	[dreg:$0x1] =	wrdreg $0xFFFFFFFF  }
0xad: {  	s28 =	simm.s32 $_size_execute0_lowered;
	s4 =	sadd.s32 s4, s6;
	[dreg:$0x0] =	wrdreg $0x0  }
0xae: {  	s6 =	sshll.u32 s28, $0x1;
	[dreg:$0x2] =	wrdreg s4  }
0xaf: {  	[dreg:$0x3] =	wrdreg s6  }
0xb0: {  	[dreg:$0x4] =	wrdreg $0xC0  }
0xb1: {  	_ =	task [dreg:s8], $0x5FFFF  }
0xb2: {  	[dreg:$0x1] =	wrdreg $0xFFFFFFFF  }
0xb3: {  	[dreg:$0x0] =	wrdreg $0x60  }
0xb4: {  	[dreg:$0x2] =	wrdreg s24  }
0xb5: {  	[dreg:$0x3] =	wrdreg s16  }
0xb6: {  	[dreg:$0x4] =	wrdreg s17  }
0xb7: {  	[dreg:$0x5] =	wrdreg $0x9  }
0xb8: {  	_ =	task.clear_ibuf [dreg:s8], $0x6FFFF;
	_ =	strace $0x90000046  }
0xb9: {  	s29 =	simm.s32 $0x9;
	_ =	strace $0x80000048  }
0xba: {  	_ =	swait.ge [sflag:s29], $0x1  }
0xbb: {  	[sflag:s29] =	ssyncadd.s32 $0xFFFFFFFF  }
0xbc: {  	_ =	strace $0x90000048  }
0xbd: {  	_ =	sfence  }
0xbe: {  	s30 =	sld [smem:$0x0];
	_ =	sdelay $0x2  }
0xbf: {  	s31 =	sshll.u32 s1, $0xD;
	s1 =	sshrl.u32 s1, $0x2  }
0xc0: {  	s3 =	sand.u32 $0x4000, s31;
	s1 =	sadd.s32 s1, s30  }
0xc1: {  	s0 =	sor.u32 s3, s0;
	s1 =	sshll.u32 s1, $0x11  }
0xc2: {  	s0 =	sor.u32 s1, s0  }
0xc3: {  	s0 =	sadd.s32 $0x8F2B, s0  }
0xc4: {  	[sflag:s0] =	ssyncadd.remote.s32 $0x1  }
0xc5: {  	_ =	sfence.sel $0xFFFF  }
0xc6: {  	[dreg:$0x0] =	wrdreg $0xFFFFFFFF;
	(pc) =	sbr.abs _section_cstart, $3  }
0xc7: {  	[dreg:$0x1] =	wrdreg $0xFFFFFFFF  }
0xc8: {  	_ =	task.clear_ibuf [dreg:s8], $0x2FFFF;
	_ =	strace $0x9FFFFFFF  }
0xc9: {  	(tm) =	ssettm $0x7FFFFFFF  }
tec
execute0_lowered:
.L_overlay_start_1:
0x0: {  	(tag) =	ssettag $0x1  }
0x1: {  	s0 =	rddreg [dreg:$0x0];
	s1 =	srdreg.scid  }
0x2: {  	s2 =	rddreg [dreg:$0x1];
	s4 =	stileid.u32  }
0x3: {  	s3 =	rddreg [dreg:$0x2];
	s6 =	simm.s32 $0x0;
	s11 =	simm.s32 $0x400  }
0x4: {  	s12 =	simm.s32 $0x8000;
	s15 =	simm.s32 $0x80;
	s16 =	simm.s32 $0x6800  }
0x5: {  	s17 =	simm.s32 $0xE800;
	s18 =	simm.s32 $0x1;
	s19 =	simm.s32 $0xA800  }
0x6: {  	s20 =	simm.s32 $0x12800;
	s23 =	simm.s32 $0x2;
	s1 =	sand.u32 $0x1, s1  }
0x7: {  	s4 =	sshll.u32 s4, $0xB;
	s5 =	sshll.u32 s1, $0xA;
	s1 =	ssub.s32 $0x2, s1  }
0x8: {  	v0 =	vlaneseq.u32;
	[smem:$0x7FF] =	sst s6;
	s5 =	sor.u32 s5, s4;
	s8 =	sshrl.u32 s1, $0x1  }
0x9: {  	s6 =	sadd.s32 $0xF5CE00, s0;
	v0 =	vmul.u32 $0x80, v0;
	s4 =	sshrl.u32 s5, $0x3;
	s29 =	ssub.s32 s1, s8  }
0xa: {  	s7 =	sadd.s32 $0x16FE000, s0;
	s4 =	sadd.s32 s4, s0;
	s0 =	smax.u32 s29, $0x1  }
0xb: {  	_ =	strace $0x80000047;
	v1 =	vor.u32 $0x800, v0;
	s30 =	sadd.s32 $0xDA00, s4;
	[dreg:$0x6] =	wrdreg s0  }
0xc: {  	s25 =	simm.s32 $0x1C800;
	v2 =	vor.u32 $0x1000, v0;
	v3 =	vor.u32 $0x1800, v0;
	v4 =	vor.u32 $0x2000, v0;
	s31 =	sadd.s32 $0xA00, s4;
	[dreg:$0x4] =	wrdreg s30  }
0xd: {  	s28 =	simm.s32 $0x4;
	v5 =	vor.u32 $0x2800, v0;
	v6 =	vor.u32 $0x3000, v0;
	v7 =	vor.u32 $0x3800, v0;
	s1 =	simm.s32 $0x0;
	[dreg:$0x5] =	wrdreg s31  }
.LBB2_1:
0xe: {  	[dreg:$0x7] =	wrdreg s1  }
0xf: {  	s0 =	simm.s32 $0x0;
	s29 =	rddreg [dreg:$0x4];
	s4 =	simm.s32 $0x5  }
0x10: {  	[tilespmem:s0], [sflag:$0x5] =	stream.strided.gather [hbm4b:s29+s11], $0x3400, s12, s11, $0x38;
	[tilespmem:$0x1E800] =	vst v63  }
0x11: {  	_ =	swait.ge [sflag:s4], $0x3400  }
0x12: {  	[sflag:s4] =	ssyncset.done $0x0  }
0x13: {  	s8 =	simm.s32 $0x3400;
	s31 =	rddreg [dreg:$0x5];
	[sflag:s4] =	ssyncadd.s32 $0xFFFFCC00  }
0x14: {  	[tilespmem:s8], [sflag:$0x5] =	stream.strided.gather [hbm4b:s31+s11], $0x3400, s12, s11, $0x38;
	[tilespmem:$0x1E800] =	vst v63  }
0x15: {  	_ =	swait.ge [sflag:s4], $0x3400  }
0x16: {  	[sflag:s4] =	ssyncset.done $0x0  }
0x17: {  	[sflag:s4] =	ssyncadd.s32 $0xFFFFCC00  }
0x18: {  	[tilespmem:s16], [sflag:$0x1] =	stream.indirect.gather [hbm4b:s6+s15], $0x80, s0, s15, $0xb8;
	[tilespmem:$0x1E800] =	vst v63  }
0x19: {  	s30 =	simm.s32 $0x0  }
0x1a: {  	[tilespmem:s17], [sflag:$0x1] =	stream.indirect.gather [hbm4b:s7+s15], $0x80, s0, s15, $0xb8;
	[tilespmem:$0x1E800] =	vst v63  }
.LBB2_2:
0x1b: {  	_ =	swait.ge [sflag:s18], $0x4000  }
0x1c: {  	[sflag:s18] =	ssyncset.done $0x0  }
0x1d: {  	[sflag:s18] =	ssyncadd.s32 $0xFFFFC000  }
0x1e: {  	s31 =	sshllo.u32 s30, $0x1;
	_ =	swait.ge [sflag:s18], $0x4000  }
0x1f: {  	s0 =	sshll.u32 s31, $0x9;
	[sflag:s18] =	ssyncset.done $0x0  }
0x20: {  	p0 =	seq.s32 s30, $0x0;
	s1 =	sshrl.u32 s0, $0x2;
	[sflag:s18] =	ssyncadd.s32 $0xFFFFC000  }
0x21: {  	[tilespmem:s19], [sflag:$0x2] =	stream.indirect.gather [hbm4b:s6+s15], $0x80, s1, s15, $0xb8;
	[tilespmem:$0x1E800] =	vst v63  }
0x22: {  	s4 =	simm.s32 @!p0 $0x3  }
0x23: {  	[tilespmem:s20], [sflag:$0x2] =	stream.indirect.gather [hbm4b:s7+s15], $0x80, s1, s15, $0xb8;
	[tilespmem:$0x1E800] =	vst v63  }
0x24: {  	_ =	swait.ge @!p0 [sflag:s4], $0x2000  }
0x25: {  	[sflag:s4] =	ssyncset.done @!p0 $0x0  }
0x26: {  	[sflag:s4] =	ssyncadd.s32 @!p0 $0xFFFFE000  }
0x27: {  	_ =	swait.ge @!p0 [sflag:s4], $0x2000  }
0x28: {  	s0 =	sshll.u32 s30, $0xA;
	[sflag:s4] =	ssyncset.done @!p0 $0x0  }
0x29: {  	s8 =	sshrl.u32 s0, $0x2;
	[sflag:s4] =	ssyncadd.s32 @!p0 $0xFFFFE000  }
0x2a: {  	v15 =	vld [tilespmem:s8+$0x3400];
	_ =	sdelay $0x3  }
0x2b: {  	s4 =	simm.s32 $0x0;
	v14 =	vld [tilespmem:s8+$0x3410]  }
0x2c: {  	s13 =	simm.s32 $0x2;
	v13 =	vld [tilespmem:s8+$0x3420];
	v8 =	vadd.s32 s4, v15  }
0x2d: {  	v12 =	vld [tilespmem:s8+$0x3430];
	v18 =	vadd.s32 s13, v15;
	v16 =	vadd.s32 v0, v8  }
0x2e: {  	s10 =	simm.s32 $0x3;
	v11 =	vld [tilespmem:s8+$0x3440];
	v18 =	vadd.s32 v0, v18  }
0x2f: {  	s26 =	simm.s32 $0x1;
	s14 =	simm.s32 $0x7;
	v10 =	vld [tilespmem:s8+$0x3450];
	v20 =	vadd.s32 s10, v15  }
0x30: {  	v9 =	vld [tilespmem:s8+$0x3460];
	v22 =	vadd.s32 s14, v15;
	v8 =	vadd.s32 s26, v15;
	v20 =	vadd.s32 v0, v20  }
0x31: {  	v22 =	vadd.s32 v0, v22;
	v17 =	vadd.s32 v0, v8;
	v8 =	vld [tilespmem:s8+$0x3470]  }
0x32: {  	s22 =	simm.s32 $0x4;
	v19 =	vld.idx.msk [tilespmem:v16+s16+$0x0], $0xffff  }
0x33: {  	s24 =	simm.s32 $0x5;
	v24 =	vadd.s32 s22, v15;
	v23 =	vld.idx.msk [tilespmem:v18+s16+$0x0], $0xffff  }
0x34: {  	v26 =	vadd.s32 s24, v15;
	v24 =	vadd.s32 v0, v24;
	v18 =	vld.idx.msk [tilespmem:v18+s17+$0x0], $0xffff  }
0x35: {  	v26 =	vadd.s32 v0, v26;
	v25 =	vld.idx.msk [tilespmem:v20+s16+$0x0], $0xffff  }
0x36: {  	v28 =	vld.idx.msk [tilespmem:v22+s16+$0x0], $0xffff  }
0x37: {  	v20 =	vld.idx.msk [tilespmem:v20+s17+$0x0], $0xffff  }
0x38: {  	s21 =	simm.s32 $0x6;
	v22 =	vld.idx.msk [tilespmem:v22+s17+$0x0], $0xffff  }
0x39: {  	v27 =	vadd.s32 s21, v15;
	v29 =	vld.idx.msk [tilespmem:v24+s16+$0x0], $0xffff  }
0x3a: {  	v27 =	vadd.s32 v0, v27;
	s8 =	simm.s32 $0x16A00;
	v32 =	vld.idx.msk [tilespmem:v26+s16+$0x0], $0xffff  }
0x3b: {  	v24 =	vld.idx.msk [tilespmem:v24+s17+$0x0], $0xffff;
	[tilespmem:s8+$0x180] =	vst v28  }
0x3c: {  	v30 =	vadd.s32 s14, v14;
	v21 =	vld.idx.msk [tilespmem:v17+s16+$0x0], $0xffff;
	[tilespmem:s8+$0xFFFFFF00] =	vst v23  }
0x3d: {  	v30 =	vadd.s32 v1, v30;
	v26 =	vld.idx.msk [tilespmem:v26+s17+$0x0], $0xffff;
	[tilespmem:s8+$0xFFFFFF80] =	vst v25  }
0x3e: {  	v31 =	vadd.s32 s26, v14;
	v17 =	vld.idx.msk [tilespmem:v17+s17+$0x0], $0xffff;
	[tilespmem:s8+$0x0] =	vst v29  }
0x3f: {  	s9 =	simm.s32 $0x1AA00;
	v31 =	vadd.s32 v1, v31;
	v34 =	vld.idx.msk [tilespmem:v27+s16+$0x0], $0xffff;
	[tilespmem:s8+$0x80] =	vst v32  }
0x40: {  	v33 =	vadd.s32 s13, v14;
	v16 =	vld.idx.msk [tilespmem:v16+s17+$0x0], $0xffff;
	[tilespmem:s9+$0x180] =	vst v22  }
0x41: {  	v27 =	vld.idx.msk [tilespmem:v27+s17+$0x0], $0xffff;
	v28 =	vadd.s32 v1, v33;
	[tilespmem:s8+$0xFFFFFE80] =	vst v21  }
0x42: {  	v25 =	vadd.s32 s22, v14;
	v21 =	vadd.s32 s10, v14;
	[tilespmem:s9+$0xFFFFFF80] =	vst v20;
	v22 =	vld.idx.msk [tilespmem:v30+s16+$0x0], $0xffff  }
0x43: {  	v20 =	vadd.s32 v1, v25;
	[tilespmem:s9+$0xFFFFFE80] =	vst v17;
	v17 =	vadd.s32 v1, v21;
	v21 =	vld.idx.msk [tilespmem:v30+s17+$0x0], $0xffff  }
0x44: {  	[tilespmem:s8+$0x100] =	vst v34;
	v30 =	vld.idx.msk [tilespmem:v31+s16+$0x0], $0xffff  }
0x45: {  	v23 =	vadd.s32 s14, v13;
	[tilespmem:s9+$0xFFFFFF00] =	vst v18;
	v31 =	vld.idx.msk [tilespmem:v31+s17+$0x0], $0xffff  }
0x46: {  	[tilespmem:s8+$0xFFFFFE00] =	vst v19;
	v18 =	vadd.s32 v2, v23;
	v23 =	vld.idx.msk [tilespmem:v28+s16+$0x0], $0xffff  }
0x47: {  	[tilespmem:s9+$0x0] =	vst v24;
	v28 =	vld.idx.msk [tilespmem:v28+s17+$0x0], $0xffff  }
0x48: {  	v44 =	vadd.s32 s4, v14;
	[tilespmem:s9+$0x80] =	vst v26;
	v24 =	vld.idx.msk [tilespmem:v20+s16+$0x0], $0xffff  }
0x49: {  	v32 =	vadd.s32 v1, v44;
	[tilespmem:s9+$0x100] =	vst v27;
	v27 =	vadd.s32 s26, v13;
	v20 =	vld.idx.msk [tilespmem:v20+s17+$0x0], $0xffff  }
0x4a: {  	v27 =	vadd.s32 v2, v27;
	v25 =	vld.idx.msk [tilespmem:v17+s16+$0x0], $0xffff;
	[tilespmem:s8+$0x190] =	vst v22  }
0x4b: {  	v42 =	vadd.s32 s24, v14;
	v17 =	vld.idx.msk [tilespmem:v17+s17+$0x0], $0xffff;
	[tilespmem:s9+$0x190] =	vst v21  }
0x4c: {  	[tilespmem:s9+$0xFFFFFE00] =	vst v16;
	v22 =	vadd.s32 v1, v42;
	v29 =	vld.idx.msk [tilespmem:v18+s16+$0x0], $0xffff  }
0x4d: {  	v43 =	vadd.s32 s14, v12;
	[tilespmem:s8+$0xFFFFFE90] =	vst v30;
	v18 =	vld.idx.msk [tilespmem:v18+s17+$0x0], $0xffff  }
0x4e: {  	v26 =	vadd.s32 v3, v43;
	v30 =	vld.idx.msk [tilespmem:v32+s17+$0x0], $0xffff;
	[tilespmem:s9+$0xFFFFFE90] =	vst v31  }
0x4f: {  	v21 =	vadd.s32 s21, v14;
	v31 =	vld.idx.msk [tilespmem:v27+s16+$0x0], $0xffff  }
0x50: {  	v21 =	vadd.s32 v1, v21;
	[tilespmem:s8+$0xFFFFFF10] =	vst v23;
	v27 =	vld.idx.msk [tilespmem:v27+s17+$0x0], $0xffff  }
0x51: {  	v33 =	vld.idx.msk [tilespmem:v22+s16+$0x0], $0xffff;
	[tilespmem:s8+$0x1A0] =	vst v29  }
0x52: {  	v22 =	vld.idx.msk [tilespmem:v22+s17+$0x0], $0xffff;
	[tilespmem:s9+$0x1A0] =	vst v18;
	v18 =	vadd.s32 s13, v13  }
0x53: {  	[tilespmem:s9+$0xFFFFFF10] =	vst v28;
	v19 =	vld.idx.msk [tilespmem:v26+s16+$0x0], $0xffff;
	v16 =	vadd.s32 v2, v18  }
0x54: {  	[tilespmem:s8+$0x10] =	vst v24;
	v29 =	vadd.s32 s14, v11;
	v18 =	vld.idx.msk [tilespmem:v26+s17+$0x0], $0xffff  }
0x55: {  	[tilespmem:s8+$0xFFFFFF90] =	vst v25;
	v34 =	vld.idx.msk [tilespmem:v21+s16+$0x0], $0xffff;
	v29 =	vadd.s32 v4, v29  }
0x56: {  	v23 =	vadd.s32 s10, v13;
	v21 =	vld.idx.msk [tilespmem:v21+s17+$0x0], $0xffff;
	[tilespmem:s8+$0x90] =	vst v33  }
0x57: {  	v23 =	vadd.s32 v2, v23;
	v26 =	vld.idx.msk [tilespmem:v32+s16+$0x0], $0xffff;
	[tilespmem:s9+$0x90] =	vst v22  }
0x58: {  	v46 =	vadd.s32 s21, v13;
	v28 =	vld.idx.msk [tilespmem:v16+s16+$0x0], $0xffff;
	[tilespmem:s8+$0x1B0] =	vst v19  }
0x59: {  	v22 =	vadd.s32 v2, v46;
	v16 =	vld.idx.msk [tilespmem:v16+s17+$0x0], $0xffff;
	[tilespmem:s9+$0x1B0] =	vst v18  }
0x5a: {  	v45 =	vadd.s32 s22, v13;
	[tilespmem:s9+$0x10] =	vst v20;
	v18 =	vadd.s32 s24, v13;
	v25 =	vld.idx.msk [tilespmem:v29+s16+$0x0], $0xffff  }
0x5b: {  	[tilespmem:s9+$0xFFFFFF90] =	vst v17;
	v19 =	vadd.s32 v2, v45;
	v17 =	vadd.s32 v2, v18;
	v18 =	vld.idx.msk [tilespmem:v29+s17+$0x0], $0xffff  }
0x5c: {  	[tilespmem:s8+$0x110] =	vst v34;
	v29 =	vld.idx.msk [tilespmem:v23+s16+$0x0], $0xffff  }
0x5d: {  	[tilespmem:s9+$0x110] =	vst v21;
	v23 =	vld.idx.msk [tilespmem:v23+s17+$0x0], $0xffff  }
0x5e: {  	v24 =	vadd.s32 s14, v10;
	[tilespmem:s8+$0xFFFFFEA0] =	vst v31;
	v21 =	vld.idx.msk [tilespmem:v22+s16+$0x0], $0xffff  }
0x5f: {  	v20 =	vadd.s32 v5, v24;
	[tilespmem:s9+$0xFFFFFEA0] =	vst v27;
	v22 =	vld.idx.msk [tilespmem:v22+s17+$0x0], $0xffff  }
0x60: {  	v49 =	vadd.s32 s10, v12;
	[tilespmem:s8+$0xFFFFFE10] =	vst v26;
	v24 =	vld.idx.msk [tilespmem:v19+s16+$0x0], $0xffff  }
0x61: {  	v50 =	vadd.s32 v3, v49;
	[tilespmem:s9+$0xFFFFFE10] =	vst v30;
	v19 =	vld.idx.msk [tilespmem:v19+s17+$0x0], $0xffff  }
0x62: {  	v47 =	vadd.s32 s4, v13;
	v33 =	vld.idx.msk [tilespmem:v17+s16+$0x0], $0xffff;
	[tilespmem:s8+$0x1C0] =	vst v25  }
0x63: {  	v25 =	vadd.s32 v2, v47;
	v17 =	vld.idx.msk [tilespmem:v17+s17+$0x0], $0xffff;
	[tilespmem:s9+$0x1C0] =	vst v18  }
0x64: {  	[tilespmem:s8+$0xFFFFFFA0] =	vst v29;
	v18 =	vadd.s32 s26, v12;
	v48 =	vld.idx.msk [tilespmem:v20+s16+$0x0], $0xffff  }
0x65: {  	v29 =	vadd.s32 s14, v8;
	[tilespmem:s9+$0xFFFFFFA0] =	vst v23;
	v18 =	vadd.s32 v3, v18;
	v20 =	vld.idx.msk [tilespmem:v20+s17+$0x0], $0xffff  }
0x66: {  	v26 =	vadd.s32 s14, v9;
	[tilespmem:s8+$0xFFFFFF20] =	vst v28;
	v23 =	vadd.s32 v7, v29;
	v29 =	vld.idx.msk [tilespmem:v50+s16+$0x0], $0xffff  }
0x67: {  	v26 =	vadd.s32 v6, v26;
	[tilespmem:s9+$0xFFFFFF20] =	vst v16;
	v32 =	vld.idx.msk [tilespmem:v50+s17+$0x0], $0xffff  }
0x68: {  	v31 =	vadd.s32 s13, v12;
	[tilespmem:s8+$0x20] =	vst v24;
	v30 =	vld.idx.msk [tilespmem:v25+s16+$0x0], $0xffff  }
0x69: {  	v27 =	vadd.s32 v3, v31;
	v24 =	vadd.s32 s24, v12;
	[tilespmem:s9+$0x20] =	vst v19;
	v25 =	vld.idx.msk [tilespmem:v25+s17+$0x0], $0xffff  }
0x6a: {  	v19 =	vadd.s32 v3, v24;
	v31 =	vld.idx.msk [tilespmem:v18+s16+$0x0], $0xffff;
	[tilespmem:s8+$0x1D0] =	vst v48  }
0x6b: {  	v18 =	vld.idx.msk [tilespmem:v18+s17+$0x0], $0xffff;
	[tilespmem:s9+$0x1D0] =	vst v20  }
0x6c: {  	[tilespmem:s8+$0x120] =	vst v21;
	v20 =	vadd.s32 s22, v12;
	v28 =	vld.idx.msk [tilespmem:v26+s16+$0x0], $0xffff  }
0x6d: {  	[tilespmem:s8+$0xA0] =	vst v33;
	v16 =	vadd.s32 v3, v20;
	v20 =	vld.idx.msk [tilespmem:v26+s17+$0x0], $0xffff  }
0x6e: {  	[tilespmem:s9+$0xA0] =	vst v17;
	v26 =	vld.idx.msk [tilespmem:v27+s16+$0x0], $0xffff  }
0x6f: {  	[tilespmem:s8+$0xFFFFFFB0] =	vst v29;
	v53 =	vld.idx.msk [tilespmem:v19+s16+$0x0], $0xffff  }
0x70: {  	v29 =	vadd.s32 s24, v11;
	v19 =	vld.idx.msk [tilespmem:v19+s17+$0x0], $0xffff;
	[tilespmem:s8+$0xFFFFFEB0] =	vst v31  }
0x71: {  	v29 =	vadd.s32 v4, v29;
	v27 =	vld.idx.msk [tilespmem:v27+s17+$0x0], $0xffff;
	v31 =	vadd.s32 s10, v11;
	[tilespmem:s9+$0xFFFFFEB0] =	vst v18  }
0x72: {  	v18 =	vadd.s32 v4, v31;
	v24 =	vld.idx.msk [tilespmem:v16+s16+$0x0], $0xffff;
	[tilespmem:s8+$0x1E0] =	vst v28  }
0x73: {  	v51 =	vadd.s32 s21, v12;
	v28 =	vld.idx.msk [tilespmem:v16+s17+$0x0], $0xffff;
	[tilespmem:s9+$0x1E0] =	vst v20  }
0x74: {  	v16 =	vadd.s32 v3, v51;
	[tilespmem:s8+$0xB0] =	vst v53;
	v52 =	vld.idx.msk [tilespmem:v23+s16+$0x0], $0xffff  }
0x75: {  	v20 =	vadd.s32 s4, v12;
	[tilespmem:s9+$0xB0] =	vst v19;
	v17 =	vld.idx.msk [tilespmem:v23+s17+$0x0], $0xffff  }
0x76: {  	[tilespmem:s9+$0xFFFFFFB0] =	vst v32;
	v20 =	vadd.s32 v3, v20;
	v34 =	vld.idx.msk [tilespmem:v29+s16+$0x0], $0xffff  }
0x77: {  	s14 =	simm.s32 $0x8;
	[tilespmem:s8+$0xFFFFFF30] =	vst v26;
	v26 =	vadd.s32 s22, v11;
	v32 =	vld.idx.msk [tilespmem:v18+s16+$0x0], $0xffff  }
0x78: {  	[tilespmem:s9+$0x120] =	vst v22;
	v26 =	vadd.s32 v4, v26;
	v23 =	vadd.s32 s14, v15;
	v18 =	vld.idx.msk [tilespmem:v18+s17+$0x0], $0xffff  }
0x79: {  	[tilespmem:s8+$0xFFFFFE20] =	vst v30;
	v21 =	vadd.s32 v0, v23;
	v23 =	vld.idx.msk [tilespmem:v16+s16+$0x0], $0xffff  }
0x7a: {  	[tilespmem:s9+$0xFFFFFE20] =	vst v25;
	v25 =	vld.idx.msk [tilespmem:v16+s17+$0x0], $0xffff  }
0x7b: {  	v22 =	vadd.s32 s26, v11;
	[tilespmem:s8+$0x30] =	vst v24;
	v30 =	vld.idx.msk [tilespmem:v20+s16+$0x0], $0xffff  }
0x7c: {  	v22 =	vadd.s32 v4, v22;
	[tilespmem:s9+$0x30] =	vst v28;
	v20 =	vld.idx.msk [tilespmem:v20+s17+$0x0], $0xffff  }
0x7d: {  	[tilespmem:s9+$0xFFFFFF30] =	vst v27;
	v55 =	vld.idx.msk [tilespmem:v26+s16+$0x0], $0xffff  }
0x7e: {  	v16 =	vadd.s32 s13, v11;
	[tilespmem:s8+$0x1F0] =	vst v52;
	v26 =	vld.idx.msk [tilespmem:v26+s17+$0x0], $0xffff  }
0x7f: {  	v54 =	vadd.s32 v4, v16;
	[tilespmem:s9+$0x1F0] =	vst v17;
	v16 =	vld.idx.msk [tilespmem:v21+s16+$0x0], $0xffff  }
0x80: {  	v24 =	vadd.s32 s21, v11;
	v17 =	vld.idx.msk [tilespmem:v21+s17+$0x0], $0xffff;
	[tilespmem:s8+$0xFFFFFFC0] =	vst v32  }
0x81: {  	v24 =	vadd.s32 v4, v24;
	v21 =	vld.idx.msk [tilespmem:v22+s16+$0x0], $0xffff;
	[tilespmem:s8+$0x130] =	vst v23  }
0x82: {  	v28 =	vadd.s32 s4, v11;
	v22 =	vld.idx.msk [tilespmem:v22+s17+$0x0], $0xffff;
	[tilespmem:s9+$0xFFFFFFC0] =	vst v18  }
0x83: {  	v28 =	vadd.s32 v4, v28;
	v23 =	vld.idx.msk [tilespmem:v29+s17+$0x0], $0xffff;
	[tilespmem:s9+$0x130] =	vst v25  }
0x84: {  	v19 =	vadd.s32 s26, v10;
	v27 =	vld.idx.msk [tilespmem:v54+s16+$0x0], $0xffff;
	[tilespmem:s8+$0xFFFFFE30] =	vst v30  }
0x85: {  	v19 =	vadd.s32 v5, v19;
	v31 =	vld.idx.msk [tilespmem:v54+s17+$0x0], $0xffff;
	[tilespmem:s8+$0x40] =	vst v55  }
0x86: {  	v25 =	vadd.s32 s13, v10;
	v29 =	vld.idx.msk [tilespmem:v24+s16+$0x0], $0xffff;
	[tilespmem:s9+$0xFFFFFE30] =	vst v20  }
0x87: {  	v24 =	vld.idx.msk [tilespmem:v24+s17+$0x0], $0xffff;
	v20 =	vadd.s32 v5, v25;
	[tilespmem:s8+$0xFFFFFEC0] =	vst v21  }
0x88: {  	v21 =	vadd.s32 s10, v10;
	[tilespmem:s9+$0x40] =	vst v26;
	v25 =	vld.idx.msk [tilespmem:v28+s16+$0x0], $0xffff  }
0x89: {  	v28 =	vld.idx.msk [tilespmem:v28+s17+$0x0], $0xffff;
	[tilespmem:s9+$0xFFFFFEC0] =	vst v22;
	v21 =	vadd.s32 v5, v21  }
0x8a: {  	v56 =	vadd.s32 s21, v10;
	v22 =	vld.idx.msk [tilespmem:v19+s16+$0x0], $0xffff;
	[tilespmem:s8+$0xFFFFFF40] =	vst v27  }
0x8b: {  	v26 =	vadd.s32 v5, v56;
	v19 =	vld.idx.msk [tilespmem:v19+s17+$0x0], $0xffff;
	[tilespmem:s9+$0xFFFFFF40] =	vst v31  }
0x8c: {  	v57 =	vadd.s32 s4, v10;
	[tilespmem:s8+$0xC0] =	vst v34;
	v30 =	vld.idx.msk [tilespmem:v20+s16+$0x0], $0xffff  }
0x8d: {  	v32 =	vadd.s32 v5, v57;
	[tilespmem:s9+$0xC0] =	vst v23;
	v31 =	vadd.s32 s24, v10;
	v20 =	vld.idx.msk [tilespmem:v20+s17+$0x0], $0xffff  }
0x8e: {  	v27 =	vadd.s32 s22, v10;
	[tilespmem:s8+$0x140] =	vst v29;
	v18 =	vadd.s32 v5, v31;
	v31 =	vld.idx.msk [tilespmem:v21+s16+$0x0], $0xffff  }
0x8f: {  	v27 =	vadd.s32 v5, v27;
	[tilespmem:s9+$0x140] =	vst v24;
	v21 =	vld.idx.msk [tilespmem:v21+s17+$0x0], $0xffff  }
0x90: {  	v23 =	vadd.s32 s26, v9;
	[tilespmem:s8+$0xFFFFFE40] =	vst v25;
	v25 =	vld.idx.msk [tilespmem:v26+s16+$0x0], $0xffff  }
0x91: {  	v23 =	vadd.s32 v6, v23;
	v26 =	vld.idx.msk [tilespmem:v26+s17+$0x0], $0xffff;
	[tilespmem:s9+$0xFFFFFE40] =	vst v28  }
0x92: {  	v28 =	vld.idx.msk [tilespmem:v32+s16+$0x0], $0xffff  }
0x93: {  	v29 =	vld.idx.msk [tilespmem:v32+s17+$0x0], $0xffff  }
0x94: {  	v24 =	vadd.s32 s13, v9;
	[tilespmem:s8+$0xFFFFFED0] =	vst v22;
	v33 =	vld.idx.msk [tilespmem:v27+s16+$0x0], $0xffff  }
0x95: {  	v24 =	vadd.s32 v6, v24;
	v22 =	vadd.s32 s10, v9;
	[tilespmem:s9+$0xFFFFFED0] =	vst v19;
	v27 =	vld.idx.msk [tilespmem:v27+s17+$0x0], $0xffff  }
0x96: {  	v19 =	vadd.s32 v6, v22;
	v22 =	vld.idx.msk [tilespmem:v23+s16+$0x0], $0xffff;
	[tilespmem:s8+$0xFFFFFF50] =	vst v30  }
0x97: {  	v23 =	vld.idx.msk [tilespmem:v23+s17+$0x0], $0xffff;
	[tilespmem:s9+$0xFFFFFF50] =	vst v20  }
0x98: {  	v59 =	vadd.s32 s4, v9;
	v34 =	vld.idx.msk [tilespmem:v18+s16+$0x0], $0xffff;
	[tilespmem:s8+$0xFFFFFFD0] =	vst v31  }
0x99: {  	v32 =	vadd.s32 v6, v59;
	v18 =	vld.idx.msk [tilespmem:v18+s17+$0x0], $0xffff;
	v30 =	vadd.s32 s22, v9;
	[tilespmem:s8+$0x150] =	vst v25  }
0x9a: {  	v20 =	vadd.s32 v6, v30;
	v30 =	vld.idx.msk [tilespmem:v24+s16+$0x0], $0xffff;
	[tilespmem:s9+$0xFFFFFFD0] =	vst v21  }
0x9b: {  	v31 =	vadd.s32 s24, v9;
	v24 =	vld.idx.msk [tilespmem:v24+s17+$0x0], $0xffff;
	[tilespmem:s8+$0xFFFFFE50] =	vst v28  }
0x9c: {  	v21 =	vadd.s32 v6, v31;
	v31 =	vld.idx.msk [tilespmem:v19+s16+$0x0], $0xffff;
	[tilespmem:s8+$0x50] =	vst v33  }
0x9d: {  	v19 =	vld.idx.msk [tilespmem:v19+s17+$0x0], $0xffff;
	[tilespmem:s9+$0xFFFFFE50] =	vst v29  }
0x9e: {  	v25 =	vadd.s32 s13, v8;
	[tilespmem:s8+$0xFFFFFEE0] =	vst v22;
	v28 =	vld.idx.msk [tilespmem:v32+s16+$0x0], $0xffff  }
0x9f: {  	v25 =	vadd.s32 v7, v25;
	[tilespmem:s9+$0x50] =	vst v27;
	v29 =	vld.idx.msk [tilespmem:v32+s17+$0x0], $0xffff  }
0xa0: {  	v58 =	vadd.s32 s21, v9;
	[tilespmem:s8+$0xD0] =	vst v34;
	v33 =	vld.idx.msk [tilespmem:v20+s16+$0x0], $0xffff  }
0xa1: {  	v27 =	vadd.s32 v6, v58;
	v20 =	vld.idx.msk [tilespmem:v20+s17+$0x0], $0xffff;
	[tilespmem:s9+$0xD0] =	vst v18  }
0xa2: {  	v22 =	vadd.s32 s10, v8;
	v34 =	vld.idx.msk [tilespmem:v21+s16+$0x0], $0xffff;
	[tilespmem:s8+$0xFFFFFF60] =	vst v30  }
0xa3: {  	v22 =	vadd.s32 v7, v22;
	v21 =	vld.idx.msk [tilespmem:v21+s17+$0x0], $0xffff;
	v30 =	vadd.s32 s22, v8;
	[tilespmem:s9+$0xFFFFFF60] =	vst v24  }
0xa4: {  	v18 =	vadd.s32 s26, v8;
	v24 =	vadd.s32 v7, v30;
	v30 =	vld.idx.msk [tilespmem:v25+s16+$0x0], $0xffff  }
0xa5: {  	[tilespmem:s9+$0x150] =	vst v26;
	v18 =	vadd.s32 v7, v18;
	v60 =	vld.idx.msk [tilespmem:v25+s17+$0x0], $0xffff  }
0xa6: {  	[tilespmem:s8+$0xFFFFFFE0] =	vst v31;
	v26 =	vld.idx.msk [tilespmem:v27+s16+$0x0], $0xffff  }
0xa7: {  	v31 =	vadd.s32 s24, v8;
	[tilespmem:s9+$0xFFFFFFE0] =	vst v19;
	v27 =	vld.idx.msk [tilespmem:v27+s17+$0x0], $0xffff  }
0xa8: {  	v19 =	vadd.s32 v7, v31;
	v31 =	vld.idx.msk [tilespmem:v22+s16+$0x0], $0xffff  }
0xa9: {  	[tilespmem:s9+$0xFFFFFEE0] =	vst v23;
	v22 =	vld.idx.msk [tilespmem:v22+s17+$0x0], $0xffff  }
0xaa: {  	v25 =	vadd.s32 s21, v8;
	[tilespmem:s8+$0x60] =	vst v33;
	v23 =	vld.idx.msk [tilespmem:v18+s16+$0x0], $0xffff  }
0xab: {  	v18 =	vld.idx.msk [tilespmem:v18+s17+$0x0], $0xffff;
	[tilespmem:s9+$0x60] =	vst v20;
	v20 =	vadd.s32 v7, v25  }
0xac: {  	s10 =	simm.s32 $0x9;
	v25 =	vadd.s32 s4, v8;
	[tilespmem:s8+$0xE0] =	vst v34;
	v33 =	vld.idx.msk [tilespmem:v24+s16+$0x0], $0xffff  }
0xad: {  	v61 =	vadd.s32 v7, v25;
	v35 =	vld.idx.msk [tilespmem:v24+s17+$0x0], $0xffff;
	[tilespmem:s9+$0xE0] =	vst v21;
	v21 =	vadd.s32 s10, v15  }
0xae: {  	s4 =	simm.s32 $0xA;
	v36 =	vld.idx.msk [tilespmem:v19+s16+$0x0], $0xffff;
	v21 =	vadd.s32 v0, v21;
	[tilespmem:s8+$0x160] =	vst v26  }
0xaf: {  	v37 =	vld.idx.msk [tilespmem:v19+s17+$0x0], $0xffff;
	v19 =	vadd.s32 s4, v15;
	[tilespmem:s9+$0x160] =	vst v27  }
0xb0: {  	[tilespmem:s8+$0xFFFFFE60] =	vst v28;
	v28 =	vadd.s32 v0, v19;
	v24 =	vld.idx.msk [tilespmem:v20+s16+$0x0], $0xffff  }
0xb1: {  	s13 =	simm.s32 $0xB;
	[tilespmem:s9+$0xFFFFFE60] =	vst v29;
	v26 =	vld.idx.msk [tilespmem:v20+s17+$0x0], $0xffff  }
0xb2: {  	v19 =	vadd.s32 s13, v15;
	[tilespmem:s8+$0xFFFFFEF0] =	vst v23;
	v25 =	vld.idx.msk [tilespmem:v61+s16+$0x0], $0xffff  }
0xb3: {  	s24 =	simm.s32 $0xF;
	v23 =	vadd.s32 v0, v19;
	[tilespmem:s9+$0xFFFFFEF0] =	vst v18;
	v18 =	vld.idx.msk [tilespmem:v21+s16+$0x0], $0xffff  }
0xb4: {  	[tilespmem:s8+$0xFFFFFF70] =	vst v30;
	v20 =	vadd.s32 s24, v15;
	v19 =	vld.idx.msk [tilespmem:v21+s17+$0x0], $0xffff  }
0xb5: {  	s29 =	simm.s32 $0xC;
	[tilespmem:s9+$0xFFFFFF70] =	vst v60;
	v62 =	vadd.s32 v0, v20;
	v21 =	vld.idx.msk [tilespmem:v28+s16+$0x0], $0xffff  }
0xb6: {  	[tilespmem:s8+$0xFFFFFFF0] =	vst v31;
	v20 =	vld.idx.msk [tilespmem:v28+s17+$0x0], $0xffff;
	v28 =	vadd.s32 s29, v15  }
0xb7: {  	s21 =	simm.s32 $0xD;
	[tilespmem:s9+$0xFFFFFFF0] =	vst v22;
	v27 =	vld.idx.msk [tilespmem:v61+s17+$0x0], $0xffff;
	v29 =	vadd.s32 v0, v28  }
0xb8: {  	[tilespmem:s8+$0x70] =	vst v33;
	v28 =	vadd.s32 s21, v15;
	v22 =	vld.idx.msk [tilespmem:v23+s16+$0x0], $0xffff  }
0xb9: {  	s26 =	simm.s32 $0xE;
	[tilespmem:s9+$0x70] =	vst v35;
	v23 =	vld.idx.msk [tilespmem:v23+s17+$0x0], $0xffff;
	v30 =	vadd.s32 v0, v28  }
0xba: {  	v63 =	vadd.s32 s26, v15;
	[tilespmem:s8+$0xF0] =	vst v36;
	v31 =	vld.idx.msk [tilespmem:v62+s16+$0x0], $0xffff  }
0xbb: {  	s22 =	simm.s32 $0x10;
	[tilespmem:s9+$0xF0] =	vst v37;
	v28 =	vadd.s32 v0, v63;
	v32 =	vld.idx.msk [tilespmem:v62+s17+$0x0], $0xffff  }
.LBB2_3:
0xbc: {  	p0 =	slt.u32 s22, $0x38;
	v33 =	vld.idx.msk [tilespmem:v29+s16+$0x0], $0xffff;
	v34 =	vadd.s32 s24, v14;
	[tilespmem:s8+$0x170] =	vst v24  }
0xbd: {  	v24 =	vld.idx.msk [tilespmem:v29+s17+$0x0], $0xffff;
	v29 =	vadd.s32 v1, v34;
	[tilespmem:s9+$0x170] =	vst v26  }
0xbe: {  	v26 =	vadd.s32 s10, v14;
	v34 =	vld.idx.msk [tilespmem:v30+s16+$0x0], $0xffff;
	[tilespmem:s8+$0xFFFFFE70] =	vst v25  }
0xbf: {  	v25 =	vadd.s32 v1, v26;
	s8 =	sadd.s32 $0x400, s8;
	v26 =	vld.idx.msk [tilespmem:v30+s17+$0x0], $0xffff;
	[tilespmem:s9+$0xFFFFFE70] =	vst v27  }
0xc0: {  	v27 =	vadd.s32 s4, v14;
	s9 =	sadd.s32 $0x400, s9;
	v30 =	vld.idx.msk [tilespmem:v28+s16+$0x0], $0xffff;
	[tilespmem:s8+$0x180] =	vst v31  }
0xc1: {  	v27 =	vadd.s32 v1, v27;
	v28 =	vld.idx.msk [tilespmem:v28+s17+$0x0], $0xffff;
	[tilespmem:s9+$0x180] =	vst v32  }
0xc2: {  	[tilespmem:s8+$0xFFFFFE80] =	vst v18;
	v18 =	vadd.s32 s13, v14;
	v31 =	vld.idx.msk [tilespmem:v29+s16+$0x0], $0xffff  }
0xc3: {  	[tilespmem:s9+$0xFFFFFE80] =	vst v19;
	v18 =	vadd.s32 v1, v18;
	v19 =	vld.idx.msk [tilespmem:v29+s17+$0x0], $0xffff  }
0xc4: {  	v29 =	vld.idx.msk [tilespmem:v25+s16+$0x0], $0xffff;
	[tilespmem:s8+$0xFFFFFF00] =	vst v21;
	v21 =	vadd.s32 s24, v13  }
0xc5: {  	v25 =	vld.idx.msk [tilespmem:v25+s17+$0x0], $0xffff;
	[tilespmem:s9+$0xFFFFFF00] =	vst v20;
	v20 =	vadd.s32 v2, v21  }
0xc6: {  	v21 =	vld.idx.msk [tilespmem:v27+s16+$0x0], $0xffff;
	[tilespmem:s8+$0xFFFFFF80] =	vst v22;
	v22 =	vadd.s32 s29, v14  }
0xc7: {  	v27 =	vld.idx.msk [tilespmem:v27+s17+$0x0], $0xffff;
	[tilespmem:s9+$0xFFFFFF80] =	vst v23;
	v22 =	vadd.s32 v1, v22  }
0xc8: {  	v32 =	vadd.s32 s21, v14;
	v23 =	vld.idx.msk [tilespmem:v18+s16+$0x0], $0xffff;
	[tilespmem:s8+$0x190] =	vst v31  }
0xc9: {  	v31 =	vadd.s32 v1, v32;
	v18 =	vld.idx.msk [tilespmem:v18+s17+$0x0], $0xffff;
	[tilespmem:s9+$0x190] =	vst v19  }
0xca: {  	v19 =	vadd.s32 s26, v14;
	[tilespmem:s8+$0x0] =	vst v33;
	v32 =	vld.idx.msk [tilespmem:v20+s16+$0x0], $0xffff  }
0xcb: {  	v19 =	vadd.s32 v1, v19;
	[tilespmem:s9+$0x0] =	vst v24;
	v20 =	vld.idx.msk [tilespmem:v20+s17+$0x0], $0xffff  }
0xcc: {  	v33 =	vadd.s32 s24, v12;
	v24 =	vld.idx.msk [tilespmem:v22+s16+$0x0], $0xffff;
	[tilespmem:s8+$0x80] =	vst v34  }
0xcd: {  	v22 =	vld.idx.msk [tilespmem:v22+s17+$0x0], $0xffff;
	[tilespmem:s9+$0x80] =	vst v26;
	v26 =	vadd.s32 v3, v33  }
0xce: {  	v33 =	vadd.s32 s14, v14;
	v34 =	vld.idx.msk [tilespmem:v31+s16+$0x0], $0xffff;
	[tilespmem:s8+$0x100] =	vst v30  }
0xcf: {  	v30 =	vadd.s32 v1, v33;
	v31 =	vld.idx.msk [tilespmem:v31+s17+$0x0], $0xffff;
	[tilespmem:s9+$0x100] =	vst v28  }
0xd0: {  	v28 =	vadd.s32 s10, v13;
	v33 =	vld.idx.msk [tilespmem:v19+s16+$0x0], $0xffff;
	[tilespmem:s8+$0x1A0] =	vst v32  }
0xd1: {  	v28 =	vadd.s32 v2, v28;
	v19 =	vld.idx.msk [tilespmem:v19+s17+$0x0], $0xffff;
	[tilespmem:s9+$0x1A0] =	vst v20  }
0xd2: {  	[tilespmem:s8+$0xFFFFFE00] =	vst v16;
	v16 =	vadd.s32 s4, v13;
	v20 =	vld.idx.msk [tilespmem:v26+s16+$0x0], $0xffff  }
0xd3: {  	[tilespmem:s9+$0xFFFFFE00] =	vst v17;
	v16 =	vadd.s32 v2, v16;
	v17 =	vld.idx.msk [tilespmem:v26+s17+$0x0], $0xffff  }
0xd4: {  	v26 =	vld.idx.msk [tilespmem:v30+s16+$0x0], $0xffff;
	[tilespmem:s8+$0xFFFFFE90] =	vst v29;
	v29 =	vadd.s32 s24, v11  }
0xd5: {  	v30 =	vld.idx.msk [tilespmem:v30+s17+$0x0], $0xffff;
	[tilespmem:s9+$0xFFFFFE90] =	vst v25;
	v25 =	vadd.s32 v4, v29  }
0xd6: {  	v29 =	vld.idx.msk [tilespmem:v28+s16+$0x0], $0xffff;
	[tilespmem:s8+$0xFFFFFF10] =	vst v21;
	v21 =	vadd.s32 s13, v13  }
0xd7: {  	v28 =	vld.idx.msk [tilespmem:v28+s17+$0x0], $0xffff;
	[tilespmem:s9+$0xFFFFFF10] =	vst v27;
	v21 =	vadd.s32 v2, v21  }
0xd8: {  	v32 =	vadd.s32 s29, v13;
	v27 =	vld.idx.msk [tilespmem:v16+s16+$0x0], $0xffff;
	[tilespmem:s8+$0x1B0] =	vst v20  }
0xd9: {  	v20 =	vadd.s32 v2, v32;
	v16 =	vld.idx.msk [tilespmem:v16+s17+$0x0], $0xffff;
	[tilespmem:s9+$0x1B0] =	vst v17  }
0xda: {  	v17 =	vadd.s32 s21, v13;
	[tilespmem:s8+$0xFFFFFF90] =	vst v23;
	v23 =	vld.idx.msk [tilespmem:v25+s16+$0x0], $0xffff  }
0xdb: {  	v17 =	vadd.s32 v2, v17;
	[tilespmem:s9+$0xFFFFFF90] =	vst v18;
	v18 =	vld.idx.msk [tilespmem:v25+s17+$0x0], $0xffff  }
0xdc: {  	v25 =	vld.idx.msk [tilespmem:v21+s16+$0x0], $0xffff;
	[tilespmem:s8+$0x10] =	vst v24;
	v24 =	vadd.s32 s24, v10  }
0xdd: {  	v21 =	vld.idx.msk [tilespmem:v21+s17+$0x0], $0xffff;
	[tilespmem:s9+$0x10] =	vst v22;
	v22 =	vadd.s32 v5, v24  }
0xde: {  	v32 =	vadd.s32 s26, v13;
	v24 =	vld.idx.msk [tilespmem:v20+s16+$0x0], $0xffff;
	[tilespmem:s8+$0x90] =	vst v34  }
0xdf: {  	v20 =	vld.idx.msk [tilespmem:v20+s17+$0x0], $0xffff;
	[tilespmem:s9+$0x90] =	vst v31;
	v31 =	vadd.s32 v2, v32  }
0xe0: {  	v32 =	vadd.s32 s14, v13;
	v34 =	vld.idx.msk [tilespmem:v17+s16+$0x0], $0xffff;
	[tilespmem:s8+$0x1C0] =	vst v23  }
0xe1: {  	v23 =	vadd.s32 v2, v32;
	v17 =	vld.idx.msk [tilespmem:v17+s17+$0x0], $0xffff;
	[tilespmem:s9+$0x1C0] =	vst v18  }
0xe2: {  	v18 =	vadd.s32 s10, v12;
	[tilespmem:s8+$0x110] =	vst v33;
	v32 =	vld.idx.msk [tilespmem:v22+s16+$0x0], $0xffff  }
0xe3: {  	v18 =	vadd.s32 v3, v18;
	[tilespmem:s9+$0x110] =	vst v19;
	v19 =	vld.idx.msk [tilespmem:v22+s17+$0x0], $0xffff  }
0xe4: {  	[tilespmem:s8+$0xFFFFFE10] =	vst v26;
	v22 =	vld.idx.msk [tilespmem:v31+s16+$0x0], $0xffff;
	v26 =	vadd.s32 s24, v9  }
0xe5: {  	[tilespmem:s9+$0xFFFFFE10] =	vst v30;
	v30 =	vld.idx.msk [tilespmem:v31+s17+$0x0], $0xffff;
	v26 =	vadd.s32 v6, v26  }
0xe6: {  	v31 =	vld.idx.msk [tilespmem:v23+s16+$0x0], $0xffff;
	[tilespmem:s8+$0xFFFFFEA0] =	vst v29;
	v29 =	vadd.s32 s4, v12  }
0xe7: {  	v23 =	vld.idx.msk [tilespmem:v23+s17+$0x0], $0xffff;
	[tilespmem:s9+$0xFFFFFEA0] =	vst v28;
	v28 =	vadd.s32 v3, v29  }
0xe8: {  	v33 =	vadd.s32 s13, v12;
	v29 =	vld.idx.msk [tilespmem:v18+s16+$0x0], $0xffff;
	[tilespmem:s8+$0x1D0] =	vst v32  }
0xe9: {  	v32 =	vadd.s32 v3, v33;
	v18 =	vld.idx.msk [tilespmem:v18+s17+$0x0], $0xffff;
	[tilespmem:s9+$0x1D0] =	vst v19  }
0xea: {  	v19 =	vadd.s32 s29, v12;
	[tilespmem:s8+$0xFFFFFF20] =	vst v27;
	v27 =	vld.idx.msk [tilespmem:v26+s16+$0x0], $0xffff  }
0xeb: {  	[tilespmem:s9+$0xFFFFFF20] =	vst v16;
	v16 =	vadd.s32 v3, v19;
	v19 =	vld.idx.msk [tilespmem:v26+s17+$0x0], $0xffff  }
0xec: {  	v26 =	vld.idx.msk [tilespmem:v28+s16+$0x0], $0xffff;
	[tilespmem:s8+$0xFFFFFFA0] =	vst v25;
	v25 =	vadd.s32 s24, v8  }
0xed: {  	v28 =	vld.idx.msk [tilespmem:v28+s17+$0x0], $0xffff;
	[tilespmem:s9+$0xFFFFFFA0] =	vst v21;
	v21 =	vadd.s32 v7, v25  }
0xee: {  	v25 =	vld.idx.msk [tilespmem:v32+s16+$0x0], $0xffff;
	[tilespmem:s8+$0x20] =	vst v24;
	v24 =	vadd.s32 s21, v12  }
0xef: {  	v32 =	vld.idx.msk [tilespmem:v32+s17+$0x0], $0xffff;
	[tilespmem:s9+$0x20] =	vst v20;
	v20 =	vadd.s32 v3, v24  }
0xf0: {  	v33 =	vadd.s32 s26, v12;
	v24 =	vld.idx.msk [tilespmem:v16+s16+$0x0], $0xffff;
	[tilespmem:s8+$0x1E0] =	vst v27  }
0xf1: {  	v27 =	vld.idx.msk [tilespmem:v16+s17+$0x0], $0xffff;
	v16 =	vadd.s32 v3, v33;
	[tilespmem:s9+$0x1E0] =	vst v19  }
0xf2: {  	v19 =	vadd.s32 s14, v12;
	[tilespmem:s8+$0xA0] =	vst v34;
	v33 =	vld.idx.msk [tilespmem:v21+s16+$0x0], $0xffff  }
0xf3: {  	v19 =	vadd.s32 v3, v19;
	[tilespmem:s9+$0xA0] =	vst v17;
	v17 =	vld.idx.msk [tilespmem:v21+s17+$0x0], $0xffff  }
0xf4: {  	v21 =	vadd.s32 s22, v15;
	v34 =	vld.idx.msk [tilespmem:v20+s16+$0x0], $0xffff;
	[tilespmem:s8+$0x120] =	vst v22  }
0xf5: {  	v21 =	vadd.s32 v0, v21;
	v20 =	vld.idx.msk [tilespmem:v20+s17+$0x0], $0xffff;
	[tilespmem:s9+$0x120] =	vst v30  }
0xf6: {  	v22 =	vadd.s32 s10, v11;
	[tilespmem:s8+$0xFFFFFE20] =	vst v31;
	v30 =	vld.idx.msk [tilespmem:v16+s16+$0x0], $0xffff  }
0xf7: {  	v22 =	vadd.s32 v4, v22;
	[tilespmem:s9+$0xFFFFFE20] =	vst v23;
	v23 =	vld.idx.msk [tilespmem:v16+s17+$0x0], $0xffff  }
0xf8: {  	v16 =	vadd.s32 s4, v11;
	v31 =	vld.idx.msk [tilespmem:v19+s16+$0x0], $0xffff;
	[tilespmem:s8+$0x1F0] =	vst v33  }
0xf9: {  	v33 =	vadd.s32 v4, v16;
	v19 =	vld.idx.msk [tilespmem:v19+s17+$0x0], $0xffff;
	[tilespmem:s9+$0x1F0] =	vst v17  }
0xfa: {  	v16 =	vld.idx.msk [tilespmem:v21+s16+$0x0], $0xffff;
	[tilespmem:s8+$0xFFFFFEB0] =	vst v29;
	v29 =	vadd.s32 s13, v11  }
0xfb: {  	v17 =	vld.idx.msk [tilespmem:v21+s17+$0x0], $0xffff;
	[tilespmem:s9+$0xFFFFFEB0] =	vst v18;
	v18 =	vadd.s32 v4, v29  }
0xfc: {  	v21 =	vld.idx.msk [tilespmem:v22+s16+$0x0], $0xffff;
	[tilespmem:s8+$0xFFFFFF30] =	vst v26;
	v26 =	vadd.s32 s29, v11  }
0xfd: {  	v22 =	vld.idx.msk [tilespmem:v22+s17+$0x0], $0xffff;
	[tilespmem:s9+$0xFFFFFF30] =	vst v28;
	v26 =	vadd.s32 v4, v26  }
0xfe: {  	v28 =	vld.idx.msk [tilespmem:v33+s16+$0x0], $0xffff;
	[tilespmem:s8+$0xFFFFFFB0] =	vst v25;
	v25 =	vadd.s32 s21, v11  }
0xff: {  	v29 =	vld.idx.msk [tilespmem:v33+s17+$0x0], $0xffff;
	[tilespmem:s9+$0xFFFFFFB0] =	vst v32;
	v25 =	vadd.s32 v4, v25  }
0x100: {  	v32 =	vld.idx.msk [tilespmem:v18+s16+$0x0], $0xffff;
	[tilespmem:s8+$0x30] =	vst v24;
	v24 =	vadd.s32 s26, v11  }
0x101: {  	v18 =	vld.idx.msk [tilespmem:v18+s17+$0x0], $0xffff;
	[tilespmem:s9+$0x30] =	vst v27;
	v24 =	vadd.s32 v4, v24  }
0x102: {  	v27 =	vadd.s32 s14, v11;
	v33 =	vld.idx.msk [tilespmem:v26+s16+$0x0], $0xffff;
	[tilespmem:s8+$0xB0] =	vst v34  }
0x103: {  	v27 =	vadd.s32 v4, v27;
	v26 =	vld.idx.msk [tilespmem:v26+s17+$0x0], $0xffff;
	[tilespmem:s9+$0xB0] =	vst v20  }
0x104: {  	v20 =	vadd.s32 s10, v10;
	v34 =	vld.idx.msk [tilespmem:v25+s16+$0x0], $0xffff;
	[tilespmem:s8+$0x130] =	vst v30  }
0x105: {  	v20 =	vadd.s32 v5, v20;
	v25 =	vld.idx.msk [tilespmem:v25+s17+$0x0], $0xffff;
	[tilespmem:s9+$0x130] =	vst v23  }
0x106: {  	v23 =	vadd.s32 s4, v10;
	[tilespmem:s8+$0xFFFFFE30] =	vst v31;
	v30 =	vld.idx.msk [tilespmem:v24+s16+$0x0], $0xffff  }
0x107: {  	[tilespmem:s9+$0xFFFFFE30] =	vst v19;
	v19 =	vadd.s32 v5, v23;
	v23 =	vld.idx.msk [tilespmem:v24+s17+$0x0], $0xffff  }
0x108: {  	v24 =	vld.idx.msk [tilespmem:v27+s16+$0x0], $0xffff;
	[tilespmem:s8+$0xFFFFFEC0] =	vst v21;
	v21 =	vadd.s32 s13, v10  }
0x109: {  	v27 =	vld.idx.msk [tilespmem:v27+s17+$0x0], $0xffff;
	[tilespmem:s9+$0xFFFFFEC0] =	vst v22;
	v21 =	vadd.s32 v5, v21  }
0x10a: {  	v22 =	vld.idx.msk [tilespmem:v20+s16+$0x0], $0xffff;
	[tilespmem:s8+$0xFFFFFF40] =	vst v28;
	v28 =	vadd.s32 s29, v10  }
0x10b: {  	v20 =	vld.idx.msk [tilespmem:v20+s17+$0x0], $0xffff;
	[tilespmem:s9+$0xFFFFFF40] =	vst v29;
	v28 =	vadd.s32 v5, v28  }
0x10c: {  	v31 =	vadd.s32 s21, v10;
	v29 =	vld.idx.msk [tilespmem:v19+s16+$0x0], $0xffff;
	[tilespmem:s8+$0xFFFFFFC0] =	vst v32  }
0x10d: {  	v19 =	vld.idx.msk [tilespmem:v19+s17+$0x0], $0xffff;
	[tilespmem:s9+$0xFFFFFFC0] =	vst v18;
	v18 =	vadd.s32 v5, v31  }
0x10e: {  	v32 =	vadd.s32 s26, v10;
	v31 =	vld.idx.msk [tilespmem:v21+s16+$0x0], $0xffff;
	[tilespmem:s8+$0x40] =	vst v33  }
0x10f: {  	v21 =	vld.idx.msk [tilespmem:v21+s17+$0x0], $0xffff;
	[tilespmem:s9+$0x40] =	vst v26;
	v26 =	vadd.s32 v5, v32  }
0x110: {  	v32 =	vadd.s32 s14, v10;
	v33 =	vld.idx.msk [tilespmem:v28+s16+$0x0], $0xffff;
	[tilespmem:s8+$0xC0] =	vst v34  }
0x111: {  	v32 =	vadd.s32 v5, v32;
	v28 =	vld.idx.msk [tilespmem:v28+s17+$0x0], $0xffff;
	[tilespmem:s9+$0xC0] =	vst v25  }
0x112: {  	v25 =	vadd.s32 s10, v9;
	v34 =	vld.idx.msk [tilespmem:v18+s16+$0x0], $0xffff;
	[tilespmem:s8+$0x140] =	vst v30  }
0x113: {  	v25 =	vadd.s32 v6, v25;
	v18 =	vld.idx.msk [tilespmem:v18+s17+$0x0], $0xffff;
	[tilespmem:s9+$0x140] =	vst v23  }
0x114: {  	v23 =	vadd.s32 s4, v9;
	[tilespmem:s8+$0xFFFFFE40] =	vst v24;
	v24 =	vld.idx.msk [tilespmem:v26+s16+$0x0], $0xffff  }
0x115: {  	v23 =	vadd.s32 v6, v23;
	[tilespmem:s9+$0xFFFFFE40] =	vst v27;
	v26 =	vld.idx.msk [tilespmem:v26+s17+$0x0], $0xffff  }
0x116: {  	v27 =	vld.idx.msk [tilespmem:v32+s16+$0x0], $0xffff;
	[tilespmem:s8+$0xFFFFFED0] =	vst v22;
	v22 =	vadd.s32 s13, v9  }
0x117: {  	v30 =	vld.idx.msk [tilespmem:v32+s17+$0x0], $0xffff;
	[tilespmem:s9+$0xFFFFFED0] =	vst v20;
	v20 =	vadd.s32 v6, v22  }
0x118: {  	v22 =	vld.idx.msk [tilespmem:v25+s16+$0x0], $0xffff;
	[tilespmem:s8+$0xFFFFFF50] =	vst v29;
	v29 =	vadd.s32 s29, v9  }
0x119: {  	v25 =	vld.idx.msk [tilespmem:v25+s17+$0x0], $0xffff;
	[tilespmem:s9+$0xFFFFFF50] =	vst v19;
	v19 =	vadd.s32 v6, v29  }
0x11a: {  	v29 =	vld.idx.msk [tilespmem:v23+s16+$0x0], $0xffff;
	[tilespmem:s8+$0xFFFFFFD0] =	vst v31;
	v31 =	vadd.s32 s21, v9  }
0x11b: {  	v23 =	vld.idx.msk [tilespmem:v23+s17+$0x0], $0xffff;
	[tilespmem:s9+$0xFFFFFFD0] =	vst v21;
	v21 =	vadd.s32 v6, v31  }
0x11c: {  	v32 =	vadd.s32 s26, v9;
	v31 =	vld.idx.msk [tilespmem:v20+s16+$0x0], $0xffff;
	[tilespmem:s8+$0x50] =	vst v33  }
0x11d: {  	v20 =	vld.idx.msk [tilespmem:v20+s17+$0x0], $0xffff;
	[tilespmem:s9+$0x50] =	vst v28;
	v28 =	vadd.s32 v6, v32  }
0x11e: {  	v32 =	vadd.s32 s14, v9;
	v33 =	vld.idx.msk [tilespmem:v19+s16+$0x0], $0xffff;
	[tilespmem:s8+$0xD0] =	vst v34  }
0x11f: {  	v32 =	vadd.s32 v6, v32;
	v19 =	vld.idx.msk [tilespmem:v19+s17+$0x0], $0xffff;
	[tilespmem:s9+$0xD0] =	vst v18  }
0x120: {  	v18 =	vadd.s32 s10, v8;
	v34 =	vld.idx.msk [tilespmem:v21+s16+$0x0], $0xffff;
	[tilespmem:s8+$0x150] =	vst v24  }
0x121: {  	v18 =	vadd.s32 v7, v18;
	v21 =	vld.idx.msk [tilespmem:v21+s17+$0x0], $0xffff;
	[tilespmem:s9+$0x150] =	vst v26  }
0x122: {  	v24 =	vadd.s32 s4, v8;
	[tilespmem:s8+$0xFFFFFE50] =	vst v27;
	v26 =	vld.idx.msk [tilespmem:v28+s16+$0x0], $0xffff  }
0x123: {  	v24 =	vadd.s32 v7, v24;
	[tilespmem:s9+$0xFFFFFE50] =	vst v30;
	v27 =	vld.idx.msk [tilespmem:v28+s17+$0x0], $0xffff  }
0x124: {  	v28 =	vld.idx.msk [tilespmem:v32+s16+$0x0], $0xffff;
	[tilespmem:s8+$0xFFFFFEE0] =	vst v22;
	v22 =	vadd.s32 s13, v8  }
0x125: {  	v30 =	vld.idx.msk [tilespmem:v32+s17+$0x0], $0xffff;
	[tilespmem:s9+$0xFFFFFEE0] =	vst v25;
	v22 =	vadd.s32 v7, v22  }
0x126: {  	v25 =	vadd.s32 s29, v8;
	v32 =	vld.idx.msk [tilespmem:v18+s16+$0x0], $0xffff;
	[tilespmem:s8+$0xFFFFFF60] =	vst v29  }
0x127: {  	v18 =	vld.idx.msk [tilespmem:v18+s17+$0x0], $0xffff;
	[tilespmem:s9+$0xFFFFFF60] =	vst v23;
	v23 =	vadd.s32 v7, v25  }
0x128: {  	v25 =	vadd.s32 s21, v8;
	v29 =	vld.idx.msk [tilespmem:v24+s16+$0x0], $0xffff;
	[tilespmem:s8+$0xFFFFFFE0] =	vst v31  }
0x129: {  	v31 =	vld.idx.msk [tilespmem:v24+s17+$0x0], $0xffff;
	[tilespmem:s9+$0xFFFFFFE0] =	vst v20;
	v20 =	vadd.s32 v7, v25  }
0x12a: {  	v24 =	vadd.s32 s26, v8;
	v35 =	vld.idx.msk [tilespmem:v22+s16+$0x0], $0xffff;
	[tilespmem:s8+$0x60] =	vst v33  }
0x12b: {  	v22 =	vld.idx.msk [tilespmem:v22+s17+$0x0], $0xffff;
	[tilespmem:s9+$0x60] =	vst v19;
	v19 =	vadd.s32 v7, v24  }
0x12c: {  	v24 =	vadd.s32 s14, v8;
	s14 =	smov.u32 s22;
	v33 =	vld.idx.msk [tilespmem:v23+s16+$0x0], $0xffff;
	[tilespmem:s8+$0xE0] =	vst v34  }
0x12d: {  	s10 =	sadd.s32 $0x1, s22;
	v34 =	vadd.s32 v7, v24;
	v36 =	vld.idx.msk [tilespmem:v23+s17+$0x0], $0xffff;
	[tilespmem:s9+$0xE0] =	vst v21  }
0x12e: {  	v21 =	vadd.s32 s10, v15;
	v37 =	vld.idx.msk [tilespmem:v20+s16+$0x0], $0xffff;
	[tilespmem:s8+$0x160] =	vst v26  }
0x12f: {  	s4 =	sadd.s32 $0x2, s22;
	v21 =	vadd.s32 v0, v21;
	v38 =	vld.idx.msk [tilespmem:v20+s17+$0x0], $0xffff;
	[tilespmem:s9+$0x160] =	vst v27  }
0x130: {  	v20 =	vadd.s32 s4, v15;
	[tilespmem:s8+$0xFFFFFE60] =	vst v28;
	v24 =	vld.idx.msk [tilespmem:v19+s16+$0x0], $0xffff  }
0x131: {  	s13 =	sadd.s32 $0x3, s22;
	v20 =	vadd.s32 v0, v20;
	[tilespmem:s9+$0xFFFFFE60] =	vst v30;
	v26 =	vld.idx.msk [tilespmem:v19+s17+$0x0], $0xffff  }
0x132: {  	v19 =	vadd.s32 s13, v15;
	v25 =	vld.idx.msk [tilespmem:v34+s16+$0x0], $0xffff;
	[tilespmem:s8+$0xFFFFFEF0] =	vst v32  }
0x133: {  	s24 =	sadd.s32 $0x7, s22;
	v23 =	vadd.s32 v0, v19;
	v27 =	vld.idx.msk [tilespmem:v34+s17+$0x0], $0xffff;
	[tilespmem:s9+$0xFFFFFEF0] =	vst v18  }
0x134: {  	v28 =	vadd.s32 s24, v15;
	v18 =	vld.idx.msk [tilespmem:v21+s16+$0x0], $0xffff;
	[tilespmem:s8+$0xFFFFFF70] =	vst v29  }
0x135: {  	s29 =	sadd.s32 $0x4, s22;
	v32 =	vadd.s32 v0, v28;
	v19 =	vld.idx.msk [tilespmem:v21+s17+$0x0], $0xffff;
	[tilespmem:s9+$0xFFFFFF70] =	vst v31  }
0x136: {  	v28 =	vadd.s32 s29, v15;
	v21 =	vld.idx.msk [tilespmem:v20+s16+$0x0], $0xffff;
	[tilespmem:s8+$0xFFFFFFF0] =	vst v35  }
.Ltmp0:
0x137: {  	s21 =	sadd.s32 $0x5, s22;
	v29 =	vadd.s32 v0, v28;
	v20 =	vld.idx.msk [tilespmem:v20+s17+$0x0], $0xffff;
	[tilespmem:s9+$0xFFFFFFF0] =	vst v22;
	(pc) =	sbr.rel @p0 .LBB2_3-.Ltmp0, $4  }
0x138: {  	v28 =	vadd.s32 s21, v15;
	v22 =	vld.idx.msk [tilespmem:v23+s16+$0x0], $0xffff;
	[tilespmem:s8+$0x70] =	vst v33  }
0x139: {  	s26 =	sadd.s32 $0x6, s22;
	v30 =	vadd.s32 v0, v28;
	v23 =	vld.idx.msk [tilespmem:v23+s17+$0x0], $0xffff;
	[tilespmem:s9+$0x70] =	vst v36  }
0x13a: {  	v28 =	vadd.s32 s26, v15;
	v31 =	vld.idx.msk [tilespmem:v32+s16+$0x0], $0xffff;
	[tilespmem:s8+$0xF0] =	vst v37  }
0x13b: {  	s22 =	sadd.s32 $0x8, s22;
	v28 =	vadd.s32 v0, v28;
	v32 =	vld.idx.msk [tilespmem:v32+s17+$0x0], $0xffff;
	[tilespmem:s9+$0xF0] =	vst v38  }
0x13c: {  	[tilespmem:s8+$0x170] =	vst v24  }
0x13d: {  	[tilespmem:s8+$0xFFFFFE70] =	vst v25  }
0x13e: {  	v15 =	vadd.s32 s24, v14;
	[tilespmem:s9+$0x170] =	vst v26  }
0x13f: {  	s8 =	sadd.s32 $0x400, s8;
	v15 =	vadd.s32 v1, v15;
	[tilespmem:s9+$0xFFFFFE70] =	vst v27  }
0x140: {  	[tilespmem:s8+$0xFFFFFE80] =	vst v18  }
0x141: {  	[tilespmem:s8+$0xFFFFFF80] =	vst v22  }
0x142: {  	s22 =	sadd.s32 $0x400, s9;
	[tilespmem:s8+$0x180] =	vst v31  }
0x143: {  	v22 =	vld.idx.msk [tilespmem:v30+s16+$0x0], $0xffff;
	[tilespmem:s22+$0x180] =	vst v32  }
0x144: {  	[tilespmem:s8+$0xFFFFFF00] =	vst v21;
	v18 =	vld.idx.msk [tilespmem:v15+s16+$0x0], $0xffff  }
0x145: {  	v21 =	vadd.s32 s24, v13;
	[tilespmem:s22+$0xFFFFFE80] =	vst v19;
	v15 =	vld.idx.msk [tilespmem:v15+s17+$0x0], $0xffff  }
0x146: {  	v19 =	vld.idx.msk [tilespmem:v29+s16+$0x0], $0xffff;
	[tilespmem:s22+$0xFFFFFF00] =	vst v20;
	v21 =	vadd.s32 v2, v21  }
0x147: {  	v20 =	vld.idx.msk [tilespmem:v29+s17+$0x0], $0xffff;
	[tilespmem:s22+$0xFFFFFF80] =	vst v23  }
0x148: {  	v23 =	vld.idx.msk [tilespmem:v30+s17+$0x0], $0xffff;
	[tilespmem:s8+$0x80] =	vst v22  }
0x149: {  	v24 =	vld.idx.msk [tilespmem:v28+s16+$0x0], $0xffff;
	[tilespmem:s8+$0x190] =	vst v18;
	v18 =	vadd.s32 s10, v14  }
0x14a: {  	[tilespmem:s22+$0x190] =	vst v15;
	v15 =	vadd.s32 v1, v18;
	v18 =	vld.idx.msk [tilespmem:v28+s17+$0x0], $0xffff  }
0x14b: {  	[tilespmem:s8+$0x0] =	vst v19;
	v19 =	vadd.s32 s4, v14;
	v25 =	vld.idx.msk [tilespmem:v21+s16+$0x0], $0xffff  }
0x14c: {  	[tilespmem:s22+$0x0] =	vst v20;
	v19 =	vadd.s32 v1, v19;
	v20 =	vld.idx.msk [tilespmem:v21+s17+$0x0], $0xffff;
	v21 =	vadd.s32 s24, v12  }
0x14d: {  	[tilespmem:s22+$0x80] =	vst v23;
	v21 =	vadd.s32 v3, v21  }
0x14e: {  	[tilespmem:s8+$0x100] =	vst v24  }
0x14f: {  	v22 =	vadd.s32 s13, v14;
	v23 =	vld.idx.msk [tilespmem:v15+s16+$0x0], $0xffff;
	[tilespmem:s22+$0x100] =	vst v18  }
0x150: {  	v18 =	vadd.s32 v1, v22;
	v15 =	vld.idx.msk [tilespmem:v15+s17+$0x0], $0xffff;
	[tilespmem:s8+$0x1A0] =	vst v25  }
0x151: {  	v24 =	vadd.s32 s29, v14;
	[tilespmem:s22+$0x1A0] =	vst v20;
	v22 =	vld.idx.msk [tilespmem:v19+s16+$0x0], $0xffff  }
0x152: {  	v20 =	vadd.s32 v1, v24;
	[tilespmem:s8+$0xFFFFFE00] =	vst v16;
	v24 =	vld.idx.msk [tilespmem:v21+s16+$0x0], $0xffff  }
0x153: {  	v16 =	vadd.s32 s21, v14;
	v19 =	vld.idx.msk [tilespmem:v19+s17+$0x0], $0xffff;
	[tilespmem:s22+$0xFFFFFE00] =	vst v17  }
0x154: {  	v16 =	vadd.s32 v1, v16;
	v17 =	vld.idx.msk [tilespmem:v21+s17+$0x0], $0xffff;
	[tilespmem:s8+$0xFFFFFE90] =	vst v23  }
0x155: {  	v21 =	vld.idx.msk [tilespmem:v18+s16+$0x0], $0xffff;
	v23 =	vadd.s32 s24, v11;
	[tilespmem:s22+$0xFFFFFE90] =	vst v15  }
0x156: {  	v15 =	vld.idx.msk [tilespmem:v18+s17+$0x0], $0xffff;
	v18 =	vadd.s32 v4, v23;
	[tilespmem:s8+$0xFFFFFF10] =	vst v22  }
0x157: {  	v23 =	vld.idx.msk [tilespmem:v20+s16+$0x0], $0xffff;
	v22 =	vadd.s32 s26, v14;
	[tilespmem:s8+$0x1B0] =	vst v24  }
0x158: {  	v20 =	vld.idx.msk [tilespmem:v20+s17+$0x0], $0xffff;
	v14 =	vadd.s32 s14, v14;
	[tilespmem:s22+$0xFFFFFF10] =	vst v19;
	v19 =	vadd.s32 v1, v22  }
0x159: {  	v22 =	vld.idx.msk [tilespmem:v16+s16+$0x0], $0xffff;
	[tilespmem:s22+$0x1B0] =	vst v17;
	v14 =	vadd.s32 v1, v14  }
0x15a: {  	v16 =	vld.idx.msk [tilespmem:v16+s17+$0x0], $0xffff;
	[tilespmem:s8+$0xFFFFFF90] =	vst v21  }
0x15b: {  	v17 =	vadd.s32 s10, v13;
	v21 =	vld.idx.msk [tilespmem:v18+s16+$0x0], $0xffff;
	[tilespmem:s22+$0xFFFFFF90] =	vst v15  }
0x15c: {  	v15 =	vadd.s32 v2, v17;
	v17 =	vld.idx.msk [tilespmem:v18+s17+$0x0], $0xffff;
	[tilespmem:s8+$0x10] =	vst v23  }
0x15d: {  	v23 =	vadd.s32 s24, v10;
	[tilespmem:s22+$0x10] =	vst v20;
	v18 =	vld.idx.msk [tilespmem:v19+s16+$0x0], $0xffff  }
0x15e: {  	v20 =	vadd.s32 v5, v23;
	[tilespmem:s8+$0x90] =	vst v22;
	v23 =	vld.idx.msk [tilespmem:v14+s16+$0x0], $0xffff  }
0x15f: {  	v19 =	vld.idx.msk [tilespmem:v19+s17+$0x0], $0xffff;
	v22 =	vadd.s32 s4, v13;
	[tilespmem:s22+$0x90] =	vst v16  }
0x160: {  	v14 =	vld.idx.msk [tilespmem:v14+s17+$0x0], $0xffff;
	v16 =	vadd.s32 v2, v22;
	[tilespmem:s8+$0x1C0] =	vst v21  }
0x161: {  	v22 =	vadd.s32 s13, v13;
	v21 =	vld.idx.msk [tilespmem:v15+s16+$0x0], $0xffff;
	[tilespmem:s22+$0x1C0] =	vst v17  }
0x162: {  	v15 =	vld.idx.msk [tilespmem:v15+s17+$0x0], $0xffff;
	v17 =	vadd.s32 v2, v22;
	[tilespmem:s8+$0x110] =	vst v18  }
0x163: {  	v18 =	vadd.s32 s29, v13;
	v22 =	vld.idx.msk [tilespmem:v20+s16+$0x0], $0xffff;
	[tilespmem:s8+$0xFFFFFE10] =	vst v23  }
0x164: {  	[tilespmem:s22+$0x110] =	vst v19;
	v18 =	vadd.s32 v2, v18;
	v19 =	vld.idx.msk [tilespmem:v20+s17+$0x0], $0xffff  }
0x165: {  	v23 =	vadd.s32 s24, v9;
	v20 =	vld.idx.msk [tilespmem:v16+s16+$0x0], $0xffff;
	[tilespmem:s22+$0xFFFFFE10] =	vst v14  }
0x166: {  	v14 =	vld.idx.msk [tilespmem:v16+s17+$0x0], $0xffff;
	v16 =	vadd.s32 v6, v23;
	[tilespmem:s8+$0xFFFFFEA0] =	vst v21  }
0x167: {  	v21 =	vadd.s32 s21, v13;
	v23 =	vld.idx.msk [tilespmem:v17+s16+$0x0], $0xffff;
	[tilespmem:s22+$0xFFFFFEA0] =	vst v15  }
0x168: {  	v15 =	vadd.s32 v2, v21;
	v17 =	vld.idx.msk [tilespmem:v17+s17+$0x0], $0xffff;
	[tilespmem:s8+$0x1D0] =	vst v22  }
0x169: {  	v22 =	vadd.s32 s26, v13;
	v21 =	vld.idx.msk [tilespmem:v18+s16+$0x0], $0xffff;
	[tilespmem:s22+$0x1D0] =	vst v19  }
0x16a: {  	v18 =	vld.idx.msk [tilespmem:v18+s17+$0x0], $0xffff;
	v19 =	vadd.s32 v2, v22;
	[tilespmem:s8+$0xFFFFFF20] =	vst v20  }
0x16b: {  	v13 =	vadd.s32 s14, v13;
	v20 =	vld.idx.msk [tilespmem:v16+s16+$0x0], $0xffff;
	[tilespmem:s22+$0xFFFFFF20] =	vst v14  }
0x16c: {  	v13 =	vadd.s32 v2, v13;
	v14 =	vld.idx.msk [tilespmem:v16+s17+$0x0], $0xffff;
	[tilespmem:s8+$0xFFFFFFA0] =	vst v23  }
0x16d: {  	v22 =	vadd.s32 s24, v8;
	v16 =	vld.idx.msk [tilespmem:v15+s16+$0x0], $0xffff;
	[tilespmem:s22+$0xFFFFFFA0] =	vst v17  }
0x16e: {  	v15 =	vld.idx.msk [tilespmem:v15+s17+$0x0], $0xffff;
	v17 =	vadd.s32 v7, v22;
	[tilespmem:s8+$0x20] =	vst v21  }
0x16f: {  	v21 =	vadd.s32 s10, v12;
	v22 =	vld.idx.msk [tilespmem:v19+s16+$0x0], $0xffff;
	[tilespmem:s22+$0x20] =	vst v18  }
0x170: {  	v19 =	vld.idx.msk [tilespmem:v19+s17+$0x0], $0xffff;
	v18 =	vadd.s32 v3, v21;
	[tilespmem:s8+$0x1E0] =	vst v20  }
0x171: {  	v20 =	vld.idx.msk [tilespmem:v13+s16+$0x0], $0xffff;
	v21 =	vadd.s32 s4, v12;
	[tilespmem:s22+$0x1E0] =	vst v14  }
0x172: {  	v13 =	vld.idx.msk [tilespmem:v13+s17+$0x0], $0xffff;
	v14 =	vadd.s32 v3, v21;
	[tilespmem:s8+$0xA0] =	vst v16  }
0x173: {  	v16 =	vadd.s32 s13, v12;
	v21 =	vld.idx.msk [tilespmem:v17+s16+$0x0], $0xffff;
	[tilespmem:s22+$0xA0] =	vst v15  }
0x174: {  	v15 =	vadd.s32 v3, v16;
	v16 =	vld.idx.msk [tilespmem:v17+s17+$0x0], $0xffff;
	[tilespmem:s8+$0x120] =	vst v22  }
0x175: {  	v22 =	vadd.s32 s29, v12;
	v17 =	vld.idx.msk [tilespmem:v18+s16+$0x0], $0xffff;
	[tilespmem:s22+$0x120] =	vst v19  }
0x176: {  	v18 =	vld.idx.msk [tilespmem:v18+s17+$0x0], $0xffff;
	v19 =	vadd.s32 v3, v22;
	[tilespmem:s8+$0xFFFFFE20] =	vst v20  }
0x177: {  	v22 =	vadd.s32 s21, v12;
	v20 =	vld.idx.msk [tilespmem:v14+s16+$0x0], $0xffff;
	[tilespmem:s22+$0xFFFFFE20] =	vst v13  }
0x178: {  	v13 =	vld.idx.msk [tilespmem:v14+s17+$0x0], $0xffff;
	v14 =	vadd.s32 v3, v22;
	[tilespmem:s8+$0x1F0] =	vst v21  }
0x179: {  	v22 =	vadd.s32 s26, v12;
	v21 =	vld.idx.msk [tilespmem:v15+s16+$0x0], $0xffff;
	[tilespmem:s22+$0x1F0] =	vst v16  }
0x17a: {  	v15 =	vld.idx.msk [tilespmem:v15+s17+$0x0], $0xffff;
	v16 =	vadd.s32 v3, v22;
	[tilespmem:s8+$0xFFFFFEB0] =	vst v17  }
0x17b: {  	v12 =	vadd.s32 s14, v12;
	v17 =	vld.idx.msk [tilespmem:v19+s16+$0x0], $0xffff;
	[tilespmem:s22+$0xFFFFFEB0] =	vst v18  }
0x17c: {  	v12 =	vadd.s32 v3, v12;
	v18 =	vld.idx.msk [tilespmem:v19+s17+$0x0], $0xffff;
	[tilespmem:s8+$0xFFFFFF30] =	vst v20  }
0x17d: {  	v19 =	vld.idx.msk [tilespmem:v14+s16+$0x0], $0xffff;
	v20 =	vadd.s32 s10, v11;
	[tilespmem:s22+$0xFFFFFF30] =	vst v13  }
0x17e: {  	v13 =	vld.idx.msk [tilespmem:v14+s17+$0x0], $0xffff;
	v14 =	vadd.s32 v4, v20;
	[tilespmem:s8+$0xFFFFFFB0] =	vst v21  }
0x17f: {  	v21 =	vadd.s32 s4, v11;
	v20 =	vld.idx.msk [tilespmem:v16+s16+$0x0], $0xffff;
	[tilespmem:s22+$0xFFFFFFB0] =	vst v15  }
0x180: {  	v15 =	vld.idx.msk [tilespmem:v16+s17+$0x0], $0xffff;
	v16 =	vadd.s32 v4, v21;
	[tilespmem:s8+$0x30] =	vst v17  }
0x181: {  	v21 =	vadd.s32 s13, v11;
	v17 =	vld.idx.msk [tilespmem:v12+s16+$0x0], $0xffff;
	[tilespmem:s22+$0x30] =	vst v18  }
0x182: {  	v12 =	vld.idx.msk [tilespmem:v12+s17+$0x0], $0xffff;
	v18 =	vadd.s32 v4, v21;
	[tilespmem:s8+$0xB0] =	vst v19  }
0x183: {  	v21 =	vadd.s32 s29, v11;
	v19 =	vld.idx.msk [tilespmem:v14+s16+$0x0], $0xffff;
	[tilespmem:s22+$0xB0] =	vst v13  }
0x184: {  	v13 =	vld.idx.msk [tilespmem:v14+s17+$0x0], $0xffff;
	v14 =	vadd.s32 v4, v21;
	[tilespmem:s8+$0x130] =	vst v20  }
0x185: {  	v21 =	vadd.s32 s21, v11;
	v20 =	vld.idx.msk [tilespmem:v16+s16+$0x0], $0xffff;
	[tilespmem:s22+$0x130] =	vst v15  }
0x186: {  	v15 =	vld.idx.msk [tilespmem:v16+s17+$0x0], $0xffff;
	v16 =	vadd.s32 v4, v21;
	[tilespmem:s8+$0xFFFFFE30] =	vst v17  }
0x187: {  	v21 =	vadd.s32 s26, v11;
	v17 =	vld.idx.msk [tilespmem:v18+s16+$0x0], $0xffff;
	[tilespmem:s22+$0xFFFFFE30] =	vst v12  }
0x188: {  	v12 =	vld.idx.msk [tilespmem:v18+s17+$0x0], $0xffff;
	v18 =	vadd.s32 v4, v21;
	[tilespmem:s8+$0xFFFFFEC0] =	vst v19  }
0x189: {  	v11 =	vadd.s32 s14, v11;
	v19 =	vld.idx.msk [tilespmem:v14+s16+$0x0], $0xffff;
	[tilespmem:s22+$0xFFFFFEC0] =	vst v13  }
0x18a: {  	v11 =	vadd.s32 v4, v11;
	v13 =	vld.idx.msk [tilespmem:v14+s17+$0x0], $0xffff;
	[tilespmem:s8+$0xFFFFFF40] =	vst v20  }
0x18b: {  	v14 =	vadd.s32 s10, v10;
	v20 =	vld.idx.msk [tilespmem:v16+s16+$0x0], $0xffff;
	[tilespmem:s22+$0xFFFFFF40] =	vst v15  }
0x18c: {  	v14 =	vadd.s32 v5, v14;
	v15 =	vld.idx.msk [tilespmem:v16+s17+$0x0], $0xffff;
	[tilespmem:s8+$0xFFFFFFC0] =	vst v17  }
0x18d: {  	v16 =	vadd.s32 s4, v10;
	v17 =	vld.idx.msk [tilespmem:v18+s16+$0x0], $0xffff;
	[tilespmem:s22+$0xFFFFFFC0] =	vst v12  }
0x18e: {  	v12 =	vadd.s32 v5, v16;
	v16 =	vld.idx.msk [tilespmem:v18+s17+$0x0], $0xffff;
	[tilespmem:s8+$0x40] =	vst v19  }
0x18f: {  	v18 =	vld.idx.msk [tilespmem:v11+s16+$0x0], $0xffff;
	v19 =	vadd.s32 s13, v10;
	[tilespmem:s22+$0x40] =	vst v13  }
0x190: {  	v11 =	vld.idx.msk [tilespmem:v11+s17+$0x0], $0xffff;
	v13 =	vadd.s32 v5, v19;
	[tilespmem:s8+$0xC0] =	vst v20  }
0x191: {  	v19 =	vld.idx.msk [tilespmem:v14+s16+$0x0], $0xffff;
	v20 =	vadd.s32 s29, v10;
	[tilespmem:s22+$0xC0] =	vst v15  }
0x192: {  	v14 =	vld.idx.msk [tilespmem:v14+s17+$0x0], $0xffff;
	v15 =	vadd.s32 v5, v20;
	[tilespmem:s8+$0x140] =	vst v17  }
0x193: {  	v20 =	vadd.s32 s21, v10;
	v17 =	vld.idx.msk [tilespmem:v12+s16+$0x0], $0xffff;
	[tilespmem:s22+$0x140] =	vst v16  }
0x194: {  	v12 =	vld.idx.msk [tilespmem:v12+s17+$0x0], $0xffff;
	v16 =	vadd.s32 v5, v20;
	[tilespmem:s8+$0xFFFFFE40] =	vst v18  }
0x195: {  	v20 =	vadd.s32 s26, v10;
	v18 =	vld.idx.msk [tilespmem:v13+s16+$0x0], $0xffff;
	[tilespmem:s22+$0xFFFFFE40] =	vst v11  }
0x196: {  	v11 =	vld.idx.msk [tilespmem:v13+s17+$0x0], $0xffff;
	v13 =	vadd.s32 v5, v20;
	[tilespmem:s8+$0xFFFFFED0] =	vst v19  }
0x197: {  	v10 =	vadd.s32 s14, v10;
	[tilespmem:s22+$0xFFFFFED0] =	vst v14;
	v19 =	vld.idx.msk [tilespmem:v15+s16+$0x0], $0xffff  }
0x198: {  	v10 =	vadd.s32 v5, v10;
	v14 =	vld.idx.msk [tilespmem:v15+s17+$0x0], $0xffff;
	[tilespmem:s8+$0xFFFFFF50] =	vst v17  }
0x199: {  	v15 =	vadd.s32 s10, v9;
	v17 =	vld.idx.msk [tilespmem:v16+s16+$0x0], $0xffff;
	[tilespmem:s22+$0xFFFFFF50] =	vst v12  }
0x19a: {  	v12 =	vadd.s32 v6, v15;
	v15 =	vld.idx.msk [tilespmem:v16+s17+$0x0], $0xffff;
	[tilespmem:s8+$0xFFFFFFD0] =	vst v18  }
0x19b: {  	v16 =	vadd.s32 s4, v9;
	v18 =	vld.idx.msk [tilespmem:v13+s16+$0x0], $0xffff;
	[tilespmem:s22+$0xFFFFFFD0] =	vst v11  }
0x19c: {  	v13 =	vld.idx.msk [tilespmem:v13+s17+$0x0], $0xffff;
	v11 =	vadd.s32 v6, v16;
	[tilespmem:s8+$0x50] =	vst v19  }
0x19d: {  	v16 =	vld.idx.msk [tilespmem:v10+s16+$0x0], $0xffff;
	v19 =	vadd.s32 s13, v9;
	[tilespmem:s22+$0x50] =	vst v14  }
0x19e: {  	v10 =	vld.idx.msk [tilespmem:v10+s17+$0x0], $0xffff;
	v14 =	vadd.s32 v6, v19;
	[tilespmem:s8+$0xD0] =	vst v17  }
0x19f: {  	v19 =	vadd.s32 s29, v9;
	v17 =	vld.idx.msk [tilespmem:v12+s16+$0x0], $0xffff;
	[tilespmem:s22+$0xD0] =	vst v15  }
0x1a0: {  	v12 =	vld.idx.msk [tilespmem:v12+s17+$0x0], $0xffff;
	v15 =	vadd.s32 v6, v19;
	[tilespmem:s8+$0x150] =	vst v18  }
0x1a1: {  	v19 =	vadd.s32 s21, v9;
	v18 =	vld.idx.msk [tilespmem:v11+s16+$0x0], $0xffff;
	[tilespmem:s22+$0x150] =	vst v13  }
0x1a2: {  	v11 =	vld.idx.msk [tilespmem:v11+s17+$0x0], $0xffff;
	v13 =	vadd.s32 v6, v19;
	[tilespmem:s8+$0xFFFFFE50] =	vst v16  }
0x1a3: {  	v19 =	vadd.s32 s26, v9;
	[tilespmem:s22+$0xFFFFFE50] =	vst v10;
	v16 =	vld.idx.msk [tilespmem:v14+s16+$0x0], $0xffff  }
0x1a4: {  	v10 =	vld.idx.msk [tilespmem:v14+s17+$0x0], $0xffff;
	v14 =	vadd.s32 v6, v19;
	[tilespmem:s8+$0xFFFFFEE0] =	vst v17  }
0x1a5: {  	v9 =	vadd.s32 s14, v9;
	v17 =	vld.idx.msk [tilespmem:v15+s16+$0x0], $0xffff;
	[tilespmem:s22+$0xFFFFFEE0] =	vst v12  }
0x1a6: {  	v9 =	vadd.s32 v6, v9;
	v12 =	vld.idx.msk [tilespmem:v15+s17+$0x0], $0xffff;
	[tilespmem:s8+$0xFFFFFF60] =	vst v18  }
0x1a7: {  	v15 =	vadd.s32 s10, v8;
	v18 =	vld.idx.msk [tilespmem:v13+s16+$0x0], $0xffff;
	[tilespmem:s22+$0xFFFFFF60] =	vst v11  }
0x1a8: {  	v13 =	vld.idx.msk [tilespmem:v13+s17+$0x0], $0xffff;
	v11 =	vadd.s32 v7, v15;
	[tilespmem:s8+$0xFFFFFFE0] =	vst v16  }
0x1a9: {  	v15 =	vadd.s32 s4, v8;
	v16 =	vld.idx.msk [tilespmem:v14+s16+$0x0], $0xffff;
	[tilespmem:s22+$0xFFFFFFE0] =	vst v10  }
0x1aa: {  	v14 =	vld.idx.msk [tilespmem:v14+s17+$0x0], $0xffff;
	v10 =	vadd.s32 v7, v15;
	[tilespmem:s8+$0x60] =	vst v17  }
0x1ab: {  	v15 =	vld.idx.msk [tilespmem:v9+s16+$0x0], $0xffff;
	v17 =	vadd.s32 s13, v8;
	[tilespmem:s22+$0x60] =	vst v12  }
0x1ac: {  	v9 =	vld.idx.msk [tilespmem:v9+s17+$0x0], $0xffff;
	v12 =	vadd.s32 v7, v17;
	[tilespmem:s8+$0xE0] =	vst v18  }
0x1ad: {  	v18 =	vadd.s32 s29, v8;
	v17 =	vld.idx.msk [tilespmem:v11+s16+$0x0], $0xffff;
	[tilespmem:s22+$0xE0] =	vst v13  }
0x1ae: {  	v11 =	vld.idx.msk [tilespmem:v11+s17+$0x0], $0xffff;
	v13 =	vadd.s32 v7, v18;
	[tilespmem:s8+$0x160] =	vst v16  }
0x1af: {  	v18 =	vadd.s32 s21, v8;
	v16 =	vld.idx.msk [tilespmem:v10+s16+$0x0], $0xffff;
	[tilespmem:s22+$0x160] =	vst v14  }
0x1b0: {  	v10 =	vld.idx.msk [tilespmem:v10+s17+$0x0], $0xffff;
	v14 =	vadd.s32 v7, v18;
	[tilespmem:s8+$0xFFFFFE60] =	vst v15  }
0x1b1: {  	v18 =	vadd.s32 s26, v8;
	v15 =	vld.idx.msk [tilespmem:v12+s16+$0x0], $0xffff;
	[tilespmem:s22+$0xFFFFFE60] =	vst v9  }
0x1b2: {  	v9 =	vld.idx.msk [tilespmem:v12+s17+$0x0], $0xffff;
	v12 =	vadd.s32 v7, v18;
	[tilespmem:s8+$0xFFFFFEF0] =	vst v17  }
0x1b3: {  	v8 =	vadd.s32 s14, v8;
	v17 =	vld.idx.msk [tilespmem:v13+s16+$0x0], $0xffff;
	[tilespmem:s22+$0xFFFFFEF0] =	vst v11  }
0x1b4: {  	v8 =	vadd.s32 v7, v8;
	v11 =	vld.idx.msk [tilespmem:v13+s17+$0x0], $0xffff;
	[tilespmem:s8+$0xFFFFFF70] =	vst v16  }
0x1b5: {  	v13 =	vld.idx.msk [tilespmem:v14+s16+$0x0], $0xffff;
	[tilespmem:s22+$0xFFFFFF70] =	vst v10  }
0x1b6: {  	v10 =	vld.idx.msk [tilespmem:v14+s17+$0x0], $0xffff;
	[tilespmem:s8+$0xFFFFFFF0] =	vst v15  }
0x1b7: {  	v14 =	vld.idx.msk [tilespmem:v12+s16+$0x0], $0xffff;
	[tilespmem:s22+$0xFFFFFFF0] =	vst v9  }
0x1b8: {  	v9 =	vld.idx.msk [tilespmem:v12+s17+$0x0], $0xffff;
	[tilespmem:s8+$0x70] =	vst v17  }
0x1b9: {  	v12 =	vld.idx.msk [tilespmem:v8+s16+$0x0], $0xffff;
	[tilespmem:s22+$0x70] =	vst v11  }
0x1ba: {  	v8 =	vld.idx.msk [tilespmem:v8+s17+$0x0], $0xffff;
	[tilespmem:s8+$0xF0] =	vst v13  }
0x1bb: {  	[tilespmem:s22+$0xF0] =	vst v10  }
0x1bc: {  	s24 =	sshll.u32 s30, $0x13;
	[tilespmem:s8+$0x170] =	vst v14  }
0x1bd: {  	s4 =	sor.u32 s5, s24;
	[tilespmem:s22+$0x170] =	vst v9  }
0x1be: {  	s4 =	sshrl.u32 s4, $0x3;
	[tilespmem:s8+$0xFFFFFE70] =	vst v12  }
0x1bf: {  	s29 =	simm.s32 $0x16800;
	s26 =	sadd.s32 s2, s4;
	[tilespmem:s22+$0xFFFFFE70] =	vst v8  }
0x1c0: {  	[hbm4b:s26+s11] =	stream.strided.scatter [tilespmem:s29], [sflag:$0x3], $0x2000, s12, s11, $0x38;
	[tilespmem:$0x1E800] =	vst v63  }
0x1c1: {  	s10 =	simm.s32 $0x1A800;
	s4 =	sadd.s32 s3, s4  }
0x1c2: {  	[hbm4b:s4+s11] =	stream.strided.scatter [tilespmem:s10], [sflag:$0x3], $0x2000, s12, s11, $0x38;
	[tilespmem:$0x1E800] =	vst v63  }
0x1c3: {  	_ =	swait.ge [sflag:s23], $0x4000  }
0x1c4: {  	[sflag:s23] =	ssyncset.done $0x0  }
0x1c5: {  	p0 =	seq.s32 s30, $0x31;
	[sflag:s23] =	ssyncadd.s32 $0xFFFFC000  }
0x1c6: {  	s0 =	sshrl.u32 @!p0 s0, $0x2;
	_ =	swait.ge [sflag:s23], $0x4000  }
0x1c7: {  	s0 =	sadd.s32 @!p0 $0x100, s0;
	[sflag:s23] =	ssyncset.done $0x0  }
0x1c8: {  	s8 =	simm.s32 @!p0 $0x6800;
	s4 =	simm.s32 @!p0 $0x80;
	[sflag:s23] =	ssyncadd.s32 $0xFFFFC000  }
0x1c9: {  	[tilespmem:s8], [sflag:$0x1] =	stream.indirect.gather @!p0 [hbm4b:s6+s4], $0x80, s0, s4, $0xb8;
	[tilespmem:$0x1E800] =	vst v63  }
0x1ca: {  	p1 =	seq.s32 @!p0 s30, $0x0;
	s8 =	simm.s32 @!p0 $0xE800  }
0x1cb: {  	[tilespmem:s8], [sflag:$0x1] =	stream.indirect.gather @!p0 [hbm4b:s7+s4], $0x80, s0, s4, $0xb8;
	[tilespmem:$0x1E800] =	vst v63  }
0x1cc: {  	p0 =	por p0, !p1  }
0x1cd: {  	_ =	swait.ge @p0 [sflag:s28], $0x2000  }
0x1ce: {  	[sflag:s28] =	ssyncset.done @p0 $0x0  }
0x1cf: {  	[sflag:s28] =	ssyncadd.s32 @p0 $0xFFFFE000  }
0x1d0: {  	_ =	swait.ge @p0 [sflag:s28], $0x2000  }
0x1d1: {  	[sflag:s28] =	ssyncset.done @p0 $0x0  }
0x1d2: {  	[sflag:s28] =	ssyncadd.s32 @p0 $0xFFFFE000  }
0x1d3: {  	v15 =	vld [tilespmem:s1+$0x3400];
	_ =	sdelay $0x3  }
0x1d4: {  	s4 =	simm.s32 $0x0;
	v14 =	vld [tilespmem:s1+$0x3410]  }
0x1d5: {  	s13 =	simm.s32 $0x2;
	v13 =	vld [tilespmem:s1+$0x3420];
	v8 =	vadd.s32 s4, v15  }
0x1d6: {  	v12 =	vld [tilespmem:s1+$0x3430];
	v18 =	vadd.s32 s13, v15;
	v16 =	vadd.s32 v0, v8  }
0x1d7: {  	s14 =	simm.s32 $0x3;
	v11 =	vld [tilespmem:s1+$0x3440];
	v18 =	vadd.s32 v0, v18  }
0x1d8: {  	s21 =	simm.s32 $0x7;
	s22 =	simm.s32 $0x1;
	v10 =	vld [tilespmem:s1+$0x3450];
	v20 =	vadd.s32 s14, v15  }
0x1d9: {  	v9 =	vld [tilespmem:s1+$0x3460];
	v22 =	vadd.s32 s21, v15;
	v8 =	vadd.s32 s22, v15;
	v20 =	vadd.s32 v0, v20  }
0x1da: {  	v22 =	vadd.s32 v0, v22;
	v17 =	vadd.s32 v0, v8;
	v8 =	vld [tilespmem:s1+$0x3470]  }
0x1db: {  	s24 =	simm.s32 $0x4;
	v19 =	vld.idx.msk [tilespmem:v16+s19+$0x0], $0xffff  }
0x1dc: {  	s26 =	simm.s32 $0x5;
	v24 =	vadd.s32 s24, v15;
	v23 =	vld.idx.msk [tilespmem:v18+s19+$0x0], $0xffff  }
0x1dd: {  	v26 =	vadd.s32 s26, v15;
	v24 =	vadd.s32 v0, v24;
	v18 =	vld.idx.msk [tilespmem:v18+s20+$0x0], $0xffff  }
0x1de: {  	v26 =	vadd.s32 v0, v26;
	v25 =	vld.idx.msk [tilespmem:v20+s19+$0x0], $0xffff  }
0x1df: {  	v28 =	vld.idx.msk [tilespmem:v22+s19+$0x0], $0xffff  }
0x1e0: {  	v20 =	vld.idx.msk [tilespmem:v20+s20+$0x0], $0xffff  }
0x1e1: {  	s29 =	simm.s32 $0x6;
	v22 =	vld.idx.msk [tilespmem:v22+s20+$0x0], $0xffff  }
0x1e2: {  	v27 =	vadd.s32 s29, v15;
	v29 =	vld.idx.msk [tilespmem:v24+s19+$0x0], $0xffff  }
0x1e3: {  	v27 =	vadd.s32 v0, v27;
	s1 =	simm.s32 $0x18A00;
	v41 =	vld.idx.msk [tilespmem:v26+s19+$0x0], $0xffff  }
0x1e4: {  	v24 =	vld.idx.msk [tilespmem:v24+s20+$0x0], $0xffff;
	[tilespmem:s1+$0x180] =	vst v28  }
0x1e5: {  	v30 =	vadd.s32 s21, v14;
	v21 =	vld.idx.msk [tilespmem:v17+s19+$0x0], $0xffff;
	[tilespmem:s1+$0xFFFFFF00] =	vst v23  }
0x1e6: {  	v30 =	vadd.s32 v1, v30;
	v26 =	vld.idx.msk [tilespmem:v26+s20+$0x0], $0xffff;
	[tilespmem:s1+$0xFFFFFF80] =	vst v25  }
0x1e7: {  	v31 =	vadd.s32 s22, v14;
	v17 =	vld.idx.msk [tilespmem:v17+s20+$0x0], $0xffff;
	[tilespmem:s1+$0x0] =	vst v29  }
0x1e8: {  	s8 =	simm.s32 $0x1CA00;
	v31 =	vadd.s32 v1, v31;
	v34 =	vld.idx.msk [tilespmem:v27+s19+$0x0], $0xffff;
	[tilespmem:s1+$0x80] =	vst v41  }
0x1e9: {  	v33 =	vadd.s32 s13, v14;
	v16 =	vld.idx.msk [tilespmem:v16+s20+$0x0], $0xffff;
	[tilespmem:s8+$0x180] =	vst v22  }
0x1ea: {  	v27 =	vld.idx.msk [tilespmem:v27+s20+$0x0], $0xffff;
	v28 =	vadd.s32 v1, v33;
	[tilespmem:s1+$0xFFFFFE80] =	vst v21  }
0x1eb: {  	v25 =	vadd.s32 s24, v14;
	v21 =	vadd.s32 s14, v14;
	[tilespmem:s8+$0xFFFFFF80] =	vst v20;
	v22 =	vld.idx.msk [tilespmem:v30+s19+$0x0], $0xffff  }
0x1ec: {  	v20 =	vadd.s32 v1, v25;
	[tilespmem:s8+$0xFFFFFE80] =	vst v17;
	v17 =	vadd.s32 v1, v21;
	v21 =	vld.idx.msk [tilespmem:v30+s20+$0x0], $0xffff  }
0x1ed: {  	[tilespmem:s1+$0x100] =	vst v34;
	v30 =	vld.idx.msk [tilespmem:v31+s19+$0x0], $0xffff  }
0x1ee: {  	v23 =	vadd.s32 s21, v13;
	[tilespmem:s8+$0xFFFFFF00] =	vst v18;
	v31 =	vld.idx.msk [tilespmem:v31+s20+$0x0], $0xffff  }
0x1ef: {  	[tilespmem:s1+$0xFFFFFE00] =	vst v19;
	v18 =	vadd.s32 v2, v23;
	v23 =	vld.idx.msk [tilespmem:v28+s19+$0x0], $0xffff  }
0x1f0: {  	[tilespmem:s8+$0x0] =	vst v24;
	v28 =	vld.idx.msk [tilespmem:v28+s20+$0x0], $0xffff  }
0x1f1: {  	v44 =	vadd.s32 s4, v14;
	[tilespmem:s8+$0x80] =	vst v26;
	v24 =	vld.idx.msk [tilespmem:v20+s19+$0x0], $0xffff  }
0x1f2: {  	v32 =	vadd.s32 v1, v44;
	[tilespmem:s8+$0x100] =	vst v27;
	v27 =	vadd.s32 s22, v13;
	v20 =	vld.idx.msk [tilespmem:v20+s20+$0x0], $0xffff  }
0x1f3: {  	v27 =	vadd.s32 v2, v27;
	v25 =	vld.idx.msk [tilespmem:v17+s19+$0x0], $0xffff;
	[tilespmem:s1+$0x190] =	vst v22  }
0x1f4: {  	v42 =	vadd.s32 s26, v14;
	v17 =	vld.idx.msk [tilespmem:v17+s20+$0x0], $0xffff;
	[tilespmem:s8+$0x190] =	vst v21  }
0x1f5: {  	[tilespmem:s8+$0xFFFFFE00] =	vst v16;
	v22 =	vadd.s32 v1, v42;
	v29 =	vld.idx.msk [tilespmem:v18+s19+$0x0], $0xffff  }
0x1f6: {  	v43 =	vadd.s32 s21, v12;
	[tilespmem:s1+$0xFFFFFE90] =	vst v30;
	v18 =	vld.idx.msk [tilespmem:v18+s20+$0x0], $0xffff  }
0x1f7: {  	v26 =	vadd.s32 v3, v43;
	v30 =	vld.idx.msk [tilespmem:v32+s20+$0x0], $0xffff;
	[tilespmem:s8+$0xFFFFFE90] =	vst v31  }
0x1f8: {  	v21 =	vadd.s32 s29, v14;
	v31 =	vld.idx.msk [tilespmem:v27+s19+$0x0], $0xffff  }
0x1f9: {  	v21 =	vadd.s32 v1, v21;
	[tilespmem:s1+$0xFFFFFF10] =	vst v23;
	v27 =	vld.idx.msk [tilespmem:v27+s20+$0x0], $0xffff  }
0x1fa: {  	v33 =	vld.idx.msk [tilespmem:v22+s19+$0x0], $0xffff;
	[tilespmem:s1+$0x1A0] =	vst v29  }
0x1fb: {  	v22 =	vld.idx.msk [tilespmem:v22+s20+$0x0], $0xffff;
	[tilespmem:s8+$0x1A0] =	vst v18;
	v18 =	vadd.s32 s13, v13  }
0x1fc: {  	[tilespmem:s8+$0xFFFFFF10] =	vst v28;
	v19 =	vld.idx.msk [tilespmem:v26+s19+$0x0], $0xffff;
	v16 =	vadd.s32 v2, v18  }
0x1fd: {  	[tilespmem:s1+$0x10] =	vst v24;
	v29 =	vadd.s32 s21, v11;
	v18 =	vld.idx.msk [tilespmem:v26+s20+$0x0], $0xffff  }
0x1fe: {  	[tilespmem:s1+$0xFFFFFF90] =	vst v25;
	v34 =	vld.idx.msk [tilespmem:v21+s19+$0x0], $0xffff;
	v29 =	vadd.s32 v4, v29  }
0x1ff: {  	v23 =	vadd.s32 s14, v13;
	v21 =	vld.idx.msk [tilespmem:v21+s20+$0x0], $0xffff;
	[tilespmem:s1+$0x90] =	vst v33  }
0x200: {  	v23 =	vadd.s32 v2, v23;
	v26 =	vld.idx.msk [tilespmem:v32+s19+$0x0], $0xffff;
	[tilespmem:s8+$0x90] =	vst v22  }
0x201: {  	v46 =	vadd.s32 s29, v13;
	v28 =	vld.idx.msk [tilespmem:v16+s19+$0x0], $0xffff;
	[tilespmem:s1+$0x1B0] =	vst v19  }
0x202: {  	v22 =	vadd.s32 v2, v46;
	v16 =	vld.idx.msk [tilespmem:v16+s20+$0x0], $0xffff;
	[tilespmem:s8+$0x1B0] =	vst v18  }
0x203: {  	v45 =	vadd.s32 s24, v13;
	[tilespmem:s8+$0x10] =	vst v20;
	v18 =	vadd.s32 s26, v13;
	v25 =	vld.idx.msk [tilespmem:v29+s19+$0x0], $0xffff  }
0x204: {  	[tilespmem:s8+$0xFFFFFF90] =	vst v17;
	v19 =	vadd.s32 v2, v45;
	v17 =	vadd.s32 v2, v18;
	v18 =	vld.idx.msk [tilespmem:v29+s20+$0x0], $0xffff  }
0x205: {  	[tilespmem:s1+$0x110] =	vst v34;
	v29 =	vld.idx.msk [tilespmem:v23+s19+$0x0], $0xffff  }
0x206: {  	[tilespmem:s8+$0x110] =	vst v21;
	v23 =	vld.idx.msk [tilespmem:v23+s20+$0x0], $0xffff  }
0x207: {  	v24 =	vadd.s32 s21, v10;
	[tilespmem:s1+$0xFFFFFEA0] =	vst v31;
	v21 =	vld.idx.msk [tilespmem:v22+s19+$0x0], $0xffff  }
0x208: {  	v20 =	vadd.s32 v5, v24;
	[tilespmem:s8+$0xFFFFFEA0] =	vst v27;
	v22 =	vld.idx.msk [tilespmem:v22+s20+$0x0], $0xffff  }
0x209: {  	v49 =	vadd.s32 s14, v12;
	[tilespmem:s1+$0xFFFFFE10] =	vst v26;
	v24 =	vld.idx.msk [tilespmem:v19+s19+$0x0], $0xffff  }
0x20a: {  	v50 =	vadd.s32 v3, v49;
	[tilespmem:s8+$0xFFFFFE10] =	vst v30;
	v19 =	vld.idx.msk [tilespmem:v19+s20+$0x0], $0xffff  }
0x20b: {  	v47 =	vadd.s32 s4, v13;
	v33 =	vld.idx.msk [tilespmem:v17+s19+$0x0], $0xffff;
	[tilespmem:s1+$0x1C0] =	vst v25  }
0x20c: {  	v25 =	vadd.s32 v2, v47;
	v17 =	vld.idx.msk [tilespmem:v17+s20+$0x0], $0xffff;
	[tilespmem:s8+$0x1C0] =	vst v18  }
0x20d: {  	[tilespmem:s1+$0xFFFFFFA0] =	vst v29;
	v18 =	vadd.s32 s22, v12;
	v48 =	vld.idx.msk [tilespmem:v20+s19+$0x0], $0xffff  }
0x20e: {  	v29 =	vadd.s32 s21, v8;
	[tilespmem:s8+$0xFFFFFFA0] =	vst v23;
	v18 =	vadd.s32 v3, v18;
	v20 =	vld.idx.msk [tilespmem:v20+s20+$0x0], $0xffff  }
0x20f: {  	v26 =	vadd.s32 s21, v9;
	[tilespmem:s1+$0xFFFFFF20] =	vst v28;
	v23 =	vadd.s32 v7, v29;
	v29 =	vld.idx.msk [tilespmem:v50+s19+$0x0], $0xffff  }
0x210: {  	v26 =	vadd.s32 v6, v26;
	[tilespmem:s8+$0xFFFFFF20] =	vst v16;
	v32 =	vld.idx.msk [tilespmem:v50+s20+$0x0], $0xffff  }
0x211: {  	v31 =	vadd.s32 s13, v12;
	[tilespmem:s1+$0x20] =	vst v24;
	v30 =	vld.idx.msk [tilespmem:v25+s19+$0x0], $0xffff  }
0x212: {  	v27 =	vadd.s32 v3, v31;
	v24 =	vadd.s32 s26, v12;
	[tilespmem:s8+$0x20] =	vst v19;
	v25 =	vld.idx.msk [tilespmem:v25+s20+$0x0], $0xffff  }
0x213: {  	v19 =	vadd.s32 v3, v24;
	v31 =	vld.idx.msk [tilespmem:v18+s19+$0x0], $0xffff;
	[tilespmem:s1+$0x1D0] =	vst v48  }
0x214: {  	v18 =	vld.idx.msk [tilespmem:v18+s20+$0x0], $0xffff;
	[tilespmem:s8+$0x1D0] =	vst v20  }
0x215: {  	[tilespmem:s1+$0x120] =	vst v21;
	v20 =	vadd.s32 s24, v12;
	v28 =	vld.idx.msk [tilespmem:v26+s19+$0x0], $0xffff  }
0x216: {  	[tilespmem:s1+$0xA0] =	vst v33;
	v16 =	vadd.s32 v3, v20;
	v20 =	vld.idx.msk [tilespmem:v26+s20+$0x0], $0xffff  }
0x217: {  	[tilespmem:s8+$0xA0] =	vst v17;
	v26 =	vld.idx.msk [tilespmem:v27+s19+$0x0], $0xffff  }
0x218: {  	[tilespmem:s1+$0xFFFFFFB0] =	vst v29;
	v53 =	vld.idx.msk [tilespmem:v19+s19+$0x0], $0xffff  }
0x219: {  	v29 =	vadd.s32 s26, v11;
	v19 =	vld.idx.msk [tilespmem:v19+s20+$0x0], $0xffff;
	[tilespmem:s1+$0xFFFFFEB0] =	vst v31  }
0x21a: {  	v29 =	vadd.s32 v4, v29;
	v27 =	vld.idx.msk [tilespmem:v27+s20+$0x0], $0xffff;
	v31 =	vadd.s32 s14, v11;
	[tilespmem:s8+$0xFFFFFEB0] =	vst v18  }
0x21b: {  	v18 =	vadd.s32 v4, v31;
	v24 =	vld.idx.msk [tilespmem:v16+s19+$0x0], $0xffff;
	[tilespmem:s1+$0x1E0] =	vst v28  }
0x21c: {  	v51 =	vadd.s32 s29, v12;
	v28 =	vld.idx.msk [tilespmem:v16+s20+$0x0], $0xffff;
	[tilespmem:s8+$0x1E0] =	vst v20  }
0x21d: {  	v16 =	vadd.s32 v3, v51;
	[tilespmem:s1+$0xB0] =	vst v53;
	v52 =	vld.idx.msk [tilespmem:v23+s19+$0x0], $0xffff  }
0x21e: {  	v20 =	vadd.s32 s4, v12;
	[tilespmem:s8+$0xB0] =	vst v19;
	v17 =	vld.idx.msk [tilespmem:v23+s20+$0x0], $0xffff  }
0x21f: {  	[tilespmem:s8+$0xFFFFFFB0] =	vst v32;
	v20 =	vadd.s32 v3, v20;
	v34 =	vld.idx.msk [tilespmem:v29+s19+$0x0], $0xffff  }
0x220: {  	s0 =	simm.s32 $0x8;
	[tilespmem:s1+$0xFFFFFF30] =	vst v26;
	v26 =	vadd.s32 s24, v11;
	v32 =	vld.idx.msk [tilespmem:v18+s19+$0x0], $0xffff  }
0x221: {  	[tilespmem:s8+$0x120] =	vst v22;
	v26 =	vadd.s32 v4, v26;
	v23 =	vadd.s32 s0, v15;
	v18 =	vld.idx.msk [tilespmem:v18+s20+$0x0], $0xffff  }
0x222: {  	[tilespmem:s1+$0xFFFFFE20] =	vst v30;
	v21 =	vadd.s32 v0, v23;
	v23 =	vld.idx.msk [tilespmem:v16+s19+$0x0], $0xffff  }
0x223: {  	[tilespmem:s8+$0xFFFFFE20] =	vst v25;
	v25 =	vld.idx.msk [tilespmem:v16+s20+$0x0], $0xffff  }
0x224: {  	v22 =	vadd.s32 s22, v11;
	[tilespmem:s1+$0x30] =	vst v24;
	v30 =	vld.idx.msk [tilespmem:v20+s19+$0x0], $0xffff  }
0x225: {  	v22 =	vadd.s32 v4, v22;
	[tilespmem:s8+$0x30] =	vst v28;
	v20 =	vld.idx.msk [tilespmem:v20+s20+$0x0], $0xffff  }
0x226: {  	[tilespmem:s8+$0xFFFFFF30] =	vst v27;
	v55 =	vld.idx.msk [tilespmem:v26+s19+$0x0], $0xffff  }
0x227: {  	v16 =	vadd.s32 s13, v11;
	[tilespmem:s1+$0x1F0] =	vst v52;
	v26 =	vld.idx.msk [tilespmem:v26+s20+$0x0], $0xffff  }
0x228: {  	v54 =	vadd.s32 v4, v16;
	[tilespmem:s8+$0x1F0] =	vst v17;
	v16 =	vld.idx.msk [tilespmem:v21+s19+$0x0], $0xffff  }
0x229: {  	v24 =	vadd.s32 s29, v11;
	v17 =	vld.idx.msk [tilespmem:v21+s20+$0x0], $0xffff;
	[tilespmem:s1+$0xFFFFFFC0] =	vst v32  }
0x22a: {  	v24 =	vadd.s32 v4, v24;
	v21 =	vld.idx.msk [tilespmem:v22+s19+$0x0], $0xffff;
	[tilespmem:s1+$0x130] =	vst v23  }
0x22b: {  	v28 =	vadd.s32 s4, v11;
	v22 =	vld.idx.msk [tilespmem:v22+s20+$0x0], $0xffff;
	[tilespmem:s8+$0xFFFFFFC0] =	vst v18  }
0x22c: {  	v28 =	vadd.s32 v4, v28;
	v23 =	vld.idx.msk [tilespmem:v29+s20+$0x0], $0xffff;
	[tilespmem:s8+$0x130] =	vst v25  }
0x22d: {  	v19 =	vadd.s32 s22, v10;
	v27 =	vld.idx.msk [tilespmem:v54+s19+$0x0], $0xffff;
	[tilespmem:s1+$0xFFFFFE30] =	vst v30  }
0x22e: {  	v19 =	vadd.s32 v5, v19;
	v31 =	vld.idx.msk [tilespmem:v54+s20+$0x0], $0xffff;
	[tilespmem:s1+$0x40] =	vst v55  }
0x22f: {  	v25 =	vadd.s32 s13, v10;
	v29 =	vld.idx.msk [tilespmem:v24+s19+$0x0], $0xffff;
	[tilespmem:s8+$0xFFFFFE30] =	vst v20  }
0x230: {  	v24 =	vld.idx.msk [tilespmem:v24+s20+$0x0], $0xffff;
	v20 =	vadd.s32 v5, v25;
	[tilespmem:s1+$0xFFFFFEC0] =	vst v21  }
0x231: {  	v21 =	vadd.s32 s14, v10;
	[tilespmem:s8+$0x40] =	vst v26;
	v25 =	vld.idx.msk [tilespmem:v28+s19+$0x0], $0xffff  }
0x232: {  	v28 =	vld.idx.msk [tilespmem:v28+s20+$0x0], $0xffff;
	[tilespmem:s8+$0xFFFFFEC0] =	vst v22;
	v21 =	vadd.s32 v5, v21  }
0x233: {  	v56 =	vadd.s32 s29, v10;
	v22 =	vld.idx.msk [tilespmem:v19+s19+$0x0], $0xffff;
	[tilespmem:s1+$0xFFFFFF40] =	vst v27  }
0x234: {  	v26 =	vadd.s32 v5, v56;
	v19 =	vld.idx.msk [tilespmem:v19+s20+$0x0], $0xffff;
	[tilespmem:s8+$0xFFFFFF40] =	vst v31  }
0x235: {  	v57 =	vadd.s32 s4, v10;
	[tilespmem:s1+$0xC0] =	vst v34;
	v30 =	vld.idx.msk [tilespmem:v20+s19+$0x0], $0xffff  }
0x236: {  	v32 =	vadd.s32 v5, v57;
	[tilespmem:s8+$0xC0] =	vst v23;
	v31 =	vadd.s32 s26, v10;
	v20 =	vld.idx.msk [tilespmem:v20+s20+$0x0], $0xffff  }
0x237: {  	v27 =	vadd.s32 s24, v10;
	[tilespmem:s1+$0x140] =	vst v29;
	v18 =	vadd.s32 v5, v31;
	v31 =	vld.idx.msk [tilespmem:v21+s19+$0x0], $0xffff  }
0x238: {  	v27 =	vadd.s32 v5, v27;
	[tilespmem:s8+$0x140] =	vst v24;
	v21 =	vld.idx.msk [tilespmem:v21+s20+$0x0], $0xffff  }
0x239: {  	v23 =	vadd.s32 s22, v9;
	[tilespmem:s1+$0xFFFFFE40] =	vst v25;
	v25 =	vld.idx.msk [tilespmem:v26+s19+$0x0], $0xffff  }
0x23a: {  	v23 =	vadd.s32 v6, v23;
	v26 =	vld.idx.msk [tilespmem:v26+s20+$0x0], $0xffff;
	[tilespmem:s8+$0xFFFFFE40] =	vst v28  }
0x23b: {  	v28 =	vld.idx.msk [tilespmem:v32+s19+$0x0], $0xffff  }
0x23c: {  	v29 =	vld.idx.msk [tilespmem:v32+s20+$0x0], $0xffff  }
0x23d: {  	v24 =	vadd.s32 s13, v9;
	[tilespmem:s1+$0xFFFFFED0] =	vst v22;
	v33 =	vld.idx.msk [tilespmem:v27+s19+$0x0], $0xffff  }
0x23e: {  	v24 =	vadd.s32 v6, v24;
	v22 =	vadd.s32 s14, v9;
	[tilespmem:s8+$0xFFFFFED0] =	vst v19;
	v27 =	vld.idx.msk [tilespmem:v27+s20+$0x0], $0xffff  }
0x23f: {  	v19 =	vadd.s32 v6, v22;
	v22 =	vld.idx.msk [tilespmem:v23+s19+$0x0], $0xffff;
	[tilespmem:s1+$0xFFFFFF50] =	vst v30  }
0x240: {  	v23 =	vld.idx.msk [tilespmem:v23+s20+$0x0], $0xffff;
	[tilespmem:s8+$0xFFFFFF50] =	vst v20  }
0x241: {  	v59 =	vadd.s32 s4, v9;
	v34 =	vld.idx.msk [tilespmem:v18+s19+$0x0], $0xffff;
	[tilespmem:s1+$0xFFFFFFD0] =	vst v31  }
0x242: {  	v32 =	vadd.s32 v6, v59;
	v18 =	vld.idx.msk [tilespmem:v18+s20+$0x0], $0xffff;
	v30 =	vadd.s32 s24, v9;
	[tilespmem:s1+$0x150] =	vst v25  }
0x243: {  	v20 =	vadd.s32 v6, v30;
	v30 =	vld.idx.msk [tilespmem:v24+s19+$0x0], $0xffff;
	[tilespmem:s8+$0xFFFFFFD0] =	vst v21  }
0x244: {  	v31 =	vadd.s32 s26, v9;
	v24 =	vld.idx.msk [tilespmem:v24+s20+$0x0], $0xffff;
	[tilespmem:s1+$0xFFFFFE50] =	vst v28  }
0x245: {  	v21 =	vadd.s32 v6, v31;
	v31 =	vld.idx.msk [tilespmem:v19+s19+$0x0], $0xffff;
	[tilespmem:s1+$0x50] =	vst v33  }
0x246: {  	v19 =	vld.idx.msk [tilespmem:v19+s20+$0x0], $0xffff;
	[tilespmem:s8+$0xFFFFFE50] =	vst v29  }
0x247: {  	v25 =	vadd.s32 s13, v8;
	[tilespmem:s1+$0xFFFFFEE0] =	vst v22;
	v28 =	vld.idx.msk [tilespmem:v32+s19+$0x0], $0xffff  }
0x248: {  	v25 =	vadd.s32 v7, v25;
	[tilespmem:s8+$0x50] =	vst v27;
	v29 =	vld.idx.msk [tilespmem:v32+s20+$0x0], $0xffff  }
0x249: {  	v58 =	vadd.s32 s29, v9;
	[tilespmem:s1+$0xD0] =	vst v34;
	v33 =	vld.idx.msk [tilespmem:v20+s19+$0x0], $0xffff  }
0x24a: {  	v27 =	vadd.s32 v6, v58;
	v20 =	vld.idx.msk [tilespmem:v20+s20+$0x0], $0xffff;
	[tilespmem:s8+$0xD0] =	vst v18  }
0x24b: {  	v22 =	vadd.s32 s14, v8;
	v34 =	vld.idx.msk [tilespmem:v21+s19+$0x0], $0xffff;
	[tilespmem:s1+$0xFFFFFF60] =	vst v30  }
0x24c: {  	v22 =	vadd.s32 v7, v22;
	v21 =	vld.idx.msk [tilespmem:v21+s20+$0x0], $0xffff;
	v30 =	vadd.s32 s24, v8;
	[tilespmem:s8+$0xFFFFFF60] =	vst v24  }
0x24d: {  	v18 =	vadd.s32 s22, v8;
	v24 =	vadd.s32 v7, v30;
	v30 =	vld.idx.msk [tilespmem:v25+s19+$0x0], $0xffff  }
0x24e: {  	[tilespmem:s8+$0x150] =	vst v26;
	v18 =	vadd.s32 v7, v18;
	v60 =	vld.idx.msk [tilespmem:v25+s20+$0x0], $0xffff  }
0x24f: {  	[tilespmem:s1+$0xFFFFFFE0] =	vst v31;
	v26 =	vld.idx.msk [tilespmem:v27+s19+$0x0], $0xffff  }
0x250: {  	v31 =	vadd.s32 s26, v8;
	[tilespmem:s8+$0xFFFFFFE0] =	vst v19;
	v27 =	vld.idx.msk [tilespmem:v27+s20+$0x0], $0xffff  }
0x251: {  	v19 =	vadd.s32 v7, v31;
	v31 =	vld.idx.msk [tilespmem:v22+s19+$0x0], $0xffff  }
0x252: {  	[tilespmem:s8+$0xFFFFFEE0] =	vst v23;
	v22 =	vld.idx.msk [tilespmem:v22+s20+$0x0], $0xffff  }
0x253: {  	v25 =	vadd.s32 s29, v8;
	[tilespmem:s1+$0x60] =	vst v33;
	v23 =	vld.idx.msk [tilespmem:v18+s19+$0x0], $0xffff  }
0x254: {  	v18 =	vld.idx.msk [tilespmem:v18+s20+$0x0], $0xffff;
	[tilespmem:s8+$0x60] =	vst v20;
	v20 =	vadd.s32 v7, v25  }
0x255: {  	s9 =	simm.s32 $0x9;
	v25 =	vadd.s32 s4, v8;
	[tilespmem:s1+$0xE0] =	vst v34;
	v33 =	vld.idx.msk [tilespmem:v24+s19+$0x0], $0xffff  }
0x256: {  	v61 =	vadd.s32 v7, v25;
	v35 =	vld.idx.msk [tilespmem:v24+s20+$0x0], $0xffff;
	[tilespmem:s8+$0xE0] =	vst v21;
	v21 =	vadd.s32 s9, v15  }
0x257: {  	s4 =	simm.s32 $0xA;
	v36 =	vld.idx.msk [tilespmem:v19+s19+$0x0], $0xffff;
	v21 =	vadd.s32 v0, v21;
	[tilespmem:s1+$0x160] =	vst v26  }
0x258: {  	v37 =	vld.idx.msk [tilespmem:v19+s20+$0x0], $0xffff;
	v19 =	vadd.s32 s4, v15;
	[tilespmem:s8+$0x160] =	vst v27  }
0x259: {  	[tilespmem:s1+$0xFFFFFE60] =	vst v28;
	v28 =	vadd.s32 v0, v19;
	v24 =	vld.idx.msk [tilespmem:v20+s19+$0x0], $0xffff  }
0x25a: {  	s10 =	simm.s32 $0xB;
	[tilespmem:s8+$0xFFFFFE60] =	vst v29;
	v26 =	vld.idx.msk [tilespmem:v20+s20+$0x0], $0xffff  }
0x25b: {  	v19 =	vadd.s32 s10, v15;
	[tilespmem:s1+$0xFFFFFEF0] =	vst v23;
	v25 =	vld.idx.msk [tilespmem:v61+s19+$0x0], $0xffff  }
0x25c: {  	s24 =	simm.s32 $0xF;
	v23 =	vadd.s32 v0, v19;
	[tilespmem:s8+$0xFFFFFEF0] =	vst v18;
	v18 =	vld.idx.msk [tilespmem:v21+s19+$0x0], $0xffff  }
0x25d: {  	[tilespmem:s1+$0xFFFFFF70] =	vst v30;
	v20 =	vadd.s32 s24, v15;
	v19 =	vld.idx.msk [tilespmem:v21+s20+$0x0], $0xffff  }
0x25e: {  	s14 =	simm.s32 $0xC;
	[tilespmem:s8+$0xFFFFFF70] =	vst v60;
	v62 =	vadd.s32 v0, v20;
	v21 =	vld.idx.msk [tilespmem:v28+s19+$0x0], $0xffff  }
0x25f: {  	[tilespmem:s1+$0xFFFFFFF0] =	vst v31;
	v20 =	vld.idx.msk [tilespmem:v28+s20+$0x0], $0xffff;
	v28 =	vadd.s32 s14, v15  }
0x260: {  	s21 =	simm.s32 $0xD;
	[tilespmem:s8+$0xFFFFFFF0] =	vst v22;
	v27 =	vld.idx.msk [tilespmem:v61+s20+$0x0], $0xffff;
	v29 =	vadd.s32 v0, v28  }
0x261: {  	[tilespmem:s1+$0x70] =	vst v33;
	v28 =	vadd.s32 s21, v15;
	v22 =	vld.idx.msk [tilespmem:v23+s19+$0x0], $0xffff  }
0x262: {  	s13 =	simm.s32 $0xE;
	[tilespmem:s8+$0x70] =	vst v35;
	v23 =	vld.idx.msk [tilespmem:v23+s20+$0x0], $0xffff;
	v30 =	vadd.s32 v0, v28  }
0x263: {  	v63 =	vadd.s32 s13, v15;
	[tilespmem:s1+$0xF0] =	vst v36;
	v31 =	vld.idx.msk [tilespmem:v62+s19+$0x0], $0xffff  }
0x264: {  	s22 =	simm.s32 $0x10;
	[tilespmem:s8+$0xF0] =	vst v37;
	v28 =	vadd.s32 v0, v63;
	v32 =	vld.idx.msk [tilespmem:v62+s20+$0x0], $0xffff  }
.LBB2_5:
0x265: {  	p0 =	slt.u32 s22, $0x38;
	v33 =	vld.idx.msk [tilespmem:v29+s19+$0x0], $0xffff;
	v34 =	vadd.s32 s24, v14;
	[tilespmem:s1+$0x170] =	vst v24  }
0x266: {  	v24 =	vld.idx.msk [tilespmem:v29+s20+$0x0], $0xffff;
	v29 =	vadd.s32 v1, v34;
	[tilespmem:s8+$0x170] =	vst v26  }
0x267: {  	v26 =	vadd.s32 s9, v14;
	v34 =	vld.idx.msk [tilespmem:v30+s19+$0x0], $0xffff;
	[tilespmem:s1+$0xFFFFFE70] =	vst v25  }
0x268: {  	v25 =	vadd.s32 v1, v26;
	s1 =	sadd.s32 $0x400, s1;
	v26 =	vld.idx.msk [tilespmem:v30+s20+$0x0], $0xffff;
	[tilespmem:s8+$0xFFFFFE70] =	vst v27  }
0x269: {  	v27 =	vadd.s32 s4, v14;
	s8 =	sadd.s32 $0x400, s8;
	v30 =	vld.idx.msk [tilespmem:v28+s19+$0x0], $0xffff;
	[tilespmem:s1+$0x180] =	vst v31  }
0x26a: {  	v27 =	vadd.s32 v1, v27;
	v28 =	vld.idx.msk [tilespmem:v28+s20+$0x0], $0xffff;
	[tilespmem:s8+$0x180] =	vst v32  }
0x26b: {  	[tilespmem:s1+$0xFFFFFE80] =	vst v18;
	v18 =	vadd.s32 s10, v14;
	v31 =	vld.idx.msk [tilespmem:v29+s19+$0x0], $0xffff  }
0x26c: {  	[tilespmem:s8+$0xFFFFFE80] =	vst v19;
	v18 =	vadd.s32 v1, v18;
	v19 =	vld.idx.msk [tilespmem:v29+s20+$0x0], $0xffff  }
0x26d: {  	v29 =	vld.idx.msk [tilespmem:v25+s19+$0x0], $0xffff;
	[tilespmem:s1+$0xFFFFFF00] =	vst v21;
	v21 =	vadd.s32 s24, v13  }
0x26e: {  	v25 =	vld.idx.msk [tilespmem:v25+s20+$0x0], $0xffff;
	[tilespmem:s8+$0xFFFFFF00] =	vst v20;
	v20 =	vadd.s32 v2, v21  }
0x26f: {  	v21 =	vld.idx.msk [tilespmem:v27+s19+$0x0], $0xffff;
	[tilespmem:s1+$0xFFFFFF80] =	vst v22;
	v22 =	vadd.s32 s14, v14  }
0x270: {  	v27 =	vld.idx.msk [tilespmem:v27+s20+$0x0], $0xffff;
	[tilespmem:s8+$0xFFFFFF80] =	vst v23;
	v22 =	vadd.s32 v1, v22  }
0x271: {  	v32 =	vadd.s32 s21, v14;
	v23 =	vld.idx.msk [tilespmem:v18+s19+$0x0], $0xffff;
	[tilespmem:s1+$0x190] =	vst v31  }
0x272: {  	v31 =	vadd.s32 v1, v32;
	v18 =	vld.idx.msk [tilespmem:v18+s20+$0x0], $0xffff;
	[tilespmem:s8+$0x190] =	vst v19  }
0x273: {  	v19 =	vadd.s32 s13, v14;
	[tilespmem:s1+$0x0] =	vst v33;
	v32 =	vld.idx.msk [tilespmem:v20+s19+$0x0], $0xffff  }
0x274: {  	v19 =	vadd.s32 v1, v19;
	[tilespmem:s8+$0x0] =	vst v24;
	v20 =	vld.idx.msk [tilespmem:v20+s20+$0x0], $0xffff  }
0x275: {  	v33 =	vadd.s32 s24, v12;
	v24 =	vld.idx.msk [tilespmem:v22+s19+$0x0], $0xffff;
	[tilespmem:s1+$0x80] =	vst v34  }
0x276: {  	v22 =	vld.idx.msk [tilespmem:v22+s20+$0x0], $0xffff;
	[tilespmem:s8+$0x80] =	vst v26;
	v26 =	vadd.s32 v3, v33  }
0x277: {  	v33 =	vadd.s32 s0, v14;
	v34 =	vld.idx.msk [tilespmem:v31+s19+$0x0], $0xffff;
	[tilespmem:s1+$0x100] =	vst v30  }
0x278: {  	v30 =	vadd.s32 v1, v33;
	v31 =	vld.idx.msk [tilespmem:v31+s20+$0x0], $0xffff;
	[tilespmem:s8+$0x100] =	vst v28  }
0x279: {  	v28 =	vadd.s32 s9, v13;
	v33 =	vld.idx.msk [tilespmem:v19+s19+$0x0], $0xffff;
	[tilespmem:s1+$0x1A0] =	vst v32  }
0x27a: {  	v28 =	vadd.s32 v2, v28;
	v19 =	vld.idx.msk [tilespmem:v19+s20+$0x0], $0xffff;
	[tilespmem:s8+$0x1A0] =	vst v20  }
0x27b: {  	[tilespmem:s1+$0xFFFFFE00] =	vst v16;
	v16 =	vadd.s32 s4, v13;
	v20 =	vld.idx.msk [tilespmem:v26+s19+$0x0], $0xffff  }
0x27c: {  	[tilespmem:s8+$0xFFFFFE00] =	vst v17;
	v16 =	vadd.s32 v2, v16;
	v17 =	vld.idx.msk [tilespmem:v26+s20+$0x0], $0xffff  }
0x27d: {  	v26 =	vld.idx.msk [tilespmem:v30+s19+$0x0], $0xffff;
	[tilespmem:s1+$0xFFFFFE90] =	vst v29;
	v29 =	vadd.s32 s24, v11  }
0x27e: {  	v30 =	vld.idx.msk [tilespmem:v30+s20+$0x0], $0xffff;
	[tilespmem:s8+$0xFFFFFE90] =	vst v25;
	v25 =	vadd.s32 v4, v29  }
0x27f: {  	v29 =	vld.idx.msk [tilespmem:v28+s19+$0x0], $0xffff;
	[tilespmem:s1+$0xFFFFFF10] =	vst v21;
	v21 =	vadd.s32 s10, v13  }
0x280: {  	v28 =	vld.idx.msk [tilespmem:v28+s20+$0x0], $0xffff;
	[tilespmem:s8+$0xFFFFFF10] =	vst v27;
	v21 =	vadd.s32 v2, v21  }
0x281: {  	v32 =	vadd.s32 s14, v13;
	v27 =	vld.idx.msk [tilespmem:v16+s19+$0x0], $0xffff;
	[tilespmem:s1+$0x1B0] =	vst v20  }
0x282: {  	v20 =	vadd.s32 v2, v32;
	v16 =	vld.idx.msk [tilespmem:v16+s20+$0x0], $0xffff;
	[tilespmem:s8+$0x1B0] =	vst v17  }
0x283: {  	v17 =	vadd.s32 s21, v13;
	[tilespmem:s1+$0xFFFFFF90] =	vst v23;
	v23 =	vld.idx.msk [tilespmem:v25+s19+$0x0], $0xffff  }
0x284: {  	v17 =	vadd.s32 v2, v17;
	[tilespmem:s8+$0xFFFFFF90] =	vst v18;
	v18 =	vld.idx.msk [tilespmem:v25+s20+$0x0], $0xffff  }
0x285: {  	v25 =	vld.idx.msk [tilespmem:v21+s19+$0x0], $0xffff;
	[tilespmem:s1+$0x10] =	vst v24;
	v24 =	vadd.s32 s24, v10  }
0x286: {  	v21 =	vld.idx.msk [tilespmem:v21+s20+$0x0], $0xffff;
	[tilespmem:s8+$0x10] =	vst v22;
	v22 =	vadd.s32 v5, v24  }
0x287: {  	v32 =	vadd.s32 s13, v13;
	v24 =	vld.idx.msk [tilespmem:v20+s19+$0x0], $0xffff;
	[tilespmem:s1+$0x90] =	vst v34  }
0x288: {  	v20 =	vld.idx.msk [tilespmem:v20+s20+$0x0], $0xffff;
	[tilespmem:s8+$0x90] =	vst v31;
	v31 =	vadd.s32 v2, v32  }
0x289: {  	v32 =	vadd.s32 s0, v13;
	v34 =	vld.idx.msk [tilespmem:v17+s19+$0x0], $0xffff;
	[tilespmem:s1+$0x1C0] =	vst v23  }
0x28a: {  	v23 =	vadd.s32 v2, v32;
	v17 =	vld.idx.msk [tilespmem:v17+s20+$0x0], $0xffff;
	[tilespmem:s8+$0x1C0] =	vst v18  }
0x28b: {  	v18 =	vadd.s32 s9, v12;
	[tilespmem:s1+$0x110] =	vst v33;
	v32 =	vld.idx.msk [tilespmem:v22+s19+$0x0], $0xffff  }
0x28c: {  	v18 =	vadd.s32 v3, v18;
	[tilespmem:s8+$0x110] =	vst v19;
	v19 =	vld.idx.msk [tilespmem:v22+s20+$0x0], $0xffff  }
0x28d: {  	[tilespmem:s1+$0xFFFFFE10] =	vst v26;
	v22 =	vld.idx.msk [tilespmem:v31+s19+$0x0], $0xffff;
	v26 =	vadd.s32 s24, v9  }
0x28e: {  	[tilespmem:s8+$0xFFFFFE10] =	vst v30;
	v30 =	vld.idx.msk [tilespmem:v31+s20+$0x0], $0xffff;
	v26 =	vadd.s32 v6, v26  }
0x28f: {  	v31 =	vld.idx.msk [tilespmem:v23+s19+$0x0], $0xffff;
	[tilespmem:s1+$0xFFFFFEA0] =	vst v29;
	v29 =	vadd.s32 s4, v12  }
0x290: {  	v23 =	vld.idx.msk [tilespmem:v23+s20+$0x0], $0xffff;
	[tilespmem:s8+$0xFFFFFEA0] =	vst v28;
	v28 =	vadd.s32 v3, v29  }
0x291: {  	v33 =	vadd.s32 s10, v12;
	v29 =	vld.idx.msk [tilespmem:v18+s19+$0x0], $0xffff;
	[tilespmem:s1+$0x1D0] =	vst v32  }
0x292: {  	v32 =	vadd.s32 v3, v33;
	v18 =	vld.idx.msk [tilespmem:v18+s20+$0x0], $0xffff;
	[tilespmem:s8+$0x1D0] =	vst v19  }
0x293: {  	v19 =	vadd.s32 s14, v12;
	[tilespmem:s1+$0xFFFFFF20] =	vst v27;
	v27 =	vld.idx.msk [tilespmem:v26+s19+$0x0], $0xffff  }
0x294: {  	[tilespmem:s8+$0xFFFFFF20] =	vst v16;
	v16 =	vadd.s32 v3, v19;
	v19 =	vld.idx.msk [tilespmem:v26+s20+$0x0], $0xffff  }
0x295: {  	v26 =	vld.idx.msk [tilespmem:v28+s19+$0x0], $0xffff;
	[tilespmem:s1+$0xFFFFFFA0] =	vst v25;
	v25 =	vadd.s32 s24, v8  }
0x296: {  	v28 =	vld.idx.msk [tilespmem:v28+s20+$0x0], $0xffff;
	[tilespmem:s8+$0xFFFFFFA0] =	vst v21;
	v21 =	vadd.s32 v7, v25  }
0x297: {  	v25 =	vld.idx.msk [tilespmem:v32+s19+$0x0], $0xffff;
	[tilespmem:s1+$0x20] =	vst v24;
	v24 =	vadd.s32 s21, v12  }
0x298: {  	v32 =	vld.idx.msk [tilespmem:v32+s20+$0x0], $0xffff;
	[tilespmem:s8+$0x20] =	vst v20;
	v20 =	vadd.s32 v3, v24  }
0x299: {  	v33 =	vadd.s32 s13, v12;
	v24 =	vld.idx.msk [tilespmem:v16+s19+$0x0], $0xffff;
	[tilespmem:s1+$0x1E0] =	vst v27  }
0x29a: {  	v27 =	vld.idx.msk [tilespmem:v16+s20+$0x0], $0xffff;
	v16 =	vadd.s32 v3, v33;
	[tilespmem:s8+$0x1E0] =	vst v19  }
0x29b: {  	v19 =	vadd.s32 s0, v12;
	[tilespmem:s1+$0xA0] =	vst v34;
	v33 =	vld.idx.msk [tilespmem:v21+s19+$0x0], $0xffff  }
0x29c: {  	v19 =	vadd.s32 v3, v19;
	[tilespmem:s8+$0xA0] =	vst v17;
	v17 =	vld.idx.msk [tilespmem:v21+s20+$0x0], $0xffff  }
0x29d: {  	v21 =	vadd.s32 s22, v15;
	v34 =	vld.idx.msk [tilespmem:v20+s19+$0x0], $0xffff;
	[tilespmem:s1+$0x120] =	vst v22  }
0x29e: {  	v21 =	vadd.s32 v0, v21;
	v20 =	vld.idx.msk [tilespmem:v20+s20+$0x0], $0xffff;
	[tilespmem:s8+$0x120] =	vst v30  }
0x29f: {  	v22 =	vadd.s32 s9, v11;
	[tilespmem:s1+$0xFFFFFE20] =	vst v31;
	v30 =	vld.idx.msk [tilespmem:v16+s19+$0x0], $0xffff  }
0x2a0: {  	v22 =	vadd.s32 v4, v22;
	[tilespmem:s8+$0xFFFFFE20] =	vst v23;
	v23 =	vld.idx.msk [tilespmem:v16+s20+$0x0], $0xffff  }
0x2a1: {  	v16 =	vadd.s32 s4, v11;
	v31 =	vld.idx.msk [tilespmem:v19+s19+$0x0], $0xffff;
	[tilespmem:s1+$0x1F0] =	vst v33  }
0x2a2: {  	v33 =	vadd.s32 v4, v16;
	v19 =	vld.idx.msk [tilespmem:v19+s20+$0x0], $0xffff;
	[tilespmem:s8+$0x1F0] =	vst v17  }
0x2a3: {  	v16 =	vld.idx.msk [tilespmem:v21+s19+$0x0], $0xffff;
	[tilespmem:s1+$0xFFFFFEB0] =	vst v29;
	v29 =	vadd.s32 s10, v11  }
0x2a4: {  	v17 =	vld.idx.msk [tilespmem:v21+s20+$0x0], $0xffff;
	[tilespmem:s8+$0xFFFFFEB0] =	vst v18;
	v18 =	vadd.s32 v4, v29  }
0x2a5: {  	v21 =	vld.idx.msk [tilespmem:v22+s19+$0x0], $0xffff;
	[tilespmem:s1+$0xFFFFFF30] =	vst v26;
	v26 =	vadd.s32 s14, v11  }
0x2a6: {  	v22 =	vld.idx.msk [tilespmem:v22+s20+$0x0], $0xffff;
	[tilespmem:s8+$0xFFFFFF30] =	vst v28;
	v26 =	vadd.s32 v4, v26  }
0x2a7: {  	v28 =	vld.idx.msk [tilespmem:v33+s19+$0x0], $0xffff;
	[tilespmem:s1+$0xFFFFFFB0] =	vst v25;
	v25 =	vadd.s32 s21, v11  }
0x2a8: {  	v29 =	vld.idx.msk [tilespmem:v33+s20+$0x0], $0xffff;
	[tilespmem:s8+$0xFFFFFFB0] =	vst v32;
	v25 =	vadd.s32 v4, v25  }
0x2a9: {  	v32 =	vld.idx.msk [tilespmem:v18+s19+$0x0], $0xffff;
	[tilespmem:s1+$0x30] =	vst v24;
	v24 =	vadd.s32 s13, v11  }
0x2aa: {  	v18 =	vld.idx.msk [tilespmem:v18+s20+$0x0], $0xffff;
	[tilespmem:s8+$0x30] =	vst v27;
	v24 =	vadd.s32 v4, v24  }
0x2ab: {  	v27 =	vadd.s32 s0, v11;
	v33 =	vld.idx.msk [tilespmem:v26+s19+$0x0], $0xffff;
	[tilespmem:s1+$0xB0] =	vst v34  }
0x2ac: {  	v27 =	vadd.s32 v4, v27;
	v26 =	vld.idx.msk [tilespmem:v26+s20+$0x0], $0xffff;
	[tilespmem:s8+$0xB0] =	vst v20  }
0x2ad: {  	v20 =	vadd.s32 s9, v10;
	v34 =	vld.idx.msk [tilespmem:v25+s19+$0x0], $0xffff;
	[tilespmem:s1+$0x130] =	vst v30  }
0x2ae: {  	v20 =	vadd.s32 v5, v20;
	v25 =	vld.idx.msk [tilespmem:v25+s20+$0x0], $0xffff;
	[tilespmem:s8+$0x130] =	vst v23  }
0x2af: {  	v23 =	vadd.s32 s4, v10;
	[tilespmem:s1+$0xFFFFFE30] =	vst v31;
	v30 =	vld.idx.msk [tilespmem:v24+s19+$0x0], $0xffff  }
0x2b0: {  	[tilespmem:s8+$0xFFFFFE30] =	vst v19;
	v19 =	vadd.s32 v5, v23;
	v23 =	vld.idx.msk [tilespmem:v24+s20+$0x0], $0xffff  }
0x2b1: {  	v24 =	vld.idx.msk [tilespmem:v27+s19+$0x0], $0xffff;
	[tilespmem:s1+$0xFFFFFEC0] =	vst v21;
	v21 =	vadd.s32 s10, v10  }
0x2b2: {  	v27 =	vld.idx.msk [tilespmem:v27+s20+$0x0], $0xffff;
	[tilespmem:s8+$0xFFFFFEC0] =	vst v22;
	v21 =	vadd.s32 v5, v21  }
0x2b3: {  	v22 =	vld.idx.msk [tilespmem:v20+s19+$0x0], $0xffff;
	[tilespmem:s1+$0xFFFFFF40] =	vst v28;
	v28 =	vadd.s32 s14, v10  }
0x2b4: {  	v20 =	vld.idx.msk [tilespmem:v20+s20+$0x0], $0xffff;
	[tilespmem:s8+$0xFFFFFF40] =	vst v29;
	v28 =	vadd.s32 v5, v28  }
0x2b5: {  	v31 =	vadd.s32 s21, v10;
	v29 =	vld.idx.msk [tilespmem:v19+s19+$0x0], $0xffff;
	[tilespmem:s1+$0xFFFFFFC0] =	vst v32  }
0x2b6: {  	v19 =	vld.idx.msk [tilespmem:v19+s20+$0x0], $0xffff;
	[tilespmem:s8+$0xFFFFFFC0] =	vst v18;
	v18 =	vadd.s32 v5, v31  }
0x2b7: {  	v32 =	vadd.s32 s13, v10;
	v31 =	vld.idx.msk [tilespmem:v21+s19+$0x0], $0xffff;
	[tilespmem:s1+$0x40] =	vst v33  }
0x2b8: {  	v21 =	vld.idx.msk [tilespmem:v21+s20+$0x0], $0xffff;
	[tilespmem:s8+$0x40] =	vst v26;
	v26 =	vadd.s32 v5, v32  }
0x2b9: {  	v32 =	vadd.s32 s0, v10;
	v33 =	vld.idx.msk [tilespmem:v28+s19+$0x0], $0xffff;
	[tilespmem:s1+$0xC0] =	vst v34  }
0x2ba: {  	v32 =	vadd.s32 v5, v32;
	v28 =	vld.idx.msk [tilespmem:v28+s20+$0x0], $0xffff;
	[tilespmem:s8+$0xC0] =	vst v25  }
0x2bb: {  	v25 =	vadd.s32 s9, v9;
	v34 =	vld.idx.msk [tilespmem:v18+s19+$0x0], $0xffff;
	[tilespmem:s1+$0x140] =	vst v30  }
0x2bc: {  	v25 =	vadd.s32 v6, v25;
	v18 =	vld.idx.msk [tilespmem:v18+s20+$0x0], $0xffff;
	[tilespmem:s8+$0x140] =	vst v23  }
0x2bd: {  	v23 =	vadd.s32 s4, v9;
	[tilespmem:s1+$0xFFFFFE40] =	vst v24;
	v24 =	vld.idx.msk [tilespmem:v26+s19+$0x0], $0xffff  }
0x2be: {  	v23 =	vadd.s32 v6, v23;
	[tilespmem:s8+$0xFFFFFE40] =	vst v27;
	v26 =	vld.idx.msk [tilespmem:v26+s20+$0x0], $0xffff  }
0x2bf: {  	v27 =	vld.idx.msk [tilespmem:v32+s19+$0x0], $0xffff;
	[tilespmem:s1+$0xFFFFFED0] =	vst v22;
	v22 =	vadd.s32 s10, v9  }
0x2c0: {  	v30 =	vld.idx.msk [tilespmem:v32+s20+$0x0], $0xffff;
	[tilespmem:s8+$0xFFFFFED0] =	vst v20;
	v20 =	vadd.s32 v6, v22  }
0x2c1: {  	v22 =	vld.idx.msk [tilespmem:v25+s19+$0x0], $0xffff;
	[tilespmem:s1+$0xFFFFFF50] =	vst v29;
	v29 =	vadd.s32 s14, v9  }
0x2c2: {  	v25 =	vld.idx.msk [tilespmem:v25+s20+$0x0], $0xffff;
	[tilespmem:s8+$0xFFFFFF50] =	vst v19;
	v19 =	vadd.s32 v6, v29  }
0x2c3: {  	v29 =	vld.idx.msk [tilespmem:v23+s19+$0x0], $0xffff;
	[tilespmem:s1+$0xFFFFFFD0] =	vst v31;
	v31 =	vadd.s32 s21, v9  }
0x2c4: {  	v23 =	vld.idx.msk [tilespmem:v23+s20+$0x0], $0xffff;
	[tilespmem:s8+$0xFFFFFFD0] =	vst v21;
	v21 =	vadd.s32 v6, v31  }
0x2c5: {  	v32 =	vadd.s32 s13, v9;
	v31 =	vld.idx.msk [tilespmem:v20+s19+$0x0], $0xffff;
	[tilespmem:s1+$0x50] =	vst v33  }
0x2c6: {  	v20 =	vld.idx.msk [tilespmem:v20+s20+$0x0], $0xffff;
	[tilespmem:s8+$0x50] =	vst v28;
	v28 =	vadd.s32 v6, v32  }
0x2c7: {  	v32 =	vadd.s32 s0, v9;
	v33 =	vld.idx.msk [tilespmem:v19+s19+$0x0], $0xffff;
	[tilespmem:s1+$0xD0] =	vst v34  }
0x2c8: {  	v32 =	vadd.s32 v6, v32;
	v19 =	vld.idx.msk [tilespmem:v19+s20+$0x0], $0xffff;
	[tilespmem:s8+$0xD0] =	vst v18  }
0x2c9: {  	v18 =	vadd.s32 s9, v8;
	v34 =	vld.idx.msk [tilespmem:v21+s19+$0x0], $0xffff;
	[tilespmem:s1+$0x150] =	vst v24  }
0x2ca: {  	v18 =	vadd.s32 v7, v18;
	v21 =	vld.idx.msk [tilespmem:v21+s20+$0x0], $0xffff;
	[tilespmem:s8+$0x150] =	vst v26  }
0x2cb: {  	v24 =	vadd.s32 s4, v8;
	[tilespmem:s1+$0xFFFFFE50] =	vst v27;
	v26 =	vld.idx.msk [tilespmem:v28+s19+$0x0], $0xffff  }
0x2cc: {  	v24 =	vadd.s32 v7, v24;
	[tilespmem:s8+$0xFFFFFE50] =	vst v30;
	v27 =	vld.idx.msk [tilespmem:v28+s20+$0x0], $0xffff  }
0x2cd: {  	v28 =	vld.idx.msk [tilespmem:v32+s19+$0x0], $0xffff;
	[tilespmem:s1+$0xFFFFFEE0] =	vst v22;
	v22 =	vadd.s32 s10, v8  }
0x2ce: {  	v30 =	vld.idx.msk [tilespmem:v32+s20+$0x0], $0xffff;
	[tilespmem:s8+$0xFFFFFEE0] =	vst v25;
	v22 =	vadd.s32 v7, v22  }
0x2cf: {  	v25 =	vadd.s32 s14, v8;
	v32 =	vld.idx.msk [tilespmem:v18+s19+$0x0], $0xffff;
	[tilespmem:s1+$0xFFFFFF60] =	vst v29  }
0x2d0: {  	v18 =	vld.idx.msk [tilespmem:v18+s20+$0x0], $0xffff;
	[tilespmem:s8+$0xFFFFFF60] =	vst v23;
	v23 =	vadd.s32 v7, v25  }
0x2d1: {  	v25 =	vadd.s32 s21, v8;
	v29 =	vld.idx.msk [tilespmem:v24+s19+$0x0], $0xffff;
	[tilespmem:s1+$0xFFFFFFE0] =	vst v31  }
0x2d2: {  	v31 =	vld.idx.msk [tilespmem:v24+s20+$0x0], $0xffff;
	[tilespmem:s8+$0xFFFFFFE0] =	vst v20;
	v20 =	vadd.s32 v7, v25  }
0x2d3: {  	v24 =	vadd.s32 s13, v8;
	v35 =	vld.idx.msk [tilespmem:v22+s19+$0x0], $0xffff;
	[tilespmem:s1+$0x60] =	vst v33  }
0x2d4: {  	v22 =	vld.idx.msk [tilespmem:v22+s20+$0x0], $0xffff;
	[tilespmem:s8+$0x60] =	vst v19;
	v19 =	vadd.s32 v7, v24  }
0x2d5: {  	v24 =	vadd.s32 s0, v8;
	s0 =	smov.u32 s22;
	v33 =	vld.idx.msk [tilespmem:v23+s19+$0x0], $0xffff;
	[tilespmem:s1+$0xE0] =	vst v34  }
0x2d6: {  	s9 =	sadd.s32 $0x1, s22;
	v34 =	vadd.s32 v7, v24;
	v36 =	vld.idx.msk [tilespmem:v23+s20+$0x0], $0xffff;
	[tilespmem:s8+$0xE0] =	vst v21  }
0x2d7: {  	v21 =	vadd.s32 s9, v15;
	v37 =	vld.idx.msk [tilespmem:v20+s19+$0x0], $0xffff;
	[tilespmem:s1+$0x160] =	vst v26  }
0x2d8: {  	s4 =	sadd.s32 $0x2, s22;
	v21 =	vadd.s32 v0, v21;
	v38 =	vld.idx.msk [tilespmem:v20+s20+$0x0], $0xffff;
	[tilespmem:s8+$0x160] =	vst v27  }
0x2d9: {  	v20 =	vadd.s32 s4, v15;
	[tilespmem:s1+$0xFFFFFE60] =	vst v28;
	v24 =	vld.idx.msk [tilespmem:v19+s19+$0x0], $0xffff  }
0x2da: {  	s10 =	sadd.s32 $0x3, s22;
	v20 =	vadd.s32 v0, v20;
	[tilespmem:s8+$0xFFFFFE60] =	vst v30;
	v26 =	vld.idx.msk [tilespmem:v19+s20+$0x0], $0xffff  }
0x2db: {  	v19 =	vadd.s32 s10, v15;
	v25 =	vld.idx.msk [tilespmem:v34+s19+$0x0], $0xffff;
	[tilespmem:s1+$0xFFFFFEF0] =	vst v32  }
0x2dc: {  	s24 =	sadd.s32 $0x7, s22;
	v23 =	vadd.s32 v0, v19;
	v27 =	vld.idx.msk [tilespmem:v34+s20+$0x0], $0xffff;
	[tilespmem:s8+$0xFFFFFEF0] =	vst v18  }
0x2dd: {  	v28 =	vadd.s32 s24, v15;
	v18 =	vld.idx.msk [tilespmem:v21+s19+$0x0], $0xffff;
	[tilespmem:s1+$0xFFFFFF70] =	vst v29  }
0x2de: {  	s14 =	sadd.s32 $0x4, s22;
	v32 =	vadd.s32 v0, v28;
	v19 =	vld.idx.msk [tilespmem:v21+s20+$0x0], $0xffff;
	[tilespmem:s8+$0xFFFFFF70] =	vst v31  }
0x2df: {  	v28 =	vadd.s32 s14, v15;
	v21 =	vld.idx.msk [tilespmem:v20+s19+$0x0], $0xffff;
	[tilespmem:s1+$0xFFFFFFF0] =	vst v35  }
.Ltmp1:
0x2e0: {  	s21 =	sadd.s32 $0x5, s22;
	v29 =	vadd.s32 v0, v28;
	v20 =	vld.idx.msk [tilespmem:v20+s20+$0x0], $0xffff;
	[tilespmem:s8+$0xFFFFFFF0] =	vst v22;
	(pc) =	sbr.rel @p0 .LBB2_5-.Ltmp1, $4  }
0x2e1: {  	v28 =	vadd.s32 s21, v15;
	v22 =	vld.idx.msk [tilespmem:v23+s19+$0x0], $0xffff;
	[tilespmem:s1+$0x70] =	vst v33  }
0x2e2: {  	s13 =	sadd.s32 $0x6, s22;
	v30 =	vadd.s32 v0, v28;
	v23 =	vld.idx.msk [tilespmem:v23+s20+$0x0], $0xffff;
	[tilespmem:s8+$0x70] =	vst v36  }
0x2e3: {  	v28 =	vadd.s32 s13, v15;
	v31 =	vld.idx.msk [tilespmem:v32+s19+$0x0], $0xffff;
	[tilespmem:s1+$0xF0] =	vst v37  }
0x2e4: {  	s22 =	sadd.s32 $0x8, s22;
	v28 =	vadd.s32 v0, v28;
	v32 =	vld.idx.msk [tilespmem:v32+s20+$0x0], $0xffff;
	[tilespmem:s8+$0xF0] =	vst v38  }
0x2e5: {  	[tilespmem:s1+$0x170] =	vst v24  }
0x2e6: {  	[tilespmem:s1+$0xFFFFFE70] =	vst v25  }
0x2e7: {  	[tilespmem:s8+$0x170] =	vst v26  }
0x2e8: {  	s29 =	sadd.s32 $0x400, s1;
	[tilespmem:s8+$0xFFFFFE70] =	vst v27  }
0x2e9: {  	[tilespmem:s29+$0xFFFFFE80] =	vst v18  }
0x2ea: {  	[tilespmem:s29+$0xFFFFFF00] =	vst v21  }
0x2eb: {  	[tilespmem:s29+$0xFFFFFF80] =	vst v22  }
0x2ec: {  	v15 =	vadd.s32 s24, v14;
	s22 =	sadd.s32 $0x400, s8;
	v42 =	vld.idx.msk [tilespmem:v29+s19+$0x0], $0xffff;
	[tilespmem:s29+$0xFFFFFE00] =	vst v16  }
0x2ed: {  	v44 =	vld.idx.msk [tilespmem:v29+s20+$0x0], $0xffff;
	v15 =	vadd.s32 v1, v15;
	[tilespmem:s22+$0xFFFFFE80] =	vst v19  }
0x2ee: {  	v45 =	vld.idx.msk [tilespmem:v30+s19+$0x0], $0xffff;
	v47 =	vadd.s32 s9, v14;
	[tilespmem:s22+$0xFFFFFF00] =	vst v20  }
0x2ef: {  	v46 =	vld.idx.msk [tilespmem:v30+s20+$0x0], $0xffff;
	v55 =	vadd.s32 s10, v14;
	v49 =	vadd.s32 v1, v47;
	[tilespmem:s22+$0xFFFFFF80] =	vst v23  }
0x2f0: {  	v48 =	vld.idx.msk [tilespmem:v28+s19+$0x0], $0xffff;
	v57 =	vadd.s32 v1, v55;
	[tilespmem:s29+$0x180] =	vst v31  }
0x2f1: {  	v50 =	vld.idx.msk [tilespmem:v28+s20+$0x0], $0xffff;
	v51 =	vadd.s32 s4, v14;
	[tilespmem:s22+$0x180] =	vst v32  }
0x2f2: {  	v19 =	vadd.s32 v1, v51;
	[tilespmem:s22+$0xFFFFFE00] =	vst v17;
	v41 =	vld.idx.msk [tilespmem:v15+s19+$0x0], $0xffff  }
0x2f3: {  	v59 =	vadd.s32 s14, v14;
	[tilespmem:s29+$0x0] =	vst v42;
	v15 =	vld.idx.msk [tilespmem:v15+s20+$0x0], $0xffff  }
0x2f4: {  	v60 =	vadd.s32 v1, v59;
	[tilespmem:s29+$0x80] =	vst v45;
	v56 =	vld.idx.msk [tilespmem:v49+s19+$0x0], $0xffff  }
0x2f5: {  	v61 =	vadd.s32 s21, v14;
	[tilespmem:s29+$0x100] =	vst v48;
	v25 =	vld.idx.msk [tilespmem:v57+s19+$0x0], $0xffff  }
0x2f6: {  	v16 =	vadd.s32 v1, v61;
	[tilespmem:s22+$0x0] =	vst v44;
	v27 =	vld.idx.msk [tilespmem:v57+s20+$0x0], $0xffff  }
0x2f7: {  	[tilespmem:s22+$0x80] =	vst v46;
	v58 =	vld.idx.msk [tilespmem:v19+s19+$0x0], $0xffff  }
0x2f8: {  	v29 =	vadd.s32 s13, v14;
	[tilespmem:s22+$0x100] =	vst v50;
	v19 =	vld.idx.msk [tilespmem:v19+s20+$0x0], $0xffff  }
0x2f9: {  	v31 =	vadd.s32 v1, v29;
	v32 =	vadd.s32 s0, v14;
	v30 =	vld.idx.msk [tilespmem:v60+s19+$0x0], $0xffff;
	[tilespmem:s29+$0x190] =	vst v41  }
0x2fa: {  	v14 =	vadd.s32 v1, v32;
	v20 =	vld.idx.msk [tilespmem:v60+s20+$0x0], $0xffff;
	[tilespmem:s29+$0xFFFFFF90] =	vst v25  }
0x2fb: {  	v43 =	vadd.s32 s24, v13;
	v33 =	vld.idx.msk [tilespmem:v16+s19+$0x0], $0xffff;
	[tilespmem:s22+$0x190] =	vst v15  }
0x2fc: {  	v21 =	vadd.s32 v2, v43;
	v15 =	vld.idx.msk [tilespmem:v49+s20+$0x0], $0xffff;
	[tilespmem:s29+$0xFFFFFE90] =	vst v56  }
0x2fd: {  	v16 =	vld.idx.msk [tilespmem:v16+s20+$0x0], $0xffff;
	[tilespmem:s29+$0xFFFFFF10] =	vst v58  }
0x2fe: {  	v45 =	vadd.s32 s10, v13;
	v38 =	vld.idx.msk [tilespmem:v31+s19+$0x0], $0xffff;
	[tilespmem:s22+$0xFFFFFF90] =	vst v27  }
0x2ff: {  	v46 =	vadd.s32 v2, v45;
	v42 =	vld.idx.msk [tilespmem:v14+s19+$0x0], $0xffff;
	[tilespmem:s29+$0x10] =	vst v30  }
0x300: {  	v47 =	vadd.s32 s14, v13;
	v14 =	vld.idx.msk [tilespmem:v14+s20+$0x0], $0xffff;
	[tilespmem:s29+$0x90] =	vst v33  }
0x301: {  	v18 =	vadd.s32 v2, v47;
	v52 =	vld.idx.msk [tilespmem:v21+s19+$0x0], $0xffff;
	[tilespmem:s22+$0xFFFFFF10] =	vst v19  }
0x302: {  	v41 =	vadd.s32 s4, v13;
	v53 =	vld.idx.msk [tilespmem:v21+s20+$0x0], $0xffff;
	[tilespmem:s22+$0x10] =	vst v20  }
0x303: {  	v34 =	vadd.s32 s9, v13;
	v43 =	vadd.s32 v2, v41;
	v19 =	vld.idx.msk [tilespmem:v31+s20+$0x0], $0xffff;
	[tilespmem:s22+$0x90] =	vst v16  }
0x304: {  	v36 =	vadd.s32 v2, v34;
	[tilespmem:s29+$0x110] =	vst v38;
	v55 =	vld.idx.msk [tilespmem:v46+s19+$0x0], $0xffff  }
0x305: {  	v54 =	vadd.s32 s24, v12;
	v17 =	vld.idx.msk [tilespmem:v46+s20+$0x0], $0xffff;
	[tilespmem:s29+$0xFFFFFE10] =	vst v42  }
0x306: {  	v60 =	vadd.s32 s0, v13;
	v58 =	vadd.s32 s13, v13;
	v57 =	vld.idx.msk [tilespmem:v18+s19+$0x0], $0xffff;
	[tilespmem:s22+$0xFFFFFE10] =	vst v14  }
0x307: {  	v21 =	vadd.s32 v3, v54;
	v54 =	vadd.s32 s21, v13;
	v13 =	vadd.s32 v2, v60;
	v18 =	vld.idx.msk [tilespmem:v18+s20+$0x0], $0xffff;
	[tilespmem:s22+$0xFFFFFE90] =	vst v15  }
0x308: {  	v50 =	vld.idx.msk [tilespmem:v43+s19+$0x0], $0xffff;
	[tilespmem:s29+$0x1A0] =	vst v52  }
0x309: {  	v44 =	vld.idx.msk [tilespmem:v36+s19+$0x0], $0xffff;
	[tilespmem:s22+$0x110] =	vst v19  }
0x30a: {  	v15 =	vld.idx.msk [tilespmem:v36+s20+$0x0], $0xffff;
	[tilespmem:s29+$0xFFFFFFA0] =	vst v55  }
0x30b: {  	v59 =	vadd.s32 v2, v58;
	v52 =	vld.idx.msk [tilespmem:v43+s20+$0x0], $0xffff;
	[tilespmem:s22+$0x1A0] =	vst v53  }
0x30c: {  	v30 =	vadd.s32 s4, v12;
	v56 =	vadd.s32 v2, v54;
	v29 =	vld.idx.msk [tilespmem:v13+s19+$0x0], $0xffff;
	[tilespmem:s22+$0xFFFFFFA0] =	vst v17  }
0x30d: {  	v31 =	vadd.s32 v3, v30;
	v13 =	vld.idx.msk [tilespmem:v13+s20+$0x0], $0xffff;
	[tilespmem:s29+$0x20] =	vst v57  }
0x30e: {  	v62 =	vld.idx.msk [tilespmem:v21+s19+$0x0], $0xffff;
	[tilespmem:s29+$0xFFFFFF20] =	vst v50  }
0x30f: {  	v63 =	vld.idx.msk [tilespmem:v21+s20+$0x0], $0xffff;
	[tilespmem:s29+$0xFFFFFEA0] =	vst v44  }
0x310: {  	v26 =	vadd.s32 s24, v11;
	v27 =	vld.idx.msk [tilespmem:v59+s19+$0x0], $0xffff;
	[tilespmem:s22+$0xFFFFFF20] =	vst v52  }
0x311: {  	v39 =	vadd.s32 s24, v10;
	v28 =	vadd.s32 v4, v26;
	[tilespmem:s22+$0xFFFFFEA0] =	vst v15;
	v15 =	vld.idx.msk [tilespmem:v56+s20+$0x0], $0xffff  }
0x312: {  	v40 =	vadd.s32 v5, v39;
	v32 =	vadd.s32 s10, v12;
	[tilespmem:s22+$0x20] =	vst v18;
	v39 =	vld.idx.msk [tilespmem:v31+s19+$0x0], $0xffff  }
0x313: {  	v34 =	vadd.s32 v3, v32;
	v54 =	vadd.s32 s4, v11;
	v41 =	vld.idx.msk [tilespmem:v31+s20+$0x0], $0xffff;
	[tilespmem:s29+$0x1B0] =	vst v62  }
0x314: {  	[tilespmem:s22+$0x1B0] =	vst v63;
	v63 =	vld.idx.msk [tilespmem:v56+s19+$0x0], $0xffff;
	v56 =	vadd.s32 v4, v54  }
0x315: {  	v19 =	vld.idx.msk [tilespmem:v59+s20+$0x0], $0xffff;
	[tilespmem:s29+$0xFFFFFE20] =	vst v29  }
0x316: {  	v26 =	vadd.s32 s9, v12;
	[tilespmem:s29+$0x120] =	vst v27;
	v35 =	vld.idx.msk [tilespmem:v28+s19+$0x0], $0xffff  }
0x317: {  	v37 =	vld.idx.msk [tilespmem:v28+s20+$0x0], $0xffff;
	v28 =	vadd.s32 v3, v26;
	[tilespmem:s29+$0xFFFFFF30] =	vst v39  }
0x318: {  	v24 =	vadd.s32 s24, v8;
	v43 =	vld.idx.msk [tilespmem:v34+s19+$0x0], $0xffff;
	[tilespmem:s22+$0xFFFFFF30] =	vst v41  }
0x319: {  	v25 =	vadd.s32 v7, v24;
	[tilespmem:s22+$0xFFFFFE20] =	vst v13;
	v24 =	vld.idx.msk [tilespmem:v56+s19+$0x0], $0xffff  }
0x31a: {  	[tilespmem:s29+$0xA0] =	vst v63;
	v26 =	vld.idx.msk [tilespmem:v56+s20+$0x0], $0xffff  }
0x31b: {  	v58 =	vadd.s32 s10, v11;
	[tilespmem:s22+$0xA0] =	vst v15;
	v15 =	vld.idx.msk [tilespmem:v34+s20+$0x0], $0xffff  }
0x31c: {  	v59 =	vadd.s32 v4, v58;
	[tilespmem:s29+$0x1C0] =	vst v35;
	v36 =	vld.idx.msk [tilespmem:v28+s19+$0x0], $0xffff  }
0x31d: {  	v18 =	vld.idx.msk [tilespmem:v28+s20+$0x0], $0xffff;
	[tilespmem:s22+$0x1C0] =	vst v37;
	v37 =	vadd.s32 s14, v12  }
0x31e: {  	v47 =	vadd.s32 s0, v12;
	[tilespmem:s22+$0x120] =	vst v19;
	v48 =	vld.idx.msk [tilespmem:v40+s19+$0x0], $0xffff;
	v38 =	vadd.s32 v3, v37  }
0x31f: {  	v44 =	vadd.s32 s13, v12;
	[tilespmem:s29+$0xFFFFFFB0] =	vst v43;
	v49 =	vld.idx.msk [tilespmem:v40+s20+$0x0], $0xffff;
	v40 =	vadd.s32 s21, v12;
	v12 =	vadd.s32 v3, v47  }
0x320: {  	[tilespmem:s22+$0xFFFFFFB0] =	vst v15  }
0x321: {  	[tilespmem:s29+$0xFFFFFF40] =	vst v24;
	v28 =	vld.idx.msk [tilespmem:v59+s19+$0x0], $0xffff  }
0x322: {  	v42 =	vadd.s32 v3, v40;
	[tilespmem:s29+$0xFFFFFEB0] =	vst v36;
	v30 =	vld.idx.msk [tilespmem:v59+s20+$0x0], $0xffff  }
0x323: {  	v51 =	vadd.s32 s24, v9;
	[tilespmem:s22+$0xFFFFFF40] =	vst v26;
	v46 =	vld.idx.msk [tilespmem:v38+s19+$0x0], $0xffff  }
0x324: {  	v53 =	vadd.s32 v6, v51;
	[tilespmem:s22+$0xFFFFFEB0] =	vst v18;
	v57 =	vld.idx.msk [tilespmem:v12+s19+$0x0], $0xffff  }
0x325: {  	[tilespmem:s29+$0x1D0] =	vst v48;
	v48 =	vld.idx.msk [tilespmem:v38+s20+$0x0], $0xffff  }
0x326: {  	v45 =	vadd.s32 v3, v44;
	v12 =	vld.idx.msk [tilespmem:v12+s20+$0x0], $0xffff;
	[tilespmem:s22+$0x1D0] =	vst v49  }
0x327: {  	v50 =	vadd.s32 s9, v11;
	v49 =	vld.idx.msk [tilespmem:v42+s19+$0x0], $0xffff;
	[tilespmem:s29+$0xFFFFFFC0] =	vst v28  }
0x328: {  	v52 =	vadd.s32 v4, v50;
	v38 =	vadd.s32 s4, v10;
	v51 =	vld.idx.msk [tilespmem:v42+s20+$0x0], $0xffff;
	[tilespmem:s29+$0x30] =	vst v46  }
0x329: {  	v40 =	vadd.s32 v5, v38;
	v61 =	vld.idx.msk [tilespmem:v53+s19+$0x0], $0xffff;
	[tilespmem:s29+$0xFFFFFE30] =	vst v57  }
0x32a: {  	v43 =	vadd.s32 s10, v10;
	v62 =	vld.idx.msk [tilespmem:v53+s20+$0x0], $0xffff;
	[tilespmem:s22+$0xFFFFFFC0] =	vst v30  }
0x32b: {  	v44 =	vadd.s32 v5, v43;
	v53 =	vld.idx.msk [tilespmem:v45+s19+$0x0], $0xffff;
	[tilespmem:s22+$0x30] =	vst v48  }
0x32c: {  	v55 =	vld.idx.msk [tilespmem:v45+s20+$0x0], $0xffff;
	[tilespmem:s29+$0xB0] =	vst v49  }
0x32d: {  	v60 =	vld.idx.msk [tilespmem:v52+s19+$0x0], $0xffff;
	[tilespmem:s22+$0xFFFFFE30] =	vst v12  }
0x32e: {  	v48 =	vld.idx.msk [tilespmem:v40+s19+$0x0], $0xffff;
	[tilespmem:s29+$0x1E0] =	vst v61  }
0x32f: {  	v29 =	vadd.s32 s13, v11;
	v12 =	vld.idx.msk [tilespmem:v40+s20+$0x0], $0xffff;
	[tilespmem:s22+$0xB0] =	vst v51  }
0x330: {  	v31 =	vadd.s32 v4, v29;
	[tilespmem:s29+$0x130] =	vst v53;
	v51 =	vld.idx.msk [tilespmem:v44+s19+$0x0], $0xffff  }
0x331: {  	v61 =	vadd.s32 s14, v11;
	v53 =	vld.idx.msk [tilespmem:v44+s20+$0x0], $0xffff;
	[tilespmem:s22+$0x1E0] =	vst v62  }
0x332: {  	v62 =	vld.idx.msk [tilespmem:v52+s20+$0x0], $0xffff;
	v63 =	vadd.s32 v4, v61;
	[tilespmem:s22+$0x130] =	vst v55  }
0x333: {  	v32 =	vadd.s32 s0, v11;
	[tilespmem:s29+$0xFFFFFEC0] =	vst v60;
	v33 =	vld.idx.msk [tilespmem:v25+s19+$0x0], $0xffff  }
0x334: {  	v23 =	vadd.s32 s10, v9;
	v35 =	vld.idx.msk [tilespmem:v25+s20+$0x0], $0xffff;
	v25 =	vadd.s32 s21, v11;
	v11 =	vadd.s32 v4, v32;
	[tilespmem:s29+$0xFFFFFF50] =	vst v48  }
0x335: {  	v24 =	vadd.s32 v6, v23;
	v39 =	vld.idx.msk [tilespmem:v31+s19+$0x0], $0xffff;
	[tilespmem:s22+$0xFFFFFF50] =	vst v12  }
0x336: {  	v41 =	vld.idx.msk [tilespmem:v31+s20+$0x0], $0xffff;
	[tilespmem:s29+$0xFFFFFFD0] =	vst v51  }
0x337: {  	v27 =	vadd.s32 v4, v25;
	[tilespmem:s22+$0xFFFFFEC0] =	vst v62;
	v34 =	vld.idx.msk [tilespmem:v63+s20+$0x0], $0xffff  }
0x338: {  	v52 =	vadd.s32 s13, v10;
	[tilespmem:s29+$0x1F0] =	vst v33;
	v33 =	vld.idx.msk [tilespmem:v63+s19+$0x0], $0xffff  }
0x339: {  	v54 =	vadd.s32 v5, v52;
	[tilespmem:s22+$0xFFFFFFD0] =	vst v53;
	v42 =	vld.idx.msk [tilespmem:v11+s19+$0x0], $0xffff  }
0x33a: {  	[tilespmem:s29+$0x140] =	vst v39;
	v31 =	vld.idx.msk [tilespmem:v24+s19+$0x0], $0xffff  }
0x33b: {  	v62 =	vadd.s32 s4, v9;
	v11 =	vld.idx.msk [tilespmem:v11+s20+$0x0], $0xffff;
	[tilespmem:s22+$0x1F0] =	vst v35  }
0x33c: {  	v21 =	vadd.s32 v6, v62;
	v36 =	vld.idx.msk [tilespmem:v27+s19+$0x0], $0xffff;
	[tilespmem:s22+$0x140] =	vst v41  }
0x33d: {  	v37 =	vld.idx.msk [tilespmem:v27+s20+$0x0], $0xffff;
	[tilespmem:s29+$0x40] =	vst v33  }
0x33e: {  	v35 =	vadd.s32 s9, v10;
	v63 =	vld.idx.msk [tilespmem:v54+s19+$0x0], $0xffff;
	[tilespmem:s29+$0xFFFFFE40] =	vst v42  }
0x33f: {  	v46 =	vadd.s32 s14, v10;
	v14 =	vadd.s32 v5, v35;
	v33 =	vld.idx.msk [tilespmem:v24+s20+$0x0], $0xffff;
	[tilespmem:s29+$0xFFFFFFE0] =	vst v31  }
0x340: {  	v47 =	vadd.s32 v5, v46;
	v55 =	vadd.s32 s0, v10;
	v13 =	vld.idx.msk [tilespmem:v54+s20+$0x0], $0xffff;
	[tilespmem:s22+$0x40] =	vst v34  }
0x341: {  	v49 =	vadd.s32 s21, v10;
	v10 =	vadd.s32 v5, v55;
	v28 =	vld.idx.msk [tilespmem:v21+s19+$0x0], $0xffff;
	[tilespmem:s29+$0xC0] =	vst v36  }
0x342: {  	[tilespmem:s22+$0xFFFFFE40] =	vst v11  }
0x343: {  	v11 =	vld.idx.msk [tilespmem:v21+s20+$0x0], $0xffff;
	[tilespmem:s22+$0xC0] =	vst v37  }
0x344: {  	v50 =	vadd.s32 v5, v49;
	v45 =	vld.idx.msk [tilespmem:v14+s19+$0x0], $0xffff;
	[tilespmem:s29+$0x150] =	vst v63  }
0x345: {  	v56 =	vld.idx.msk [tilespmem:v47+s19+$0x0], $0xffff;
	[tilespmem:s22+$0x150] =	vst v13  }
0x346: {  	v32 =	vadd.s32 s13, v9;
	v22 =	vld.idx.msk [tilespmem:v10+s19+$0x0], $0xffff;
	[tilespmem:s29+$0xFFFFFF60] =	vst v28  }
0x347: {  	v41 =	vadd.s32 s4, v8;
	v34 =	vadd.s32 v6, v32;
	v14 =	vld.idx.msk [tilespmem:v14+s20+$0x0], $0xffff;
	[tilespmem:s22+$0xFFFFFFE0] =	vst v33  }
0x348: {  	v43 =	vadd.s32 v7, v41;
	v57 =	vld.idx.msk [tilespmem:v47+s20+$0x0], $0xffff;
	[tilespmem:s22+$0xFFFFFF60] =	vst v11  }
0x349: {  	v59 =	vld.idx.msk [tilespmem:v50+s19+$0x0], $0xffff;
	[tilespmem:s29+$0xFFFFFED0] =	vst v45  }
0x34a: {  	v58 =	vadd.s32 s9, v9;
	v10 =	vld.idx.msk [tilespmem:v10+s20+$0x0], $0xffff;
	[tilespmem:s29+$0x50] =	vst v56  }
0x34b: {  	v26 =	vadd.s32 s14, v9;
	v60 =	vadd.s32 v6, v58;
	v61 =	vld.idx.msk [tilespmem:v50+s20+$0x0], $0xffff;
	[tilespmem:s29+$0xFFFFFE50] =	vst v22  }
0x34c: {  	v27 =	vadd.s32 v6, v26;
	v35 =	vadd.s32 s0, v9;
	v42 =	vld.idx.msk [tilespmem:v34+s19+$0x0], $0xffff;
	[tilespmem:s22+$0xFFFFFED0] =	vst v14  }
0x34d: {  	v29 =	vadd.s32 s21, v9;
	v9 =	vadd.s32 v6, v35;
	v50 =	vld.idx.msk [tilespmem:v43+s19+$0x0], $0xffff;
	[tilespmem:s22+$0x50] =	vst v57  }
0x34e: {  	[tilespmem:s29+$0xD0] =	vst v59;
	v14 =	vld.idx.msk [tilespmem:v34+s20+$0x0], $0xffff  }
0x34f: {  	[tilespmem:s22+$0xFFFFFE50] =	vst v10;
	v10 =	vld.idx.msk [tilespmem:v43+s20+$0x0], $0xffff  }
0x350: {  	v30 =	vadd.s32 v6, v29;
	v25 =	vld.idx.msk [tilespmem:v60+s19+$0x0], $0xffff;
	[tilespmem:s22+$0xD0] =	vst v61  }
0x351: {  	v36 =	vld.idx.msk [tilespmem:v27+s19+$0x0], $0xffff;
	[tilespmem:s29+$0x160] =	vst v42  }
0x352: {  	v45 =	vadd.s32 s10, v8;
	v44 =	vld.idx.msk [tilespmem:v9+s19+$0x0], $0xffff;
	[tilespmem:s29+$0xFFFFFF70] =	vst v50  }
0x353: {  	v46 =	vadd.s32 v7, v45;
	v12 =	vld.idx.msk [tilespmem:v60+s20+$0x0], $0xffff;
	[tilespmem:s22+$0x160] =	vst v14  }
0x354: {  	v54 =	vadd.s32 s13, v8;
	v37 =	vld.idx.msk [tilespmem:v27+s20+$0x0], $0xffff;
	[tilespmem:s22+$0xFFFFFF70] =	vst v10  }
0x355: {  	v56 =	vadd.s32 v7, v54;
	v39 =	vld.idx.msk [tilespmem:v30+s19+$0x0], $0xffff;
	[tilespmem:s29+$0xFFFFFEE0] =	vst v25  }
0x356: {  	v38 =	vadd.s32 s9, v8;
	v9 =	vld.idx.msk [tilespmem:v9+s20+$0x0], $0xffff;
	[tilespmem:s29+$0x60] =	vst v36  }
0x357: {  	v40 =	vadd.s32 v7, v38;
	v48 =	vadd.s32 s14, v8;
	v13 =	vld.idx.msk [tilespmem:v30+s20+$0x0], $0xffff;
	[tilespmem:s29+$0xFFFFFE60] =	vst v44  }
0x358: {  	v49 =	vadd.s32 v7, v48;
	v51 =	vadd.s32 s21, v8;
	v8 =	vadd.s32 s0, v8;
	v53 =	vld.idx.msk [tilespmem:v46+s19+$0x0], $0xffff;
	[tilespmem:s22+$0xFFFFFEE0] =	vst v12  }
0x359: {  	v8 =	vadd.s32 v7, v8;
	v55 =	vld.idx.msk [tilespmem:v46+s20+$0x0], $0xffff;
	[tilespmem:s22+$0x60] =	vst v37  }
0x35a: {  	v61 =	vld.idx.msk [tilespmem:v56+s19+$0x0], $0xffff;
	[tilespmem:s29+$0xE0] =	vst v39  }
0x35b: {  	v62 =	vld.idx.msk [tilespmem:v56+s20+$0x0], $0xffff;
	[tilespmem:s22+$0xFFFFFE60] =	vst v9  }
0x35c: {  	v52 =	vadd.s32 v7, v51;
	v47 =	vld.idx.msk [tilespmem:v40+s19+$0x0], $0xffff;
	[tilespmem:s22+$0xE0] =	vst v13  }
0x35d: {  	v57 =	vld.idx.msk [tilespmem:v49+s19+$0x0], $0xffff;
	[tilespmem:s29+$0xFFFFFFF0] =	vst v53  }
0x35e: {  	v63 =	vld.idx.msk [tilespmem:v8+s19+$0x0], $0xffff;
	[tilespmem:s22+$0xFFFFFFF0] =	vst v55  }
0x35f: {  	v11 =	vld.idx.msk [tilespmem:v40+s20+$0x0], $0xffff;
	[tilespmem:s29+$0x170] =	vst v61  }
0x360: {  	v58 =	vld.idx.msk [tilespmem:v49+s20+$0x0], $0xffff;
	[tilespmem:s22+$0x170] =	vst v62  }
0x361: {  	v59 =	vld.idx.msk [tilespmem:v52+s19+$0x0], $0xffff;
	[tilespmem:s29+$0xFFFFFEF0] =	vst v47  }
0x362: {  	v8 =	vld.idx.msk [tilespmem:v8+s20+$0x0], $0xffff;
	[tilespmem:s29+$0x70] =	vst v57  }
0x363: {  	v60 =	vld.idx.msk [tilespmem:v52+s20+$0x0], $0xffff;
	[tilespmem:s29+$0xFFFFFE70] =	vst v63  }
0x364: {  	[tilespmem:s22+$0xFFFFFEF0] =	vst v11  }
0x365: {  	s26 =	sshll.u32 s31, $0x12;
	s30 =	sadd.s32 $0x1, s30;
	[tilespmem:s22+$0x70] =	vst v58  }
0x366: {  	p0 =	sne.s32 s30, $0x32;
	s0 =	sor.u32 s5, s26;
	[tilespmem:s29+$0xF0] =	vst v59  }
.Ltmp2:
0x367: {  	s0 =	sshrl.u32 s0, $0x3;
	[tilespmem:s22+$0xFFFFFE70] =	vst v8;
	(pc) =	sbr.rel @p0 .LBB2_2-.Ltmp2, $4  }
0x368: {  	s31 =	simm.s32 $0x18800;
	s29 =	sadd.s32 s2, s0;
	[tilespmem:s22+$0xF0] =	vst v60  }
0x369: {  	[hbm4b:s29+s11] =	stream.strided.scatter [tilespmem:s31], [sflag:$0x4], $0x2000, s12, s11, $0x38;
	[tilespmem:$0x1E800] =	vst v63  }
0x36a: {  	s0 =	sadd.s32 s3, s0  }
0x36b: {  	[hbm4b:s0+s11] =	stream.strided.scatter [tilespmem:s25], [sflag:$0x4], $0x2000, s12, s11, $0x38;
	[tilespmem:$0x1E800] =	vst v63  }
0x36c: {  	s0 =	simm.s32 $0x3  }
0x36d: {  	_ =	swait.ge [sflag:s0], $0x2000  }
0x36e: {  	[sflag:s0] =	ssyncset.done $0x0  }
0x36f: {  	[sflag:s0] =	ssyncadd.s32 $0xFFFFE000  }
0x370: {  	_ =	swait.ge [sflag:s0], $0x2000  }
0x371: {  	[sflag:s0] =	ssyncset.done $0x0  }
0x372: {  	[sflag:s0] =	ssyncadd.s32 $0xFFFFE000  }
0x373: {  	_ =	swait.ge [sflag:s28], $0x2000  }
0x374: {  	[sflag:s28] =	ssyncset.done $0x0  }
0x375: {  	[sflag:s28] =	ssyncadd.s32 $0xFFFFE000  }
0x376: {  	_ =	swait.ge [sflag:s28], $0x2000  }
0x377: {  	s1 =	rddreg [dreg:$0x7]  }
0x378: {  	s31 =	rddreg [dreg:$0x6];
	s1 =	sadd.s32 $0x1, s1  }
0x379: {  	p0 =	sne.s32 s1, s31  }
.Ltmp3:
0x37a: {  	_ = 	snop;
	(pc) =	sbr.rel @p0 .LBB2_1-.Ltmp3, $3  }
0x37b: {  	_ =	sdelay $0x1  }
0x37c: {  	[sflag:s28] =	ssyncset.done $0x0  }
0x37d: {  	[sflag:s28] =	ssyncadd.s32 $0xFFFFE000  }
0x37e: {  	_ =	sfence.sel $0x180000  }
0x37f: {  	[bflag:$0x0] =	sbarrier.arrive $0xFFFF  }
0x380: {  	_ =	strace $0x90000047  }
0x381: {  	s0 =	stileid.u32;
	[bflag:$0x2] =	sbarrier.arrive $0xFFFF  }
0x382: {  	p0 =	sne.s32 s0, $0x0;
	s0 =	rddreg [dreg:$0x3]  }
0x383: {  	s0 =	sadd.s32 @!p0 $0x100000, s0  }
0x384: {  	[sflag:s0] =	ssyncadd.tile.s32 @!p0 $0x1;
	_ =	shalt  }
.Lfunc_end2:
_tile_overlayer_lowered:
.L_overlay_start_2:
0x385: {  	(tag) =	ssettag $0x2  }
0x386: {  	s0 =	rddreg [dreg:$0x0];
	s2 =	stileid.u32  }
0x387: {  	s1 =	rddreg [dreg:$0x1];
	p0 =	sne.s32 s2, $0x0  }
0x388: {  	s3 =	rddreg [dreg:$0x2];
	[bflag:$0x3] =	sbarrier.arrive $0xFFFF;
	s2 =	simm.s32 @!p0 $0x1C05  }
0x389: {  	[timem:s3], [sflag:s2] =	dma.local @!p0 [hbm:s0], s1  }
0x38a: {  	s0 =	simm.s32 @!p0 $0x5  }
0x38b: {  	_ =	swait.ge @!p0 [sflag:s0], s1  }
0x38c: {  	s1 =	ssub.s32 @!p0 $0x0, s1;
	[sflag:s0] =	ssyncset.done @!p0 $0x0  }
0x38d: {  	[sflag:s0] =	ssyncadd.s32 @!p0 s1  }
0x38e: {  	[bflag:$0x3] =	sbarrier.arrive $0xFFFF  }
0x38f: {  	_ =	shalt  }

</sc_bundles>
